<compile_context>
chip_gen: v7x
topology: tpu7x:2x2x1
jax: 0.10.2.dev20260603
libtpu: 0.0.44.dev20260713+nightly
codegen_flags: <defaults>
</compile_context>

<pallas_src>
import functools

import jax
import jax.numpy as jnp
from jax import lax
from jax.experimental import pallas as pl
from jax.experimental.pallas import tpu as pltpu
from jax.experimental.pallas import tpu_sc as plsc

_NUM_FIELDS = 26
_VOCAB = 100000
_DIM = 64
_BATCH = 16384
_NROWS = _NUM_FIELDS * _DIM
_L = 16

_INFO = plsc.get_sparse_core_info()
_NC = _INFO.num_cores
_NS = _INFO.num_subcores
_NW = _NC * _NS

_RPW = _NROWS // _NW
_HB = _BATCH // 2
_QB = 4096

_MESH = plsc.VectorSubcoreMesh(core_axis_name="c", subcore_axis_name="s")


@functools.partial(
    pl.kernel,
    mesh=_MESH,
    out_type=jax.ShapeDtypeStruct((_NROWS, _BATCH), jnp.float32),
    scratch_types=[
        pltpu.VMEM((_VOCAB,), jnp.float32),
        pltpu.VMEM((_HB,), jnp.int32),
        pltpu.VMEM((_HB,), jnp.int32),
        pltpu.VMEM((_QB,), jnp.float32),
        pltpu.VMEM((_QB,), jnp.float32),
        pltpu.SemaphoreType.DMA,
        pltpu.SemaphoreType.DMA,
    ],
    compiler_params=pltpu.CompilerParams(
        use_tc_tiling_on_sc=True, needs_layout_passes=False
    ),
)
def _embed(
    tabt_hbm, idx2_hbm, out_hbm, row_v, idxa_v, idxb_v, col0_v, col1_v, s0, s1
):
    wid = lax.axis_index("s") * _NC + lax.axis_index("c")
    fd0 = pl.multiple_of(wid * _RPW, _RPW)
    bufs = (col0_v, col1_v)
    sems = (s0, s1)

    def row(i, carry):
        fd = fd0 + i
        f = lax.shift_right_logical(fd, 6)
        d = jnp.bitwise_and(fd, _DIM - 1)

        @pl.when(jnp.logical_or(i == 0, d == 0))
        def _stage_ids():
            pltpu.sync_copy(idx2_hbm.at[f, pl.ds(0, _HB)], idxa_v)
            pltpu.sync_copy(idx2_hbm.at[f, pl.ds(_HB, _HB)], idxb_v)

        pltpu.sync_copy(tabt_hbm.at[f, d], row_v)

        for h in range(2):
            ids = idxa_v if h == 0 else idxb_v
            for qq in range(2):
                cb = bufs[qq]
                sem = sems[qq]
                if h == 1:
                    pltpu.make_async_copy(
                        cb, out_hbm.at[fd, pl.ds(0, _QB)], sem
                    ).wait()
                else:

                    @pl.when(i > 0)
                    def _reclaim():
                        pltpu.make_async_copy(
                            cb, out_hbm.at[fd, pl.ds(0, _QB)], sem
                        ).wait()

                def grp(g, carry2):
                    for u in range(32):
                        off = g * (32 * _L) + u * _L
                        v = plsc.load_gather(
                            row_v, [ids[pl.ds(qq * _QB + off, _L)]]
                        )
                        cb[pl.ds(off, _L)] = v
                    return carry2

                lax.fori_loop(0, _QB // (32 * _L), grp, 0)
                pltpu.async_copy(
                    cb, out_hbm.at[fd, pl.ds(h * _HB + qq * _QB, _QB)], sem
                )
        return carry

    lax.fori_loop(0, _RPW, row, 0)
    for qq in range(2):
        pltpu.make_async_copy(
            bufs[qq], out_hbm.at[0, pl.ds(0, _QB)], sems[qq]
        ).wait()


def kernel(x_n_cat, tables):
    tabt = tables.transpose(0, 2, 1)
    idx2 = x_n_cat.T
    out2 = _embed(tabt, idx2)
    return out2.T

# --- scband reference (transcript-rebuilt; emitter-appended) ---
"""Pipeline reference for scband-multi-embedding-37486474559630 (READ-ONLY COPY).

The authoritative reference and input builder live on the scoring server;
editing this copy changes nothing except your own understanding.
"""

import jax, jax.numpy as jnp
import numpy as np

NUM_FIELDS = 26
VOCAB = 100000
DIM = 64
BATCH = 16384


def setup_inputs(seed: int = 0) -> dict:
    key = jax.random.key(seed)
    k_idx, k_tab = jax.random.split(key)
    x_n_cat = jax.random.randint(k_idx, (BATCH, NUM_FIELDS), 0, VOCAB, dtype=jnp.int32)
    # 26 embedding tables, each [VOCAB, DIM], stacked into one tensor [NUM_FIELDS, VOCAB, DIM]
    tables = jax.random.normal(k_tab, (NUM_FIELDS, VOCAB, DIM), dtype=jnp.float32) * 0.02
    return {"x_n_cat": x_n_cat, "tables": tables}


def reference(x_n_cat, tables):
    # MultiEmbedding.forward for 2D input: per-field embedding lookup, concat along feature dim
    embs = [jnp.take(tables[i], x_n_cat[:, i], axis=0) for i in range(NUM_FIELDS)]
    return jnp.concatenate(embs, axis=1)  # [BATCH, NUM_FIELDS * DIM]

if __name__ == "__main__":
    import jax
    _d = setup_inputs()
    print(jax.jit(kernel)(*tuple(_d.values())))

</pallas_src>

<mosaic_0001>
#map = affine_map<(d0, d1) -> (0, 0, 0)>
#map1 = affine_map<(d0, d1) -> (0, 0)>
module attributes {stable_mosaic.version = 14 : i64} {
  func.func @_embed(%arg0: i32, %arg1: i32, %arg2: memref<26x64x100000xf32, #tpu.memory_space<hbm>>, %arg3: memref<26x16384xi32, #tpu.memory_space<hbm>>, %arg4: memref<1664x16384xf32, #tpu.memory_space<hbm>>, %arg5: memref<100000xf32, #tpu.memory_space<vmem>>, %arg6: memref<8192xi32, #tpu.memory_space<vmem>>, %arg7: memref<8192xi32, #tpu.memory_space<vmem>>, %arg8: memref<4096xf32, #tpu.memory_space<vmem>>, %arg9: memref<4096xf32, #tpu.memory_space<vmem>>, %arg10: memref<!tpu.dma_semaphore, #tpu.memory_space<semaphore_mem>>, %arg11: memref<!tpu.dma_semaphore, #tpu.memory_space<semaphore_mem>>) attributes {dimension_semantics = [#tpu.dimension_semantics<core_parallel>, #tpu.dimension_semantics<subcore_parallel>], iteration_bounds = array<i64: 2, 16>, scalar_prefetch = 0 : i64, scratch_operands = 7 : i64, tpu.core_type = #tpu.core_type<sc_vector_subcore>, window_params = [{transform_indices = #map}, {transform_indices = #map1}, {transform_indices = #map1}]} {
    %mul3A = arith.constant 2 : i32
    %mul3A_0 = arith.muli %arg1, %mul3A : i32
    %add3A = arith.addi %mul3A_0, %arg0 : i32
    %mul3A_1 = arith.constant 52 : i32
    %mul3A_2 = arith.muli %add3A, %mul3A_1 : i32
    %multiple_of3A = tpu.assume_multiple %mul3A_2, 52 : i32
    %scan3A = arith.constant 0 : i32
    %scan3A_3 = arith.constant 0 : i32
    %scan3A_4 = arith.constant 52 : i32
    %scan3A_5 = arith.addi %scan3A_3, %scan3A_4 : i32
    %scan3A_6 = arith.constant 1 : i32
    scf.for %scan3A_21 = %scan3A_3 to %scan3A_5 step %scan3A_6  : i32 {
      %add3A_22 = arith.addi %multiple_of3A, %scan3A_21 : i32
      %shift_right_logical3A = arith.constant 6 : i32
      %shift_right_logical3A_23 = arith.shrui %add3A_22, %shift_right_logical3A : i32
      %and3A = arith.constant 63 : i32
      %and3A_24 = arith.andi %add3A_22, %and3A : i32
      %eq3A = arith.constant 0 : i32
      %eq3A_25 = arith.cmpi eq, %scan3A_21, %eq3A : i32
      %eq3A_26 = arith.constant 0 : i32
      %eq3A_27 = arith.cmpi eq, %and3A_24, %eq3A_26 : i32
      %or3A = arith.ori %eq3A_25, %eq3A_27 : i1
      %convert_element_type3A = arith.extui %or3A : i1 to i32
      %cond3A = arith.constant 0 : i32
      %cond3A_28 = arith.cmpi ne, %convert_element_type3A, %cond3A : i32
      scf.if %cond3A_28 {
        "tpu.region"() ({
          %run_scoped3A = tpu.sem_alloc : memref<!tpu.dma_semaphore, #tpu.memory_space<semaphore_mem>>
          %dma_start3A_97 = arith.constant 0 : i32
          %dma_start3A_98 = tpu.memref_slice %arg3[%shift_right_logical3A_23, %dma_start3A_97] : memref<26x16384xi32, #tpu.memory_space<hbm>> -> memref<1x8192xi32, #tpu.memory_space<hbm>>
          %dma_start3A_99 = tpu.memref_squeeze %dma_start3A_98 : memref<1x8192xi32, #tpu.memory_space<hbm>> -> memref<8192xi32, #tpu.memory_space<hbm>>
          %dma_start3A_100 = arith.constant 0 : i32
          %dma_start3A_101 = tpu.memref_slice %arg3[%shift_right_logical3A_23, %dma_start3A_100] : memref<26x16384xi32, #tpu.memory_space<hbm>> -> memref<1x8192xi32, #tpu.memory_space<hbm>>
          %dma_start3A_102 = tpu.memref_squeeze %dma_start3A_101 : memref<1x8192xi32, #tpu.memory_space<hbm>> -> memref<8192xi32, #tpu.memory_space<hbm>>
          tpu.enqueue_dma source(%dma_start3A_102 : memref<8192xi32, #tpu.memory_space<hbm>>) target(%arg6 : memref<8192xi32, #tpu.memory_space<vmem>>) target_semaphore(%run_scoped3A : memref<!tpu.dma_semaphore, #tpu.memory_space<semaphore_mem>>)
          %dma_wait3A_103 = arith.constant 0 : i32
          %dma_wait3A_104 = tpu.memref_slice %arg3[%shift_right_logical3A_23, %dma_wait3A_103] : memref<26x16384xi32, #tpu.memory_space<hbm>> -> memref<1x8192xi32, #tpu.memory_space<hbm>>
          %dma_wait3A_105 = tpu.memref_squeeze %dma_wait3A_104 : memref<1x8192xi32, #tpu.memory_space<hbm>> -> memref<8192xi32, #tpu.memory_space<hbm>>
          %dma_wait3A_106 = arith.constant 0 : i32
          %dma_wait3A_107 = tpu.memref_slice %arg3[%shift_right_logical3A_23, %dma_wait3A_106] : memref<26x16384xi32, #tpu.memory_space<hbm>> -> memref<1x8192xi32, #tpu.memory_space<hbm>>
          %dma_wait3A_108 = tpu.memref_squeeze %dma_wait3A_107 : memref<1x8192xi32, #tpu.memory_space<hbm>> -> memref<8192xi32, #tpu.memory_space<hbm>>
          tpu.wait_dma2 semaphore(%run_scoped3A : memref<!tpu.dma_semaphore, #tpu.memory_space<semaphore_mem>>) src(%dma_wait3A_108 : memref<8192xi32, #tpu.memory_space<hbm>>) dst(%arg6 : memref<8192xi32, #tpu.memory_space<vmem>>)
          tpu.yield
        }) : () -> ()
        "tpu.region"() ({
          %run_scoped3A = tpu.sem_alloc : memref<!tpu.dma_semaphore, #tpu.memory_space<semaphore_mem>>
          %dma_start3A_97 = arith.constant 8192 : i32
          %dma_start3A_98 = tpu.memref_slice %arg3[%shift_right_logical3A_23, %dma_start3A_97] : memref<26x16384xi32, #tpu.memory_space<hbm>> -> memref<1x8192xi32, #tpu.memory_space<hbm>>
          %dma_start3A_99 = tpu.memref_squeeze %dma_start3A_98 : memref<1x8192xi32, #tpu.memory_space<hbm>> -> memref<8192xi32, #tpu.memory_space<hbm>>
          %dma_start3A_100 = arith.constant 8192 : i32
          %dma_start3A_101 = tpu.memref_slice %arg3[%shift_right_logical3A_23, %dma_start3A_100] : memref<26x16384xi32, #tpu.memory_space<hbm>> -> memref<1x8192xi32, #tpu.memory_space<hbm>>
          %dma_start3A_102 = tpu.memref_squeeze %dma_start3A_101 : memref<1x8192xi32, #tpu.memory_space<hbm>> -> memref<8192xi32, #tpu.memory_space<hbm>>
          tpu.enqueue_dma source(%dma_start3A_102 : memref<8192xi32, #tpu.memory_space<hbm>>) target(%arg7 : memref<8192xi32, #tpu.memory_space<vmem>>) target_semaphore(%run_scoped3A : memref<!tpu.dma_semaphore, #tpu.memory_space<semaphore_mem>>)
          %dma_wait3A_103 = arith.constant 8192 : i32
          %dma_wait3A_104 = tpu.memref_slice %arg3[%shift_right_logical3A_23, %dma_wait3A_103] : memref<26x16384xi32, #tpu.memory_space<hbm>> -> memref<1x8192xi32, #tpu.memory_space<hbm>>
          %dma_wait3A_105 = tpu.memref_squeeze %dma_wait3A_104 : memref<1x8192xi32, #tpu.memory_space<hbm>> -> memref<8192xi32, #tpu.memory_space<hbm>>
          %dma_wait3A_106 = arith.constant 8192 : i32
          %dma_wait3A_107 = tpu.memref_slice %arg3[%shift_right_logical3A_23, %dma_wait3A_106] : memref<26x16384xi32, #tpu.memory_space<hbm>> -> memref<1x8192xi32, #tpu.memory_space<hbm>>
          %dma_wait3A_108 = tpu.memref_squeeze %dma_wait3A_107 : memref<1x8192xi32, #tpu.memory_space<hbm>> -> memref<8192xi32, #tpu.memory_space<hbm>>
          tpu.wait_dma2 semaphore(%run_scoped3A : memref<!tpu.dma_semaphore, #tpu.memory_space<semaphore_mem>>) src(%dma_wait3A_108 : memref<8192xi32, #tpu.memory_space<hbm>>) dst(%arg7 : memref<8192xi32, #tpu.memory_space<vmem>>)
          tpu.yield
        }) : () -> ()
      } else {
      }
      "tpu.region"() ({
        %run_scoped3A = tpu.sem_alloc : memref<!tpu.dma_semaphore, #tpu.memory_space<semaphore_mem>>
        %dma_start3A_97 = arith.constant 0 : i32
        %dma_start3A_98 = tpu.memref_slice %arg2[%shift_right_logical3A_23, %and3A_24, %dma_start3A_97] : memref<26x64x100000xf32, #tpu.memory_space<hbm>> -> memref<1x1x100000xf32, #tpu.memory_space<hbm>>
        %dma_start3A_99 = tpu.memref_squeeze %dma_start3A_98 : memref<1x1x100000xf32, #tpu.memory_space<hbm>> -> memref<100000xf32, #tpu.memory_space<hbm>>
        %dma_start3A_100 = arith.constant 0 : i32
        %dma_start3A_101 = tpu.memref_slice %arg2[%shift_right_logical3A_23, %and3A_24, %dma_start3A_100] : memref<26x64x100000xf32, #tpu.memory_space<hbm>> -> memref<1x1x100000xf32, #tpu.memory_space<hbm>>
        %dma_start3A_102 = tpu.memref_squeeze %dma_start3A_101 : memref<1x1x100000xf32, #tpu.memory_space<hbm>> -> memref<100000xf32, #tpu.memory_space<hbm>>
        tpu.enqueue_dma source(%dma_start3A_102 : memref<100000xf32, #tpu.memory_space<hbm>>) target(%arg5 : memref<100000xf32, #tpu.memory_space<vmem>>) target_semaphore(%run_scoped3A : memref<!tpu.dma_semaphore, #tpu.memory_space<semaphore_mem>>)
        %dma_wait3A_103 = arith.constant 0 : i32
        %dma_wait3A_104 = tpu.memref_slice %arg2[%shift_right_logical3A_23, %and3A_24, %dma_wait3A_103] : memref<26x64x100000xf32, #tpu.memory_space<hbm>> -> memref<1x1x100000xf32, #tpu.memory_space<hbm>>
        %dma_wait3A_105 = tpu.memref_squeeze %dma_wait3A_104 : memref<1x1x100000xf32, #tpu.memory_space<hbm>> -> memref<100000xf32, #tpu.memory_space<hbm>>
        %dma_wait3A_106 = arith.constant 0 : i32
        %dma_wait3A_107 = tpu.memref_slice %arg2[%shift_right_logical3A_23, %and3A_24, %dma_wait3A_106] : memref<26x64x100000xf32, #tpu.memory_space<hbm>> -> memref<1x1x100000xf32, #tpu.memory_space<hbm>>
        %dma_wait3A_108 = tpu.memref_squeeze %dma_wait3A_107 : memref<1x1x100000xf32, #tpu.memory_space<hbm>> -> memref<100000xf32, #tpu.memory_space<hbm>>
        tpu.wait_dma2 semaphore(%run_scoped3A : memref<!tpu.dma_semaphore, #tpu.memory_space<semaphore_mem>>) src(%dma_wait3A_108 : memref<100000xf32, #tpu.memory_space<hbm>>) dst(%arg5 : memref<100000xf32, #tpu.memory_space<vmem>>)
        tpu.yield
      }) : () -> ()
      %gt3A = arith.constant 0 : i32
      %gt3A_29 = arith.cmpi sgt, %scan3A_21, %gt3A : i32
      %convert_element_type3A_30 = arith.extui %gt3A_29 : i1 to i32
      %cond3A_31 = arith.constant 0 : i32
      %cond3A_32 = arith.cmpi ne, %convert_element_type3A_30, %cond3A_31 : i32
      scf.if %cond3A_32 {
        %dma_wait3A_97 = arith.constant 0 : i32
        %dma_wait3A_98 = tpu.memref_slice %arg4[%add3A_22, %dma_wait3A_97] : memref<1664x16384xf32, #tpu.memory_space<hbm>> -> memref<1x4096xf32, #tpu.memory_space<hbm>>
        %dma_wait3A_99 = tpu.memref_squeeze %dma_wait3A_98 : memref<1x4096xf32, #tpu.memory_space<hbm>> -> memref<4096xf32, #tpu.memory_space<hbm>>
        %dma_wait3A_100 = arith.constant 0 : i32
        %dma_wait3A_101 = tpu.memref_slice %arg4[%add3A_22, %dma_wait3A_100] : memref<1664x16384xf32, #tpu.memory_space<hbm>> -> memref<1x4096xf32, #tpu.memory_space<hbm>>
        %dma_wait3A_102 = tpu.memref_squeeze %dma_wait3A_101 : memref<1x4096xf32, #tpu.memory_space<hbm>> -> memref<4096xf32, #tpu.memory_space<hbm>>
        tpu.wait_dma2 semaphore(%arg10 : memref<!tpu.dma_semaphore, #tpu.memory_space<semaphore_mem>>) src(%arg8 : memref<4096xf32, #tpu.memory_space<vmem>>) dst(%dma_wait3A_102 : memref<4096xf32, #tpu.memory_space<hbm>>)
      } else {
      }
      %scan3A_33 = arith.constant 0 : i32
      %scan3A_34 = arith.constant 0 : i32
      %scan3A_35 = arith.constant 8 : i32
      %scan3A_36 = arith.addi %scan3A_34, %scan3A_35 : i32
      %scan3A_37 = arith.constant 1 : i32
      scf.for %scan3A_97 = %scan3A_34 to %scan3A_36 step %scan3A_37  : i32 {
        %mul3A_98 = arith.constant 512 : i32
        %mul3A_99 = arith.muli %scan3A_97, %mul3A_98 : i32
        %add3A_100 = arith.constant 0 : i32
        %add3A_101 = arith.addi %mul3A_99, %add3A_100 : i32
        %add3A_102 = arith.constant 0 : i32
        %add3A_103 = arith.addi %add3A_102, %add3A_101 : i32
        %get3A = arith.index_cast %add3A_103 : i32 to index
        %get3A_104 = tpu.vector_load %arg6[%get3A] {strides = array<i32>} : memref<8192xi32, #tpu.memory_space<vmem>>, vector<16xi32>,
        %gather3A = tpu.vector_load_idx %arg5[%get3A_104] : memref<100000xf32, #tpu.memory_space<vmem>>[vector<16xi32>], vector<16xf32>,
        %swap3A = arith.index_cast %add3A_101 : i32 to index
        %swap3A_105 = tpu.vector_load %arg8[%swap3A] {strides = array<i32>} : memref<4096xf32, #tpu.memory_space<vmem>>, vector<16xf32>,
        tpu.vector_store %arg8[%swap3A], %gather3A {strides = array<i32>} : memref<4096xf32, #tpu.memory_space<vmem>>, vector<16xf32>,
        %mul3A_106 = arith.constant 512 : i32
        %mul3A_107 = arith.muli %scan3A_97, %mul3A_106 : i32
        %add3A_108 = arith.constant 16 : i32
        %add3A_109 = arith.addi %mul3A_107, %add3A_108 : i32
        %add3A_110 = arith.constant 0 : i32
        %add3A_111 = arith.addi %add3A_110, %add3A_109 : i32
        %get3A_112 = arith.index_cast %add3A_111 : i32 to index
        %get3A_113 = tpu.vector_load %arg6[%get3A_112] {strides = array<i32>} : memref<8192xi32, #tpu.memory_space<vmem>>, vector<16xi32>,
        %gather3A_114 = tpu.vector_load_idx %arg5[%get3A_113] : memref<100000xf32, #tpu.memory_space<vmem>>[vector<16xi32>], vector<16xf32>,
        %swap3A_115 = arith.index_cast %add3A_109 : i32 to index
        %swap3A_116 = tpu.vector_load %arg8[%swap3A_115] {strides = array<i32>} : memref<4096xf32, #tpu.memory_space<vmem>>, vector<16xf32>,
        tpu.vector_store %arg8[%swap3A_115], %gather3A_114 {strides = array<i32>} : memref<4096xf32, #tpu.memory_space<vmem>>, vector<16xf32>,
        %mul3A_117 = arith.constant 512 : i32
        %mul3A_118 = arith.muli %scan3A_97, %mul3A_117 : i32
        %add3A_119 = arith.constant 32 : i32
        %add3A_120 = arith.addi %mul3A_118, %add3A_119 : i32
        %add3A_121 = arith.constant 0 : i32
        %add3A_122 = arith.addi %add3A_121, %add3A_120 : i32
        %get3A_123 = arith.index_cast %add3A_122 : i32 to index
        %get3A_124 = tpu.vector_load %arg6[%get3A_123] {strides = array<i32>} : memref<8192xi32, #tpu.memory_space<vmem>>, vector<16xi32>,
        %gather3A_125 = tpu.vector_load_idx %arg5[%get3A_124] : memref<100000xf32, #tpu.memory_space<vmem>>[vector<16xi32>], vector<16xf32>,
        %swap3A_126 = arith.index_cast %add3A_120 : i32 to index
        %swap3A_127 = tpu.vector_load %arg8[%swap3A_126] {strides = array<i32>} : memref<4096xf32, #tpu.memory_space<vmem>>, vector<16xf32>,
        tpu.vector_store %arg8[%swap3A_126], %gather3A_125 {strides = array<i32>} : memref<4096xf32, #tpu.memory_space<vmem>>, vector<16xf32>,
        %mul3A_128 = arith.constant 512 : i32
        %mul3A_129 = arith.muli %scan3A_97, %mul3A_128 : i32
        %add3A_130 = arith.constant 48 : i32
        %add3A_131 = arith.addi %mul3A_129, %add3A_130 : i32
        %add3A_132 = arith.constant 0 : i32
        %add3A_133 = arith.addi %add3A_132, %add3A_131 : i32
        %get3A_134 = arith.index_cast %add3A_133 : i32 to index
        %get3A_135 = tpu.vector_load %arg6[%get3A_134] {strides = array<i32>} : memref<8192xi32, #tpu.memory_space<vmem>>, vector<16xi32>,
        %gather3A_136 = tpu.vector_load_idx %arg5[%get3A_135] : memref<100000xf32, #tpu.memory_space<vmem>>[vector<16xi32>], vector<16xf32>,
        %swap3A_137 = arith.index_cast %add3A_131 : i32 to index
        %swap3A_138 = tpu.vector_load %arg8[%swap3A_137] {strides = array<i32>} : memref<4096xf32, #tpu.memory_space<vmem>>, vector<16xf32>,
        tpu.vector_store %arg8[%swap3A_137], %gather3A_136 {strides = array<i32>} : memref<4096xf32, #tpu.memory_space<vmem>>, vector<16xf32>,
        %mul3A_139 = arith.constant 512 : i32
        %mul3A_140 = arith.muli %scan3A_97, %mul3A_139 : i32
        %add3A_141 = arith.constant 64 : i32
        %add3A_142 = arith.addi %mul3A_140, %add3A_141 : i32
        %add3A_143 = arith.constant 0 : i32
        %add3A_144 = arith.addi %add3A_143, %add3A_142 : i32
        %get3A_145 = arith.index_cast %add3A_144 : i32 to index
        %get3A_146 = tpu.vector_load %arg6[%get3A_145] {strides = array<i32>} : memref<8192xi32, #tpu.memory_space<vmem>>, vector<16xi32>,
        %gather3A_147 = tpu.vector_load_idx %arg5[%get3A_146] : memref<100000xf32, #tpu.memory_space<vmem>>[vector<16xi32>], vector<16xf32>,
        %swap3A_148 = arith.index_cast %add3A_142 : i32 to index
        %swap3A_149 = tpu.vector_load %arg8[%swap3A_148] {strides = array<i32>} : memref<4096xf32, #tpu.memory_space<vmem>>, vector<16xf32>,
        tpu.vector_store %arg8[%swap3A_148], %gather3A_147 {strides = array<i32>} : memref<4096xf32, #tpu.memory_space<vmem>>, vector<16xf32>,
        %mul3A_150 = arith.constant 512 : i32
        %mul3A_151 = arith.muli %scan3A_97, %mul3A_150 : i32
        %add3A_152 = arith.constant 80 : i32
        %add3A_153 = arith.addi %mul3A_151, %add3A_152 : i32
        %add3A_154 = arith.constant 0 : i32
        %add3A_155 = arith.addi %add3A_154, %add3A_153 : i32
        %get3A_156 = arith.index_cast %add3A_155 : i32 to index
        %get3A_157 = tpu.vector_load %arg6[%get3A_156] {strides = array<i32>} : memref<8192xi32, #tpu.memory_space<vmem>>, vector<16xi32>,
        %gather3A_158 = tpu.vector_load_idx %arg5[%get3A_157] : memref<100000xf32, #tpu.memory_space<vmem>>[vector<16xi32>], vector<16xf32>,
        %swap3A_159 = arith.index_cast %add3A_153 : i32 to index
        %swap3A_160 = tpu.vector_load %arg8[%swap3A_159] {strides = array<i32>} : memref<4096xf32, #tpu.memory_space<vmem>>, vector<16xf32>,
        tpu.vector_store %arg8[%swap3A_159], %gather3A_158 {strides = array<i32>} : memref<4096xf32, #tpu.memory_space<vmem>>, vector<16xf32>,
        %mul3A_161 = arith.constant 512 : i32
        %mul3A_162 = arith.muli %scan3A_97, %mul3A_161 : i32
        %add3A_163 = arith.constant 96 : i32
        %add3A_164 = arith.addi %mul3A_162, %add3A_163 : i32
        %add3A_165 = arith.constant 0 : i32
        %add3A_166 = arith.addi %add3A_165, %add3A_164 : i32
        %get3A_167 = arith.index_cast %add3A_166 : i32 to index
        %get3A_168 = tpu.vector_load %arg6[%get3A_167] {strides = array<i32>} : memref<8192xi32, #tpu.memory_space<vmem>>, vector<16xi32>,
        %gather3A_169 = tpu.vector_load_idx %arg5[%get3A_168] : memref<100000xf32, #tpu.memory_space<vmem>>[vector<16xi32>], vector<16xf32>,
        %swap3A_170 = arith.index_cast %add3A_164 : i32 to index
        %swap3A_171 = tpu.vector_load %arg8[%swap3A_170] {strides = array<i32>} : memref<4096xf32, #tpu.memory_space<vmem>>, vector<16xf32>,
        tpu.vector_store %arg8[%swap3A_170], %gather3A_169 {strides = array<i32>} : memref<4096xf32, #tpu.memory_space<vmem>>, vector<16xf32>,
        %mul3A_172 = arith.constant 512 : i32
        %mul3A_173 = arith.muli %scan3A_97, %mul3A_172 : i32
        %add3A_174 = arith.constant 112 : i32
        %add3A_175 = arith.addi %mul3A_173, %add3A_174 : i32
        %add3A_176 = arith.constant 0 : i32
        %add3A_177 = arith.addi %add3A_176, %add3A_175 : i32
        %get3A_178 = arith.index_cast %add3A_177 : i32 to index
        %get3A_179 = tpu.vector_load %arg6[%get3A_178] {strides = array<i32>} : memref<8192xi32, #tpu.memory_space<vmem>>, vector<16xi32>,
        %gather3A_180 = tpu.vector_load_idx %arg5[%get3A_179] : memref<100000xf32, #tpu.memory_space<vmem>>[vector<16xi32>], vector<16xf32>,
        %swap3A_181 = arith.index_cast %add3A_175 : i32 to index
        %swap3A_182 = tpu.vector_load %arg8[%swap3A_181] {strides = array<i32>} : memref<4096xf32, #tpu.memory_space<vmem>>, vector<16xf32>,
        tpu.vector_store %arg8[%swap3A_181], %gather3A_180 {strides = array<i32>} : memref<4096xf32, #tpu.memory_space<vmem>>, vector<16xf32>,
        %mul3A_183 = arith.constant 512 : i32
        %mul3A_184 = arith.muli %scan3A_97, %mul3A_183 : i32
        %add3A_185 = arith.constant 128 : i32
        %add3A_186 = arith.addi %mul3A_184, %add3A_185 : i32
        %add3A_187 = arith.constant 0 : i32
        %add3A_188 = arith.addi %add3A_187, %add3A_186 : i32
        %get3A_189 = arith.index_cast %add3A_188 : i32 to index
        %get3A_190 = tpu.vector_load %arg6[%get3A_189] {strides = array<i32>} : memref<8192xi32, #tpu.memory_space<vmem>>, vector<16xi32>,
        %gather3A_191 = tpu.vector_load_idx %arg5[%get3A_190] : memref<100000xf32, #tpu.memory_space<vmem>>[vector<16xi32>], vector<16xf32>,
        %swap3A_192 = arith.index_cast %add3A_186 : i32 to index
        %swap3A_193 = tpu.vector_load %arg8[%swap3A_192] {strides = array<i32>} : memref<4096xf32, #tpu.memory_space<vmem>>, vector<16xf32>,
        tpu.vector_store %arg8[%swap3A_192], %gather3A_191 {strides = array<i32>} : memref<4096xf32, #tpu.memory_space<vmem>>, vector<16xf32>,
        %mul3A_194 = arith.constant 512 : i32
        %mul3A_195 = arith.muli %scan3A_97, %mul3A_194 : i32
        %add3A_196 = arith.constant 144 : i32
        %add3A_197 = arith.addi %mul3A_195, %add3A_196 : i32
        %add3A_198 = arith.constant 0 : i32
        %add3A_199 = arith.addi %add3A_198, %add3A_197 : i32
        %get3A_200 = arith.index_cast %add3A_199 : i32 to index
        %get3A_201 = tpu.vector_load %arg6[%get3A_200] {strides = array<i32>} : memref<8192xi32, #tpu.memory_space<vmem>>, vector<16xi32>,
        %gather3A_202 = tpu.vector_load_idx %arg5[%get3A_201] : memref<100000xf32, #tpu.memory_space<vmem>>[vector<16xi32>], vector<16xf32>,
        %swap3A_203 = arith.index_cast %add3A_197 : i32 to index
        %swap3A_204 = tpu.vector_load %arg8[%swap3A_203] {strides = array<i32>} : memref<4096xf32, #tpu.memory_space<vmem>>, vector<16xf32>,
        tpu.vector_store %arg8[%swap3A_203], %gather3A_202 {strides = array<i32>} : memref<4096xf32, #tpu.memory_space<vmem>>, vector<16xf32>,
        %mul3A_205 = arith.constant 512 : i32
        %mul3A_206 = arith.muli %scan3A_97, %mul3A_205 : i32
        %add3A_207 = arith.constant 160 : i32
        %add3A_208 = arith.addi %mul3A_206, %add3A_207 : i32
        %add3A_209 = arith.constant 0 : i32
        %add3A_210 = arith.addi %add3A_209, %add3A_208 : i32
        %get3A_211 = arith.index_cast %add3A_210 : i32 to index
        %get3A_212 = tpu.vector_load %arg6[%get3A_211] {strides = array<i32>} : memref<8192xi32, #tpu.memory_space<vmem>>, vector<16xi32>,
        %gather3A_213 = tpu.vector_load_idx %arg5[%get3A_212] : memref<100000xf32, #tpu.memory_space<vmem>>[vector<16xi32>], vector<16xf32>,
        %swap3A_214 = arith.index_cast %add3A_208 : i32 to index
        %swap3A_215 = tpu.vector_load %arg8[%swap3A_214] {strides = array<i32>} : memref<4096xf32, #tpu.memory_space<vmem>>, vector<16xf32>,
        tpu.vector_store %arg8[%swap3A_214], %gather3A_213 {strides = array<i32>} : memref<4096xf32, #tpu.memory_space<vmem>>, vector<16xf32>,
        %mul3A_216 = arith.constant 512 : i32
        %mul3A_217 = arith.muli %scan3A_97, %mul3A_216 : i32
        %add3A_218 = arith.constant 176 : i32
        %add3A_219 = arith.addi %mul3A_217, %add3A_218 : i32
        %add3A_220 = arith.constant 0 : i32
        %add3A_221 = arith.addi %add3A_220, %add3A_219 : i32
        %get3A_222 = arith.index_cast %add3A_221 : i32 to index
        %get3A_223 = tpu.vector_load %arg6[%get3A_222] {strides = array<i32>} : memref<8192xi32, #tpu.memory_space<vmem>>, vector<16xi32>,
        %gather3A_224 = tpu.vector_load_idx %arg5[%get3A_223] : memref<100000xf32, #tpu.memory_space<vmem>>[vector<16xi32>], vector<16xf32>,
        %swap3A_225 = arith.index_cast %add3A_219 : i32 to index
        %swap3A_226 = tpu.vector_load %arg8[%swap3A_225] {strides = array<i32>} : memref<4096xf32, #tpu.memory_space<vmem>>, vector<16xf32>,
        tpu.vector_store %arg8[%swap3A_225], %gather3A_224 {strides = array<i32>} : memref<4096xf32, #tpu.memory_space<vmem>>, vector<16xf32>,
        %mul3A_227 = arith.constant 512 : i32
        %mul3A_228 = arith.muli %scan3A_97, %mul3A_227 : i32
        %add3A_229 = arith.constant 192 : i32
        %add3A_230 = arith.addi %mul3A_228, %add3A_229 : i32
        %add3A_231 = arith.constant 0 : i32
        %add3A_232 = arith.addi %add3A_231, %add3A_230 : i32
        %get3A_233 = arith.index_cast %add3A_232 : i32 to index
        %get3A_234 = tpu.vector_load %arg6[%get3A_233] {strides = array<i32>} : memref<8192xi32, #tpu.memory_space<vmem>>, vector<16xi32>,
        %gather3A_235 = tpu.vector_load_idx %arg5[%get3A_234] : memref<100000xf32, #tpu.memory_space<vmem>>[vector<16xi32>], vector<16xf32>,
        %swap3A_236 = arith.index_cast %add3A_230 : i32 to index
        %swap3A_237 = tpu.vector_load %arg8[%swap3A_236] {strides = array<i32>} : memref<4096xf32, #tpu.memory_space<vmem>>, vector<16xf32>,
        tpu.vector_store %arg8[%swap3A_236], %gather3A_235 {strides = array<i32>} : memref<4096xf32, #tpu.memory_space<vmem>>, vector<16xf32>,
        %mul3A_238 = arith.constant 512 : i32
        %mul3A_239 = arith.muli %scan3A_97, %mul3A_238 : i32
        %add3A_240 = arith.constant 208 : i32
        %add3A_241 = arith.addi %mul3A_239, %add3A_240 : i32
        %add3A_242 = arith.constant 0 : i32
        %add3A_243 = arith.addi %add3A_242, %add3A_241 : i32
        %get3A_244 = arith.index_cast %add3A_243 : i32 to index
        %get3A_245 = tpu.vector_load %arg6[%get3A_244] {strides = array<i32>} : memref<8192xi32, #tpu.memory_space<vmem>>, vector<16xi32>,
        %gather3A_246 = tpu.vector_load_idx %arg5[%get3A_245] : memref<100000xf32, #tpu.memory_space<vmem>>[vector<16xi32>], vector<16xf32>,
        %swap3A_247 = arith.index_cast %add3A_241 : i32 to index
        %swap3A_248 = tpu.vector_load %arg8[%swap3A_247] {strides = array<i32>} : memref<4096xf32, #tpu.memory_space<vmem>>, vector<16xf32>,
        tpu.vector_store %arg8[%swap3A_247], %gather3A_246 {strides = array<i32>} : memref<4096xf32, #tpu.memory_space<vmem>>, vector<16xf32>,
        %mul3A_249 = arith.constant 512 : i32
        %mul3A_250 = arith.muli %scan3A_97, %mul3A_249 : i32
        %add3A_251 = arith.constant 224 : i32
        %add3A_252 = arith.addi %mul3A_250, %add3A_251 : i32
        %add3A_253 = arith.constant 0 : i32
        %add3A_254 = arith.addi %add3A_253, %add3A_252 : i32
        %get3A_255 = arith.index_cast %add3A_254 : i32 to index
        %get3A_256 = tpu.vector_load %arg6[%get3A_255] {strides = array<i32>} : memref<8192xi32, #tpu.memory_space<vmem>>, vector<16xi32>,
        %gather3A_257 = tpu.vector_load_idx %arg5[%get3A_256] : memref<100000xf32, #tpu.memory_space<vmem>>[vector<16xi32>], vector<16xf32>,
        %swap3A_258 = arith.index_cast %add3A_252 : i32 to index
        %swap3A_259 = tpu.vector_load %arg8[%swap3A_258] {strides = array<i32>} : memref<4096xf32, #tpu.memory_space<vmem>>, vector<16xf32>,
        tpu.vector_store %arg8[%swap3A_258], %gather3A_257 {strides = array<i32>} : memref<4096xf32, #tpu.memory_space<vmem>>, vector<16xf32>,
        %mul3A_260 = arith.constant 512 : i32
        %mul3A_261 = arith.muli %scan3A_97, %mul3A_260 : i32
        %add3A_262 = arith.constant 240 : i32
        %add3A_263 = arith.addi %mul3A_261, %add3A_262 : i32
        %add3A_264 = arith.constant 0 : i32
        %add3A_265 = arith.addi %add3A_264, %add3A_263 : i32
        %get3A_266 = arith.index_cast %add3A_265 : i32 to index
        %get3A_267 = tpu.vector_load %arg6[%get3A_266] {strides = array<i32>} : memref<8192xi32, #tpu.memory_space<vmem>>, vector<16xi32>,
        %gather3A_268 = tpu.vector_load_idx %arg5[%get3A_267] : memref<100000xf32, #tpu.memory_space<vmem>>[vector<16xi32>], vector<16xf32>,
        %swap3A_269 = arith.index_cast %add3A_263 : i32 to index
        %swap3A_270 = tpu.vector_load %arg8[%swap3A_269] {strides = array<i32>} : memref<4096xf32, #tpu.memory_space<vmem>>, vector<16xf32>,
        tpu.vector_store %arg8[%swap3A_269], %gather3A_268 {strides = array<i32>} : memref<4096xf32, #tpu.memory_space<vmem>>, vector<16xf32>,
        %mul3A_271 = arith.constant 512 : i32
        %mul3A_272 = arith.muli %scan3A_97, %mul3A_271 : i32
        %add3A_273 = arith.constant 256 : i32
        %add3A_274 = arith.addi %mul3A_272, %add3A_273 : i32
        %add3A_275 = arith.constant 0 : i32
        %add3A_276 = arith.addi %add3A_275, %add3A_274 : i32
        %get3A_277 = arith.index_cast %add3A_276 : i32 to index
        %get3A_278 = tpu.vector_load %arg6[%get3A_277] {strides = array<i32>} : memref<8192xi32, #tpu.memory_space<vmem>>, vector<16xi32>,
        %gather3A_279 = tpu.vector_load_idx %arg5[%get3A_278] : memref<100000xf32, #tpu.memory_space<vmem>>[vector<16xi32>], vector<16xf32>,
        %swap3A_280 = arith.index_cast %add3A_274 : i32 to index
        %swap3A_281 = tpu.vector_load %arg8[%swap3A_280] {strides = array<i32>} : memref<4096xf32, #tpu.memory_space<vmem>>, vector<16xf32>,
        tpu.vector_store %arg8[%swap3A_280], %gather3A_279 {strides = array<i32>} : memref<4096xf32, #tpu.memory_space<vmem>>, vector<16xf32>,
        %mul3A_282 = arith.constant 512 : i32
        %mul3A_283 = arith.muli %scan3A_97, %mul3A_282 : i32
        %add3A_284 = arith.constant 272 : i32
        %add3A_285 = arith.addi %mul3A_283, %add3A_284 : i32
        %add3A_286 = arith.constant 0 : i32
        %add3A_287 = arith.addi %add3A_286, %add3A_285 : i32
        %get3A_288 = arith.index_cast %add3A_287 : i32 to index
        %get3A_289 = tpu.vector_load %arg6[%get3A_288] {strides = array<i32>} : memref<8192xi32, #tpu.memory_space<vmem>>, vector<16xi32>,
        %gather3A_290 = tpu.vector_load_idx %arg5[%get3A_289] : memref<100000xf32, #tpu.memory_space<vmem>>[vector<16xi32>], vector<16xf32>,
        %swap3A_291 = arith.index_cast %add3A_285 : i32 to index
        %swap3A_292 = tpu.vector_load %arg8[%swap3A_291] {strides = array<i32>} : memref<4096xf32, #tpu.memory_space<vmem>>, vector<16xf32>,
        tpu.vector_store %arg8[%swap3A_291], %gather3A_290 {strides = array<i32>} : memref<4096xf32, #tpu.memory_space<vmem>>, vector<16xf32>,
        %mul3A_293 = arith.constant 512 : i32
        %mul3A_294 = arith.muli %scan3A_97, %mul3A_293 : i32
        %add3A_295 = arith.constant 288 : i32
        %add3A_296 = arith.addi %mul3A_294, %add3A_295 : i32
        %add3A_297 = arith.constant 0 : i32
        %add3A_298 = arith.addi %add3A_297, %add3A_296 : i32
        %get3A_299 = arith.index_cast %add3A_298 : i32 to index
        %get3A_300 = tpu.vector_load %arg6[%get3A_299] {strides = array<i32>} : memref<8192xi32, #tpu.memory_space<vmem>>, vector<16xi32>,
        %gather3A_301 = tpu.vector_load_idx %arg5[%get3A_300] : memref<100000xf32, #tpu.memory_space<vmem>>[vector<16xi32>], vector<16xf32>,
        %swap3A_302 = arith.index_cast %add3A_296 : i32 to index
        %swap3A_303 = tpu.vector_load %arg8[%swap3A_302] {strides = array<i32>} : memref<4096xf32, #tpu.memory_space<vmem>>, vector<16xf32>,
        tpu.vector_store %arg8[%swap3A_302], %gather3A_301 {strides = array<i32>} : memref<4096xf32, #tpu.memory_space<vmem>>, vector<16xf32>,
        %mul3A_304 = arith.constant 512 : i32
        %mul3A_305 = arith.muli %scan3A_97, %mul3A_304 : i32
        %add3A_306 = arith.constant 304 : i32
        %add3A_307 = arith.addi %mul3A_305, %add3A_306 : i32
        %add3A_308 = arith.constant 0 : i32
        %add3A_309 = arith.addi %add3A_308, %add3A_307 : i32
        %get3A_310 = arith.index_cast %add3A_309 : i32 to index
        %get3A_311 = tpu.vector_load %arg6[%get3A_310] {strides = array<i32>} : memref<8192xi32, #tpu.memory_space<vmem>>, vector<16xi32>,
        %gather3A_312 = tpu.vector_load_idx %arg5[%get3A_311] : memref<100000xf32, #tpu.memory_space<vmem>>[vector<16xi32>], vector<16xf32>,
        %swap3A_313 = arith.index_cast %add3A_307 : i32 to index
        %swap3A_314 = tpu.vector_load %arg8[%swap3A_313] {strides = array<i32>} : memref<4096xf32, #tpu.memory_space<vmem>>, vector<16xf32>,
        tpu.vector_store %arg8[%swap3A_313], %gather3A_312 {strides = array<i32>} : memref<4096xf32, #tpu.memory_space<vmem>>, vector<16xf32>,
        %mul3A_315 = arith.constant 512 : i32
        %mul3A_316 = arith.muli %scan3A_97, %mul3A_315 : i32
        %add3A_317 = arith.constant 320 : i32
        %add3A_318 = arith.addi %mul3A_316, %add3A_317 : i32
        %add3A_319 = arith.constant 0 : i32
        %add3A_320 = arith.addi %add3A_319, %add3A_318 : i32
        %get3A_321 = arith.index_cast %add3A_320 : i32 to index
        %get3A_322 = tpu.vector_load %arg6[%get3A_321] {strides = array<i32>} : memref<8192xi32, #tpu.memory_space<vmem>>, vector<16xi32>,
        %gather3A_323 = tpu.vector_load_idx %arg5[%get3A_322] : memref<100000xf32, #tpu.memory_space<vmem>>[vector<16xi32>], vector<16xf32>,
        %swap3A_324 = arith.index_cast %add3A_318 : i32 to index
        %swap3A_325 = tpu.vector_load %arg8[%swap3A_324] {strides = array<i32>} : memref<4096xf32, #tpu.memory_space<vmem>>, vector<16xf32>,
        tpu.vector_store %arg8[%swap3A_324], %gather3A_323 {strides = array<i32>} : memref<4096xf32, #tpu.memory_space<vmem>>, vector<16xf32>,
        %mul3A_326 = arith.constant 512 : i32
        %mul3A_327 = arith.muli %scan3A_97, %mul3A_326 : i32
        %add3A_328 = arith.constant 336 : i32
        %add3A_329 = arith.addi %mul3A_327, %add3A_328 : i32
        %add3A_330 = arith.constant 0 : i32
        %add3A_331 = arith.addi %add3A_330, %add3A_329 : i32
        %get3A_332 = arith.index_cast %add3A_331 : i32 to index
        %get3A_333 = tpu.vector_load %arg6[%get3A_332] {strides = array<i32>} : memref<8192xi32, #tpu.memory_space<vmem>>, vector<16xi32>,
        %gather3A_334 = tpu.vector_load_idx %arg5[%get3A_333] : memref<100000xf32, #tpu.memory_space<vmem>>[vector<16xi32>], vector<16xf32>,
        %swap3A_335 = arith.index_cast %add3A_329 : i32 to index
        %swap3A_336 = tpu.vector_load %arg8[%swap3A_335] {strides = array<i32>} : memref<4096xf32, #tpu.memory_space<vmem>>, vector<16xf32>,
        tpu.vector_store %arg8[%swap3A_335], %gather3A_334 {strides = array<i32>} : memref<4096xf32, #tpu.memory_space<vmem>>, vector<16xf32>,
        %mul3A_337 = arith.constant 512 : i32
        %mul3A_338 = arith.muli %scan3A_97, %mul3A_337 : i32
        %add3A_339 = arith.constant 352 : i32
        %add3A_340 = arith.addi %mul3A_338, %add3A_339 : i32
        %add3A_341 = arith.constant 0 : i32
        %add3A_342 = arith.addi %add3A_341, %add3A_340 : i32
        %get3A_343 = arith.index_cast %add3A_342 : i32 to index
        %get3A_344 = tpu.vector_load %arg6[%get3A_343] {strides = array<i32>} : memref<8192xi32, #tpu.memory_space<vmem>>, vector<16xi32>,
        %gather3A_345 = tpu.vector_load_idx %arg5[%get3A_344] : memref<100000xf32, #tpu.memory_space<vmem>>[vector<16xi32>], vector<16xf32>,
        %swap3A_346 = arith.index_cast %add3A_340 : i32 to index
        %swap3A_347 = tpu.vector_load %arg8[%swap3A_346] {strides = array<i32>} : memref<4096xf32, #tpu.memory_space<vmem>>, vector<16xf32>,
        tpu.vector_store %arg8[%swap3A_346], %gather3A_345 {strides = array<i32>} : memref<4096xf32, #tpu.memory_space<vmem>>, vector<16xf32>,
        %mul3A_348 = arith.constant 512 : i32
        %mul3A_349 = arith.muli %scan3A_97, %mul3A_348 : i32
        %add3A_350 = arith.constant 368 : i32
        %add3A_351 = arith.addi %mul3A_349, %add3A_350 : i32
        %add3A_352 = arith.constant 0 : i32
        %add3A_353 = arith.addi %add3A_352, %add3A_351 : i32
        %get3A_354 = arith.index_cast %add3A_353 : i32 to index
        %get3A_355 = tpu.vector_load %arg6[%get3A_354] {strides = array<i32>} : memref<8192xi32, #tpu.memory_space<vmem>>, vector<16xi32>,
        %gather3A_356 = tpu.vector_load_idx %arg5[%get3A_355] : memref<100000xf32, #tpu.memory_space<vmem>>[vector<16xi32>], vector<16xf32>,
        %swap3A_357 = arith.index_cast %add3A_351 : i32 to index
        %swap3A_358 = tpu.vector_load %arg8[%swap3A_357] {strides = array<i32>} : memref<4096xf32, #tpu.memory_space<vmem>>, vector<16xf32>,
        tpu.vector_store %arg8[%swap3A_357], %gather3A_356 {strides = array<i32>} : memref<4096xf32, #tpu.memory_space<vmem>>, vector<16xf32>,
        %mul3A_359 = arith.constant 512 : i32
        %mul3A_360 = arith.muli %scan3A_97, %mul3A_359 : i32
        %add3A_361 = arith.constant 384 : i32
        %add3A_362 = arith.addi %mul3A_360, %add3A_361 : i32
        %add3A_363 = arith.constant 0 : i32
        %add3A_364 = arith.addi %add3A_363, %add3A_362 : i32
        %get3A_365 = arith.index_cast %add3A_364 : i32 to index
        %get3A_366 = tpu.vector_load %arg6[%get3A_365] {strides = array<i32>} : memref<8192xi32, #tpu.memory_space<vmem>>, vector<16xi32>,
        %gather3A_367 = tpu.vector_load_idx %arg5[%get3A_366] : memref<100000xf32, #tpu.memory_space<vmem>>[vector<16xi32>], vector<16xf32>,
        %swap3A_368 = arith.index_cast %add3A_362 : i32 to index
        %swap3A_369 = tpu.vector_load %arg8[%swap3A_368] {strides = array<i32>} : memref<4096xf32, #tpu.memory_space<vmem>>, vector<16xf32>,
        tpu.vector_store %arg8[%swap3A_368], %gather3A_367 {strides = array<i32>} : memref<4096xf32, #tpu.memory_space<vmem>>, vector<16xf32>,
        %mul3A_370 = arith.constant 512 : i32
        %mul3A_371 = arith.muli %scan3A_97, %mul3A_370 : i32
        %add3A_372 = arith.constant 400 : i32
        %add3A_373 = arith.addi %mul3A_371, %add3A_372 : i32
        %add3A_374 = arith.constant 0 : i32
        %add3A_375 = arith.addi %add3A_374, %add3A_373 : i32
        %get3A_376 = arith.index_cast %add3A_375 : i32 to index
        %get3A_377 = tpu.vector_load %arg6[%get3A_376] {strides = array<i32>} : memref<8192xi32, #tpu.memory_space<vmem>>, vector<16xi32>,
        %gather3A_378 = tpu.vector_load_idx %arg5[%get3A_377] : memref<100000xf32, #tpu.memory_space<vmem>>[vector<16xi32>], vector<16xf32>,
        %swap3A_379 = arith.index_cast %add3A_373 : i32 to index
        %swap3A_380 = tpu.vector_load %arg8[%swap3A_379] {strides = array<i32>} : memref<4096xf32, #tpu.memory_space<vmem>>, vector<16xf32>,
        tpu.vector_store %arg8[%swap3A_379], %gather3A_378 {strides = array<i32>} : memref<4096xf32, #tpu.memory_space<vmem>>, vector<16xf32>,
        %mul3A_381 = arith.constant 512 : i32
        %mul3A_382 = arith.muli %scan3A_97, %mul3A_381 : i32
        %add3A_383 = arith.constant 416 : i32
        %add3A_384 = arith.addi %mul3A_382, %add3A_383 : i32
        %add3A_385 = arith.constant 0 : i32
        %add3A_386 = arith.addi %add3A_385, %add3A_384 : i32
        %get3A_387 = arith.index_cast %add3A_386 : i32 to index
        %get3A_388 = tpu.vector_load %arg6[%get3A_387] {strides = array<i32>} : memref<8192xi32, #tpu.memory_space<vmem>>, vector<16xi32>,
        %gather3A_389 = tpu.vector_load_idx %arg5[%get3A_388] : memref<100000xf32, #tpu.memory_space<vmem>>[vector<16xi32>], vector<16xf32>,
        %swap3A_390 = arith.index_cast %add3A_384 : i32 to index
        %swap3A_391 = tpu.vector_load %arg8[%swap3A_390] {strides = array<i32>} : memref<4096xf32, #tpu.memory_space<vmem>>, vector<16xf32>,
        tpu.vector_store %arg8[%swap3A_390], %gather3A_389 {strides = array<i32>} : memref<4096xf32, #tpu.memory_space<vmem>>, vector<16xf32>,
        %mul3A_392 = arith.constant 512 : i32
        %mul3A_393 = arith.muli %scan3A_97, %mul3A_392 : i32
        %add3A_394 = arith.constant 432 : i32
        %add3A_395 = arith.addi %mul3A_393, %add3A_394 : i32
        %add3A_396 = arith.constant 0 : i32
        %add3A_397 = arith.addi %add3A_396, %add3A_395 : i32
        %get3A_398 = arith.index_cast %add3A_397 : i32 to index
        %get3A_399 = tpu.vector_load %arg6[%get3A_398] {strides = array<i32>} : memref<8192xi32, #tpu.memory_space<vmem>>, vector<16xi32>,
        %gather3A_400 = tpu.vector_load_idx %arg5[%get3A_399] : memref<100000xf32, #tpu.memory_space<vmem>>[vector<16xi32>], vector<16xf32>,
        %swap3A_401 = arith.index_cast %add3A_395 : i32 to index
        %swap3A_402 = tpu.vector_load %arg8[%swap3A_401] {strides = array<i32>} : memref<4096xf32, #tpu.memory_space<vmem>>, vector<16xf32>,
        tpu.vector_store %arg8[%swap3A_401], %gather3A_400 {strides = array<i32>} : memref<4096xf32, #tpu.memory_space<vmem>>, vector<16xf32>,
        %mul3A_403 = arith.constant 512 : i32
        %mul3A_404 = arith.muli %scan3A_97, %mul3A_403 : i32
        %add3A_405 = arith.constant 448 : i32
        %add3A_406 = arith.addi %mul3A_404, %add3A_405 : i32
        %add3A_407 = arith.constant 0 : i32
        %add3A_408 = arith.addi %add3A_407, %add3A_406 : i32
        %get3A_409 = arith.index_cast %add3A_408 : i32 to index
        %get3A_410 = tpu.vector_load %arg6[%get3A_409] {strides = array<i32>} : memref<8192xi32, #tpu.memory_space<vmem>>, vector<16xi32>,
        %gather3A_411 = tpu.vector_load_idx %arg5[%get3A_410] : memref<100000xf32, #tpu.memory_space<vmem>>[vector<16xi32>], vector<16xf32>,
        %swap3A_412 = arith.index_cast %add3A_406 : i32 to index
        %swap3A_413 = tpu.vector_load %arg8[%swap3A_412] {strides = array<i32>} : memref<4096xf32, #tpu.memory_space<vmem>>, vector<16xf32>,
        tpu.vector_store %arg8[%swap3A_412], %gather3A_411 {strides = array<i32>} : memref<4096xf32, #tpu.memory_space<vmem>>, vector<16xf32>,
        %mul3A_414 = arith.constant 512 : i32
        %mul3A_415 = arith.muli %scan3A_97, %mul3A_414 : i32
        %add3A_416 = arith.constant 464 : i32
        %add3A_417 = arith.addi %mul3A_415, %add3A_416 : i32
        %add3A_418 = arith.constant 0 : i32
        %add3A_419 = arith.addi %add3A_418, %add3A_417 : i32
        %get3A_420 = arith.index_cast %add3A_419 : i32 to index
        %get3A_421 = tpu.vector_load %arg6[%get3A_420] {strides = array<i32>} : memref<8192xi32, #tpu.memory_space<vmem>>, vector<16xi32>,
        %gather3A_422 = tpu.vector_load_idx %arg5[%get3A_421] : memref<100000xf32, #tpu.memory_space<vmem>>[vector<16xi32>], vector<16xf32>,
        %swap3A_423 = arith.index_cast %add3A_417 : i32 to index
        %swap3A_424 = tpu.vector_load %arg8[%swap3A_423] {strides = array<i32>} : memref<4096xf32, #tpu.memory_space<vmem>>, vector<16xf32>,
        tpu.vector_store %arg8[%swap3A_423], %gather3A_422 {strides = array<i32>} : memref<4096xf32, #tpu.memory_space<vmem>>, vector<16xf32>,
        %mul3A_425 = arith.constant 512 : i32
        %mul3A_426 = arith.muli %scan3A_97, %mul3A_425 : i32
        %add3A_427 = arith.constant 480 : i32
        %add3A_428 = arith.addi %mul3A_426, %add3A_427 : i32
        %add3A_429 = arith.constant 0 : i32
        %add3A_430 = arith.addi %add3A_429, %add3A_428 : i32
        %get3A_431 = arith.index_cast %add3A_430 : i32 to index
        %get3A_432 = tpu.vector_load %arg6[%get3A_431] {strides = array<i32>} : memref<8192xi32, #tpu.memory_space<vmem>>, vector<16xi32>,
        %gather3A_433 = tpu.vector_load_idx %arg5[%get3A_432] : memref<100000xf32, #tpu.memory_space<vmem>>[vector<16xi32>], vector<16xf32>,
        %swap3A_434 = arith.index_cast %add3A_428 : i32 to index
        %swap3A_435 = tpu.vector_load %arg8[%swap3A_434] {strides = array<i32>} : memref<4096xf32, #tpu.memory_space<vmem>>, vector<16xf32>,
        tpu.vector_store %arg8[%swap3A_434], %gather3A_433 {strides = array<i32>} : memref<4096xf32, #tpu.memory_space<vmem>>, vector<16xf32>,
        %mul3A_436 = arith.constant 512 : i32
        %mul3A_437 = arith.muli %scan3A_97, %mul3A_436 : i32
        %add3A_438 = arith.constant 496 : i32
        %add3A_439 = arith.addi %mul3A_437, %add3A_438 : i32
        %add3A_440 = arith.constant 0 : i32
        %add3A_441 = arith.addi %add3A_440, %add3A_439 : i32
        %get3A_442 = arith.index_cast %add3A_441 : i32 to index
        %get3A_443 = tpu.vector_load %arg6[%get3A_442] {strides = array<i32>} : memref<8192xi32, #tpu.memory_space<vmem>>, vector<16xi32>,
        %gather3A_444 = tpu.vector_load_idx %arg5[%get3A_443] : memref<100000xf32, #tpu.memory_space<vmem>>[vector<16xi32>], vector<16xf32>,
        %swap3A_445 = arith.index_cast %add3A_439 : i32 to index
        %swap3A_446 = tpu.vector_load %arg8[%swap3A_445] {strides = array<i32>} : memref<4096xf32, #tpu.memory_space<vmem>>, vector<16xf32>,
        tpu.vector_store %arg8[%swap3A_445], %gather3A_444 {strides = array<i32>} : memref<4096xf32, #tpu.memory_space<vmem>>, vector<16xf32>,
      }
      %scan3A_38 = arith.constant 8 : i32
      %dma_start3A = arith.constant 0 : i32
      %dma_start3A_39 = tpu.memref_slice %arg4[%add3A_22, %dma_start3A] : memref<1664x16384xf32, #tpu.memory_space<hbm>> -> memref<1x4096xf32, #tpu.memory_space<hbm>>
      %dma_start3A_40 = tpu.memref_squeeze %dma_start3A_39 : memref<1x4096xf32, #tpu.memory_space<hbm>> -> memref<4096xf32, #tpu.memory_space<hbm>>
      %dma_start3A_41 = arith.constant 0 : i32
      %dma_start3A_42 = tpu.memref_slice %arg4[%add3A_22, %dma_start3A_41] : memref<1664x16384xf32, #tpu.memory_space<hbm>> -> memref<1x4096xf32, #tpu.memory_space<hbm>>
      %dma_start3A_43 = tpu.memref_squeeze %dma_start3A_42 : memref<1x4096xf32, #tpu.memory_space<hbm>> -> memref<4096xf32, #tpu.memory_space<hbm>>
      tpu.enqueue_dma source(%arg8 : memref<4096xf32, #tpu.memory_space<vmem>>) target(%dma_start3A_43 : memref<4096xf32, #tpu.memory_space<hbm>>) target_semaphore(%arg10 : memref<!tpu.dma_semaphore, #tpu.memory_space<semaphore_mem>>)
      %gt3A_44 = arith.constant 0 : i32
      %gt3A_45 = arith.cmpi sgt, %scan3A_21, %gt3A_44 : i32
      %convert_element_type3A_46 = arith.extui %gt3A_45 : i1 to i32
      %cond3A_47 = arith.constant 0 : i32
      %cond3A_48 = arith.cmpi ne, %convert_element_type3A_46, %cond3A_47 : i32
      scf.if %cond3A_48 {
        %dma_wait3A_97 = arith.constant 0 : i32
        %dma_wait3A_98 = tpu.memref_slice %arg4[%add3A_22, %dma_wait3A_97] : memref<1664x16384xf32, #tpu.memory_space<hbm>> -> memref<1x4096xf32, #tpu.memory_space<hbm>>
        %dma_wait3A_99 = tpu.memref_squeeze %dma_wait3A_98 : memref<1x4096xf32, #tpu.memory_space<hbm>> -> memref<4096xf32, #tpu.memory_space<hbm>>
        %dma_wait3A_100 = arith.constant 0 : i32
        %dma_wait3A_101 = tpu.memref_slice %arg4[%add3A_22, %dma_wait3A_100] : memref<1664x16384xf32, #tpu.memory_space<hbm>> -> memref<1x4096xf32, #tpu.memory_space<hbm>>
        %dma_wait3A_102 = tpu.memref_squeeze %dma_wait3A_101 : memref<1x4096xf32, #tpu.memory_space<hbm>> -> memref<4096xf32, #tpu.memory_space<hbm>>
        tpu.wait_dma2 semaphore(%arg11 : memref<!tpu.dma_semaphore, #tpu.memory_space<semaphore_mem>>) src(%arg9 : memref<4096xf32, #tpu.memory_space<vmem>>) dst(%dma_wait3A_102 : memref<4096xf32, #tpu.memory_space<hbm>>)
      } else {
      }
      %scan3A_49 = arith.constant 0 : i32
      %scan3A_50 = arith.constant 0 : i32
      %scan3A_51 = arith.constant 8 : i32
      %scan3A_52 = arith.addi %scan3A_50, %scan3A_51 : i32
      %scan3A_53 = arith.constant 1 : i32
      scf.for %scan3A_97 = %scan3A_50 to %scan3A_52 step %scan3A_53  : i32 {
        %mul3A_98 = arith.constant 512 : i32
        %mul3A_99 = arith.muli %scan3A_97, %mul3A_98 : i32
        %add3A_100 = arith.constant 0 : i32
        %add3A_101 = arith.addi %mul3A_99, %add3A_100 : i32
        %add3A_102 = arith.constant 4096 : i32
        %add3A_103 = arith.addi %add3A_102, %add3A_101 : i32
        %get3A = arith.index_cast %add3A_103 : i32 to index
        %get3A_104 = tpu.vector_load %arg6[%get3A] {strides = array<i32>} : memref<8192xi32, #tpu.memory_space<vmem>>, vector<16xi32>,
        %gather3A = tpu.vector_load_idx %arg5[%get3A_104] : memref<100000xf32, #tpu.memory_space<vmem>>[vector<16xi32>], vector<16xf32>,
        %swap3A = arith.index_cast %add3A_101 : i32 to index
        %swap3A_105 = tpu.vector_load %arg9[%swap3A] {strides = array<i32>} : memref<4096xf32, #tpu.memory_space<vmem>>, vector<16xf32>,
        tpu.vector_store %arg9[%swap3A], %gather3A {strides = array<i32>} : memref<4096xf32, #tpu.memory_space<vmem>>, vector<16xf32>,
        %mul3A_106 = arith.constant 512 : i32
        %mul3A_107 = arith.muli %scan3A_97, %mul3A_106 : i32
        %add3A_108 = arith.constant 16 : i32
        %add3A_109 = arith.addi %mul3A_107, %add3A_108 : i32
        %add3A_110 = arith.constant 4096 : i32
        %add3A_111 = arith.addi %add3A_110, %add3A_109 : i32
        %get3A_112 = arith.index_cast %add3A_111 : i32 to index
        %get3A_113 = tpu.vector_load %arg6[%get3A_112] {strides = array<i32>} : memref<8192xi32, #tpu.memory_space<vmem>>, vector<16xi32>,
        %gather3A_114 = tpu.vector_load_idx %arg5[%get3A_113] : memref<100000xf32, #tpu.memory_space<vmem>>[vector<16xi32>], vector<16xf32>,
        %swap3A_115 = arith.index_cast %add3A_109 : i32 to index
        %swap3A_116 = tpu.vector_load %arg9[%swap3A_115] {strides = array<i32>} : memref<4096xf32, #tpu.memory_space<vmem>>, vector<16xf32>,
        tpu.vector_store %arg9[%swap3A_115], %gather3A_114 {strides = array<i32>} : memref<4096xf32, #tpu.memory_space<vmem>>, vector<16xf32>,
        %mul3A_117 = arith.constant 512 : i32
        %mul3A_118 = arith.muli %scan3A_97, %mul3A_117 : i32
        %add3A_119 = arith.constant 32 : i32
        %add3A_120 = arith.addi %mul3A_118, %add3A_119 : i32
        %add3A_121 = arith.constant 4096 : i32
        %add3A_122 = arith.addi %add3A_121, %add3A_120 : i32
        %get3A_123 = arith.index_cast %add3A_122 : i32 to index
        %get3A_124 = tpu.vector_load %arg6[%get3A_123] {strides = array<i32>} : memref<8192xi32, #tpu.memory_space<vmem>>, vector<16xi32>,
        %gather3A_125 = tpu.vector_load_idx %arg5[%get3A_124] : memref<100000xf32, #tpu.memory_space<vmem>>[vector<16xi32>], vector<16xf32>,
        %swap3A_126 = arith.index_cast %add3A_120 : i32 to index
        %swap3A_127 = tpu.vector_load %arg9[%swap3A_126] {strides = array<i32>} : memref<4096xf32, #tpu.memory_space<vmem>>, vector<16xf32>,
        tpu.vector_store %arg9[%swap3A_126], %gather3A_125 {strides = array<i32>} : memref<4096xf32, #tpu.memory_space<vmem>>, vector<16xf32>,
        %mul3A_128 = arith.constant 512 : i32
        %mul3A_129 = arith.muli %scan3A_97, %mul3A_128 : i32
        %add3A_130 = arith.constant 48 : i32
        %add3A_131 = arith.addi %mul3A_129, %add3A_130 : i32
        %add3A_132 = arith.constant 4096 : i32
        %add3A_133 = arith.addi %add3A_132, %add3A_131 : i32
        %get3A_134 = arith.index_cast %add3A_133 : i32 to index
        %get3A_135 = tpu.vector_load %arg6[%get3A_134] {strides = array<i32>} : memref<8192xi32, #tpu.memory_space<vmem>>, vector<16xi32>,
        %gather3A_136 = tpu.vector_load_idx %arg5[%get3A_135] : memref<100000xf32, #tpu.memory_space<vmem>>[vector<16xi32>], vector<16xf32>,
        %swap3A_137 = arith.index_cast %add3A_131 : i32 to index
        %swap3A_138 = tpu.vector_load %arg9[%swap3A_137] {strides = array<i32>} : memref<4096xf32, #tpu.memory_space<vmem>>, vector<16xf32>,
        tpu.vector_store %arg9[%swap3A_137], %gather3A_136 {strides = array<i32>} : memref<4096xf32, #tpu.memory_space<vmem>>, vector<16xf32>,
        %mul3A_139 = arith.constant 512 : i32
        %mul3A_140 = arith.muli %scan3A_97, %mul3A_139 : i32
        %add3A_141 = arith.constant 64 : i32
        %add3A_142 = arith.addi %mul3A_140, %add3A_141 : i32
        %add3A_143 = arith.constant 4096 : i32
        %add3A_144 = arith.addi %add3A_143, %add3A_142 : i32
        %get3A_145 = arith.index_cast %add3A_144 : i32 to index
        %get3A_146 = tpu.vector_load %arg6[%get3A_145] {strides = array<i32>} : memref<8192xi32, #tpu.memory_space<vmem>>, vector<16xi32>,
        %gather3A_147 = tpu.vector_load_idx %arg5[%get3A_146] : memref<100000xf32, #tpu.memory_space<vmem>>[vector<16xi32>], vector<16xf32>,
        %swap3A_148 = arith.index_cast %add3A_142 : i32 to index
        %swap3A_149 = tpu.vector_load %arg9[%swap3A_148] {strides = array<i32>} : memref<4096xf32, #tpu.memory_space<vmem>>, vector<16xf32>,
        tpu.vector_store %arg9[%swap3A_148], %gather3A_147 {strides = array<i32>} : memref<4096xf32, #tpu.memory_space<vmem>>, vector<16xf32>,
        %mul3A_150 = arith.constant 512 : i32
        %mul3A_151 = arith.muli %scan3A_97, %mul3A_150 : i32
        %add3A_152 = arith.constant 80 : i32
        %add3A_153 = arith.addi %mul3A_151, %add3A_152 : i32
        %add3A_154 = arith.constant 4096 : i32
        %add3A_155 = arith.addi %add3A_154, %add3A_153 : i32
        %get3A_156 = arith.index_cast %add3A_155 : i32 to index
        %get3A_157 = tpu.vector_load %arg6[%get3A_156] {strides = array<i32>} : memref<8192xi32, #tpu.memory_space<vmem>>, vector<16xi32>,
        %gather3A_158 = tpu.vector_load_idx %arg5[%get3A_157] : memref<100000xf32, #tpu.memory_space<vmem>>[vector<16xi32>], vector<16xf32>,
        %swap3A_159 = arith.index_cast %add3A_153 : i32 to index
        %swap3A_160 = tpu.vector_load %arg9[%swap3A_159] {strides = array<i32>} : memref<4096xf32, #tpu.memory_space<vmem>>, vector<16xf32>,
        tpu.vector_store %arg9[%swap3A_159], %gather3A_158 {strides = array<i32>} : memref<4096xf32, #tpu.memory_space<vmem>>, vector<16xf32>,
        %mul3A_161 = arith.constant 512 : i32
        %mul3A_162 = arith.muli %scan3A_97, %mul3A_161 : i32
        %add3A_163 = arith.constant 96 : i32
        %add3A_164 = arith.addi %mul3A_162, %add3A_163 : i32
        %add3A_165 = arith.constant 4096 : i32
        %add3A_166 = arith.addi %add3A_165, %add3A_164 : i32
        %get3A_167 = arith.index_cast %add3A_166 : i32 to index
        %get3A_168 = tpu.vector_load %arg6[%get3A_167] {strides = array<i32>} : memref<8192xi32, #tpu.memory_space<vmem>>, vector<16xi32>,
        %gather3A_169 = tpu.vector_load_idx %arg5[%get3A_168] : memref<100000xf32, #tpu.memory_space<vmem>>[vector<16xi32>], vector<16xf32>,
        %swap3A_170 = arith.index_cast %add3A_164 : i32 to index
        %swap3A_171 = tpu.vector_load %arg9[%swap3A_170] {strides = array<i32>} : memref<4096xf32, #tpu.memory_space<vmem>>, vector<16xf32>,
        tpu.vector_store %arg9[%swap3A_170], %gather3A_169 {strides = array<i32>} : memref<4096xf32, #tpu.memory_space<vmem>>, vector<16xf32>,
        %mul3A_172 = arith.constant 512 : i32
        %mul3A_173 = arith.muli %scan3A_97, %mul3A_172 : i32
        %add3A_174 = arith.constant 112 : i32
        %add3A_175 = arith.addi %mul3A_173, %add3A_174 : i32
        %add3A_176 = arith.constant 4096 : i32
        %add3A_177 = arith.addi %add3A_176, %add3A_175 : i32
        %get3A_178 = arith.index_cast %add3A_177 : i32 to index
        %get3A_179 = tpu.vector_load %arg6[%get3A_178] {strides = array<i32>} : memref<8192xi32, #tpu.memory_space<vmem>>, vector<16xi32>,
        %gather3A_180 = tpu.vector_load_idx %arg5[%get3A_179] : memref<100000xf32, #tpu.memory_space<vmem>>[vector<16xi32>], vector<16xf32>,
        %swap3A_181 = arith.index_cast %add3A_175 : i32 to index
        %swap3A_182 = tpu.vector_load %arg9[%swap3A_181] {strides = array<i32>} : memref<4096xf32, #tpu.memory_space<vmem>>, vector<16xf32>,
        tpu.vector_store %arg9[%swap3A_181], %gather3A_180 {strides = array<i32>} : memref<4096xf32, #tpu.memory_space<vmem>>, vector<16xf32>,
        %mul3A_183 = arith.constant 512 : i32
        %mul3A_184 = arith.muli %scan3A_97, %mul3A_183 : i32
        %add3A_185 = arith.constant 128 : i32
        %add3A_186 = arith.addi %mul3A_184, %add3A_185 : i32
        %add3A_187 = arith.constant 4096 : i32
        %add3A_188 = arith.addi %add3A_187, %add3A_186 : i32
        %get3A_189 = arith.index_cast %add3A_188 : i32 to index
        %get3A_190 = tpu.vector_load %arg6[%get3A_189] {strides = array<i32>} : memref<8192xi32, #tpu.memory_space<vmem>>, vector<16xi32>,
        %gather3A_191 = tpu.vector_load_idx %arg5[%get3A_190] : memref<100000xf32, #tpu.memory_space<vmem>>[vector<16xi32>], vector<16xf32>,
        %swap3A_192 = arith.index_cast %add3A_186 : i32 to index
        %swap3A_193 = tpu.vector_load %arg9[%swap3A_192] {strides = array<i32>} : memref<4096xf32, #tpu.memory_space<vmem>>, vector<16xf32>,
        tpu.vector_store %arg9[%swap3A_192], %gather3A_191 {strides = array<i32>} : memref<4096xf32, #tpu.memory_space<vmem>>, vector<16xf32>,
        %mul3A_194 = arith.constant 512 : i32
        %mul3A_195 = arith.muli %scan3A_97, %mul3A_194 : i32
        %add3A_196 = arith.constant 144 : i32
        %add3A_197 = arith.addi %mul3A_195, %add3A_196 : i32
        %add3A_198 = arith.constant 4096 : i32
        %add3A_199 = arith.addi %add3A_198, %add3A_197 : i32
        %get3A_200 = arith.index_cast %add3A_199 : i32 to index
        %get3A_201 = tpu.vector_load %arg6[%get3A_200] {strides = array<i32>} : memref<8192xi32, #tpu.memory_space<vmem>>, vector<16xi32>,
        %gather3A_202 = tpu.vector_load_idx %arg5[%get3A_201] : memref<100000xf32, #tpu.memory_space<vmem>>[vector<16xi32>], vector<16xf32>,
        %swap3A_203 = arith.index_cast %add3A_197 : i32 to index
        %swap3A_204 = tpu.vector_load %arg9[%swap3A_203] {strides = array<i32>} : memref<4096xf32, #tpu.memory_space<vmem>>, vector<16xf32>,
        tpu.vector_store %arg9[%swap3A_203], %gather3A_202 {strides = array<i32>} : memref<4096xf32, #tpu.memory_space<vmem>>, vector<16xf32>,
        %mul3A_205 = arith.constant 512 : i32
        %mul3A_206 = arith.muli %scan3A_97, %mul3A_205 : i32
        %add3A_207 = arith.constant 160 : i32
        %add3A_208 = arith.addi %mul3A_206, %add3A_207 : i32
        %add3A_209 = arith.constant 4096 : i32
        %add3A_210 = arith.addi %add3A_209, %add3A_208 : i32
        %get3A_211 = arith.index_cast %add3A_210 : i32 to index
        %get3A_212 = tpu.vector_load %arg6[%get3A_211] {strides = array<i32>} : memref<8192xi32, #tpu.memory_space<vmem>>, vector<16xi32>,
        %gather3A_213 = tpu.vector_load_idx %arg5[%get3A_212] : memref<100000xf32, #tpu.memory_space<vmem>>[vector<16xi32>], vector<16xf32>,
        %swap3A_214 = arith.index_cast %add3A_208 : i32 to index
        %swap3A_215 = tpu.vector_load %arg9[%swap3A_214] {strides = array<i32>} : memref<4096xf32, #tpu.memory_space<vmem>>, vector<16xf32>,
        tpu.vector_store %arg9[%swap3A_214], %gather3A_213 {strides = array<i32>} : memref<4096xf32, #tpu.memory_space<vmem>>, vector<16xf32>,
        %mul3A_216 = arith.constant 512 : i32
        %mul3A_217 = arith.muli %scan3A_97, %mul3A_216 : i32
        %add3A_218 = arith.constant 176 : i32
        %add3A_219 = arith.addi %mul3A_217, %add3A_218 : i32
        %add3A_220 = arith.constant 4096 : i32
        %add3A_221 = arith.addi %add3A_220, %add3A_219 : i32
        %get3A_222 = arith.index_cast %add3A_221 : i32 to index
        %get3A_223 = tpu.vector_load %arg6[%get3A_222] {strides = array<i32>} : memref<8192xi32, #tpu.memory_space<vmem>>, vector<16xi32>,
        %gather3A_224 = tpu.vector_load_idx %arg5[%get3A_223] : memref<100000xf32, #tpu.memory_space<vmem>>[vector<16xi32>], vector<16xf32>,
        %swap3A_225 = arith.index_cast %add3A_219 : i32 to index
        %swap3A_226 = tpu.vector_load %arg9[%swap3A_225] {strides = array<i32>} : memref<4096xf32, #tpu.memory_space<vmem>>, vector<16xf32>,
        tpu.vector_store %arg9[%swap3A_225], %gather3A_224 {strides = array<i32>} : memref<4096xf32, #tpu.memory_space<vmem>>, vector<16xf32>,
        %mul3A_227 = arith.constant 512 : i32
        %mul3A_228 = arith.muli %scan3A_97, %mul3A_227 : i32
        %add3A_229 = arith.constant 192 : i32
        %add3A_230 = arith.addi %mul3A_228, %add3A_229 : i32
        %add3A_231 = arith.constant 4096 : i32
        %add3A_232 = arith.addi %add3A_231, %add3A_230 : i32
        %get3A_233 = arith.index_cast %add3A_232 : i32 to index
        %get3A_234 = tpu.vector_load %arg6[%get3A_233] {strides = array<i32>} : memref<8192xi32, #tpu.memory_space<vmem>>, vector<16xi32>,
        %gather3A_235 = tpu.vector_load_idx %arg5[%get3A_234] : memref<100000xf32, #tpu.memory_space<vmem>>[vector<16xi32>], vector<16xf32>,
        %swap3A_236 = arith.index_cast %add3A_230 : i32 to index
        %swap3A_237 = tpu.vector_load %arg9[%swap3A_236] {strides = array<i32>} : memref<4096xf32, #tpu.memory_space<vmem>>, vector<16xf32>,
        tpu.vector_store %arg9[%swap3A_236], %gather3A_235 {strides = array<i32>} : memref<4096xf32, #tpu.memory_space<vmem>>, vector<16xf32>,
        %mul3A_238 = arith.constant 512 : i32
        %mul3A_239 = arith.muli %scan3A_97, %mul3A_238 : i32
        %add3A_240 = arith.constant 208 : i32
        %add3A_241 = arith.addi %mul3A_239, %add3A_240 : i32
        %add3A_242 = arith.constant 4096 : i32
        %add3A_243 = arith.addi %add3A_242, %add3A_241 : i32
        %get3A_244 = arith.index_cast %add3A_243 : i32 to index
        %get3A_245 = tpu.vector_load %arg6[%get3A_244] {strides = array<i32>} : memref<8192xi32, #tpu.memory_space<vmem>>, vector<16xi32>,
        %gather3A_246 = tpu.vector_load_idx %arg5[%get3A_245] : memref<100000xf32, #tpu.memory_space<vmem>>[vector<16xi32>], vector<16xf32>,
        %swap3A_247 = arith.index_cast %add3A_241 : i32 to index
        %swap3A_248 = tpu.vector_load %arg9[%swap3A_247] {strides = array<i32>} : memref<4096xf32, #tpu.memory_space<vmem>>, vector<16xf32>,
        tpu.vector_store %arg9[%swap3A_247], %gather3A_246 {strides = array<i32>} : memref<4096xf32, #tpu.memory_space<vmem>>, vector<16xf32>,
        %mul3A_249 = arith.constant 512 : i32
        %mul3A_250 = arith.muli %scan3A_97, %mul3A_249 : i32
        %add3A_251 = arith.constant 224 : i32
        %add3A_252 = arith.addi %mul3A_250, %add3A_251 : i32
        %add3A_253 = arith.constant 4096 : i32
        %add3A_254 = arith.addi %add3A_253, %add3A_252 : i32
        %get3A_255 = arith.index_cast %add3A_254 : i32 to index
        %get3A_256 = tpu.vector_load %arg6[%get3A_255] {strides = array<i32>} : memref<8192xi32, #tpu.memory_space<vmem>>, vector<16xi32>,
        %gather3A_257 = tpu.vector_load_idx %arg5[%get3A_256] : memref<100000xf32, #tpu.memory_space<vmem>>[vector<16xi32>], vector<16xf32>,
        %swap3A_258 = arith.index_cast %add3A_252 : i32 to index
        %swap3A_259 = tpu.vector_load %arg9[%swap3A_258] {strides = array<i32>} : memref<4096xf32, #tpu.memory_space<vmem>>, vector<16xf32>,
        tpu.vector_store %arg9[%swap3A_258], %gather3A_257 {strides = array<i32>} : memref<4096xf32, #tpu.memory_space<vmem>>, vector<16xf32>,
        %mul3A_260 = arith.constant 512 : i32
        %mul3A_261 = arith.muli %scan3A_97, %mul3A_260 : i32
        %add3A_262 = arith.constant 240 : i32
        %add3A_263 = arith.addi %mul3A_261, %add3A_262 : i32
        %add3A_264 = arith.constant 4096 : i32
        %add3A_265 = arith.addi %add3A_264, %add3A_263 : i32
        %get3A_266 = arith.index_cast %add3A_265 : i32 to index
        %get3A_267 = tpu.vector_load %arg6[%get3A_266] {strides = array<i32>} : memref<8192xi32, #tpu.memory_space<vmem>>, vector<16xi32>,
        %gather3A_268 = tpu.vector_load_idx %arg5[%get3A_267] : memref<100000xf32, #tpu.memory_space<vmem>>[vector<16xi32>], vector<16xf32>,
        %swap3A_269 = arith.index_cast %add3A_263 : i32 to index
        %swap3A_270 = tpu.vector_load %arg9[%swap3A_269] {strides = array<i32>} : memref<4096xf32, #tpu.memory_space<vmem>>, vector<16xf32>,
        tpu.vector_store %arg9[%swap3A_269], %gather3A_268 {strides = array<i32>} : memref<4096xf32, #tpu.memory_space<vmem>>, vector<16xf32>,
        %mul3A_271 = arith.constant 512 : i32
        %mul3A_272 = arith.muli %scan3A_97, %mul3A_271 : i32
        %add3A_273 = arith.constant 256 : i32
        %add3A_274 = arith.addi %mul3A_272, %add3A_273 : i32
        %add3A_275 = arith.constant 4096 : i32
        %add3A_276 = arith.addi %add3A_275, %add3A_274 : i32
        %get3A_277 = arith.index_cast %add3A_276 : i32 to index
        %get3A_278 = tpu.vector_load %arg6[%get3A_277] {strides = array<i32>} : memref<8192xi32, #tpu.memory_space<vmem>>, vector<16xi32>,
        %gather3A_279 = tpu.vector_load_idx %arg5[%get3A_278] : memref<100000xf32, #tpu.memory_space<vmem>>[vector<16xi32>], vector<16xf32>,
        %swap3A_280 = arith.index_cast %add3A_274 : i32 to index
        %swap3A_281 = tpu.vector_load %arg9[%swap3A_280] {strides = array<i32>} : memref<4096xf32, #tpu.memory_space<vmem>>, vector<16xf32>,
        tpu.vector_store %arg9[%swap3A_280], %gather3A_279 {strides = array<i32>} : memref<4096xf32, #tpu.memory_space<vmem>>, vector<16xf32>,
        %mul3A_282 = arith.constant 512 : i32
        %mul3A_283 = arith.muli %scan3A_97, %mul3A_282 : i32
        %add3A_284 = arith.constant 272 : i32
        %add3A_285 = arith.addi %mul3A_283, %add3A_284 : i32
        %add3A_286 = arith.constant 4096 : i32
        %add3A_287 = arith.addi %add3A_286, %add3A_285 : i32
        %get3A_288 = arith.index_cast %add3A_287 : i32 to index
        %get3A_289 = tpu.vector_load %arg6[%get3A_288] {strides = array<i32>} : memref<8192xi32, #tpu.memory_space<vmem>>, vector<16xi32>,
        %gather3A_290 = tpu.vector_load_idx %arg5[%get3A_289] : memref<100000xf32, #tpu.memory_space<vmem>>[vector<16xi32>], vector<16xf32>,
        %swap3A_291 = arith.index_cast %add3A_285 : i32 to index
        %swap3A_292 = tpu.vector_load %arg9[%swap3A_291] {strides = array<i32>} : memref<4096xf32, #tpu.memory_space<vmem>>, vector<16xf32>,
        tpu.vector_store %arg9[%swap3A_291], %gather3A_290 {strides = array<i32>} : memref<4096xf32, #tpu.memory_space<vmem>>, vector<16xf32>,
        %mul3A_293 = arith.constant 512 : i32
        %mul3A_294 = arith.muli %scan3A_97, %mul3A_293 : i32
        %add3A_295 = arith.constant 288 : i32
        %add3A_296 = arith.addi %mul3A_294, %add3A_295 : i32
        %add3A_297 = arith.constant 4096 : i32
        %add3A_298 = arith.addi %add3A_297, %add3A_296 : i32
        %get3A_299 = arith.index_cast %add3A_298 : i32 to index
        %get3A_300 = tpu.vector_load %arg6[%get3A_299] {strides = array<i32>} : memref<8192xi32, #tpu.memory_space<vmem>>, vector<16xi32>,
        %gather3A_301 = tpu.vector_load_idx %arg5[%get3A_300] : memref<100000xf32, #tpu.memory_space<vmem>>[vector<16xi32>], vector<16xf32>,
        %swap3A_302 = arith.index_cast %add3A_296 : i32 to index
        %swap3A_303 = tpu.vector_load %arg9[%swap3A_302] {strides = array<i32>} : memref<4096xf32, #tpu.memory_space<vmem>>, vector<16xf32>,
        tpu.vector_store %arg9[%swap3A_302], %gather3A_301 {strides = array<i32>} : memref<4096xf32, #tpu.memory_space<vmem>>, vector<16xf32>,
        %mul3A_304 = arith.constant 512 : i32
        %mul3A_305 = arith.muli %scan3A_97, %mul3A_304 : i32
        %add3A_306 = arith.constant 304 : i32
        %add3A_307 = arith.addi %mul3A_305, %add3A_306 : i32
        %add3A_308 = arith.constant 4096 : i32
        %add3A_309 = arith.addi %add3A_308, %add3A_307 : i32
        %get3A_310 = arith.index_cast %add3A_309 : i32 to index
        %get3A_311 = tpu.vector_load %arg6[%get3A_310] {strides = array<i32>} : memref<8192xi32, #tpu.memory_space<vmem>>, vector<16xi32>,
        %gather3A_312 = tpu.vector_load_idx %arg5[%get3A_311] : memref<100000xf32, #tpu.memory_space<vmem>>[vector<16xi32>], vector<16xf32>,
        %swap3A_313 = arith.index_cast %add3A_307 : i32 to index
        %swap3A_314 = tpu.vector_load %arg9[%swap3A_313] {strides = array<i32>} : memref<4096xf32, #tpu.memory_space<vmem>>, vector<16xf32>,
        tpu.vector_store %arg9[%swap3A_313], %gather3A_312 {strides = array<i32>} : memref<4096xf32, #tpu.memory_space<vmem>>, vector<16xf32>,
        %mul3A_315 = arith.constant 512 : i32
        %mul3A_316 = arith.muli %scan3A_97, %mul3A_315 : i32
        %add3A_317 = arith.constant 320 : i32
        %add3A_318 = arith.addi %mul3A_316, %add3A_317 : i32
        %add3A_319 = arith.constant 4096 : i32
        %add3A_320 = arith.addi %add3A_319, %add3A_318 : i32
        %get3A_321 = arith.index_cast %add3A_320 : i32 to index
        %get3A_322 = tpu.vector_load %arg6[%get3A_321] {strides = array<i32>} : memref<8192xi32, #tpu.memory_space<vmem>>, vector<16xi32>,
        %gather3A_323 = tpu.vector_load_idx %arg5[%get3A_322] : memref<100000xf32, #tpu.memory_space<vmem>>[vector<16xi32>], vector<16xf32>,
        %swap3A_324 = arith.index_cast %add3A_318 : i32 to index
        %swap3A_325 = tpu.vector_load %arg9[%swap3A_324] {strides = array<i32>} : memref<4096xf32, #tpu.memory_space<vmem>>, vector<16xf32>,
        tpu.vector_store %arg9[%swap3A_324], %gather3A_323 {strides = array<i32>} : memref<4096xf32, #tpu.memory_space<vmem>>, vector<16xf32>,
        %mul3A_326 = arith.constant 512 : i32
        %mul3A_327 = arith.muli %scan3A_97, %mul3A_326 : i32
        %add3A_328 = arith.constant 336 : i32
        %add3A_329 = arith.addi %mul3A_327, %add3A_328 : i32
        %add3A_330 = arith.constant 4096 : i32
        %add3A_331 = arith.addi %add3A_330, %add3A_329 : i32
        %get3A_332 = arith.index_cast %add3A_331 : i32 to index
        %get3A_333 = tpu.vector_load %arg6[%get3A_332] {strides = array<i32>} : memref<8192xi32, #tpu.memory_space<vmem>>, vector<16xi32>,
        %gather3A_334 = tpu.vector_load_idx %arg5[%get3A_333] : memref<100000xf32, #tpu.memory_space<vmem>>[vector<16xi32>], vector<16xf32>,
        %swap3A_335 = arith.index_cast %add3A_329 : i32 to index
        %swap3A_336 = tpu.vector_load %arg9[%swap3A_335] {strides = array<i32>} : memref<4096xf32, #tpu.memory_space<vmem>>, vector<16xf32>,
        tpu.vector_store %arg9[%swap3A_335], %gather3A_334 {strides = array<i32>} : memref<4096xf32, #tpu.memory_space<vmem>>, vector<16xf32>,
        %mul3A_337 = arith.constant 512 : i32
        %mul3A_338 = arith.muli %scan3A_97, %mul3A_337 : i32
        %add3A_339 = arith.constant 352 : i32
        %add3A_340 = arith.addi %mul3A_338, %add3A_339 : i32
        %add3A_341 = arith.constant 4096 : i32
        %add3A_342 = arith.addi %add3A_341, %add3A_340 : i32
        %get3A_343 = arith.index_cast %add3A_342 : i32 to index
        %get3A_344 = tpu.vector_load %arg6[%get3A_343] {strides = array<i32>} : memref<8192xi32, #tpu.memory_space<vmem>>, vector<16xi32>,
        %gather3A_345 = tpu.vector_load_idx %arg5[%get3A_344] : memref<100000xf32, #tpu.memory_space<vmem>>[vector<16xi32>], vector<16xf32>,
        %swap3A_346 = arith.index_cast %add3A_340 : i32 to index
        %swap3A_347 = tpu.vector_load %arg9[%swap3A_346] {strides = array<i32>} : memref<4096xf32, #tpu.memory_space<vmem>>, vector<16xf32>,
        tpu.vector_store %arg9[%swap3A_346], %gather3A_345 {strides = array<i32>} : memref<4096xf32, #tpu.memory_space<vmem>>, vector<16xf32>,
        %mul3A_348 = arith.constant 512 : i32
        %mul3A_349 = arith.muli %scan3A_97, %mul3A_348 : i32
        %add3A_350 = arith.constant 368 : i32
        %add3A_351 = arith.addi %mul3A_349, %add3A_350 : i32
        %add3A_352 = arith.constant 4096 : i32
        %add3A_353 = arith.addi %add3A_352, %add3A_351 : i32
        %get3A_354 = arith.index_cast %add3A_353 : i32 to index
        %get3A_355 = tpu.vector_load %arg6[%get3A_354] {strides = array<i32>} : memref<8192xi32, #tpu.memory_space<vmem>>, vector<16xi32>,
        %gather3A_356 = tpu.vector_load_idx %arg5[%get3A_355] : memref<100000xf32, #tpu.memory_space<vmem>>[vector<16xi32>], vector<16xf32>,
        %swap3A_357 = arith.index_cast %add3A_351 : i32 to index
        %swap3A_358 = tpu.vector_load %arg9[%swap3A_357] {strides = array<i32>} : memref<4096xf32, #tpu.memory_space<vmem>>, vector<16xf32>,
        tpu.vector_store %arg9[%swap3A_357], %gather3A_356 {strides = array<i32>} : memref<4096xf32, #tpu.memory_space<vmem>>, vector<16xf32>,
        %mul3A_359 = arith.constant 512 : i32
        %mul3A_360 = arith.muli %scan3A_97, %mul3A_359 : i32
        %add3A_361 = arith.constant 384 : i32
        %add3A_362 = arith.addi %mul3A_360, %add3A_361 : i32
        %add3A_363 = arith.constant 4096 : i32
        %add3A_364 = arith.addi %add3A_363, %add3A_362 : i32
        %get3A_365 = arith.index_cast %add3A_364 : i32 to index
        %get3A_366 = tpu.vector_load %arg6[%get3A_365] {strides = array<i32>} : memref<8192xi32, #tpu.memory_space<vmem>>, vector<16xi32>,
        %gather3A_367 = tpu.vector_load_idx %arg5[%get3A_366] : memref<100000xf32, #tpu.memory_space<vmem>>[vector<16xi32>], vector<16xf32>,
        %swap3A_368 = arith.index_cast %add3A_362 : i32 to index
        %swap3A_369 = tpu.vector_load %arg9[%swap3A_368] {strides = array<i32>} : memref<4096xf32, #tpu.memory_space<vmem>>, vector<16xf32>,
        tpu.vector_store %arg9[%swap3A_368], %gather3A_367 {strides = array<i32>} : memref<4096xf32, #tpu.memory_space<vmem>>, vector<16xf32>,
        %mul3A_370 = arith.constant 512 : i32
        %mul3A_371 = arith.muli %scan3A_97, %mul3A_370 : i32
        %add3A_372 = arith.constant 400 : i32
        %add3A_373 = arith.addi %mul3A_371, %add3A_372 : i32
        %add3A_374 = arith.constant 4096 : i32
        %add3A_375 = arith.addi %add3A_374, %add3A_373 : i32
        %get3A_376 = arith.index_cast %add3A_375 : i32 to index
        %get3A_377 = tpu.vector_load %arg6[%get3A_376] {strides = array<i32>} : memref<8192xi32, #tpu.memory_space<vmem>>, vector<16xi32>,
        %gather3A_378 = tpu.vector_load_idx %arg5[%get3A_377] : memref<100000xf32, #tpu.memory_space<vmem>>[vector<16xi32>], vector<16xf32>,
        %swap3A_379 = arith.index_cast %add3A_373 : i32 to index
        %swap3A_380 = tpu.vector_load %arg9[%swap3A_379] {strides = array<i32>} : memref<4096xf32, #tpu.memory_space<vmem>>, vector<16xf32>,
        tpu.vector_store %arg9[%swap3A_379], %gather3A_378 {strides = array<i32>} : memref<4096xf32, #tpu.memory_space<vmem>>, vector<16xf32>,
        %mul3A_381 = arith.constant 512 : i32
        %mul3A_382 = arith.muli %scan3A_97, %mul3A_381 : i32
        %add3A_383 = arith.constant 416 : i32
        %add3A_384 = arith.addi %mul3A_382, %add3A_383 : i32
        %add3A_385 = arith.constant 4096 : i32
        %add3A_386 = arith.addi %add3A_385, %add3A_384 : i32
        %get3A_387 = arith.index_cast %add3A_386 : i32 to index
        %get3A_388 = tpu.vector_load %arg6[%get3A_387] {strides = array<i32>} : memref<8192xi32, #tpu.memory_space<vmem>>, vector<16xi32>,
        %gather3A_389 = tpu.vector_load_idx %arg5[%get3A_388] : memref<100000xf32, #tpu.memory_space<vmem>>[vector<16xi32>], vector<16xf32>,
        %swap3A_390 = arith.index_cast %add3A_384 : i32 to index
        %swap3A_391 = tpu.vector_load %arg9[%swap3A_390] {strides = array<i32>} : memref<4096xf32, #tpu.memory_space<vmem>>, vector<16xf32>,
        tpu.vector_store %arg9[%swap3A_390], %gather3A_389 {strides = array<i32>} : memref<4096xf32, #tpu.memory_space<vmem>>, vector<16xf32>,
        %mul3A_392 = arith.constant 512 : i32
        %mul3A_393 = arith.muli %scan3A_97, %mul3A_392 : i32
        %add3A_394 = arith.constant 432 : i32
        %add3A_395 = arith.addi %mul3A_393, %add3A_394 : i32
        %add3A_396 = arith.constant 4096 : i32
        %add3A_397 = arith.addi %add3A_396, %add3A_395 : i32
        %get3A_398 = arith.index_cast %add3A_397 : i32 to index
        %get3A_399 = tpu.vector_load %arg6[%get3A_398] {strides = array<i32>} : memref<8192xi32, #tpu.memory_space<vmem>>, vector<16xi32>,
        %gather3A_400 = tpu.vector_load_idx %arg5[%get3A_399] : memref<100000xf32, #tpu.memory_space<vmem>>[vector<16xi32>], vector<16xf32>,
        %swap3A_401 = arith.index_cast %add3A_395 : i32 to index
        %swap3A_402 = tpu.vector_load %arg9[%swap3A_401] {strides = array<i32>} : memref<4096xf32, #tpu.memory_space<vmem>>, vector<16xf32>,
        tpu.vector_store %arg9[%swap3A_401], %gather3A_400 {strides = array<i32>} : memref<4096xf32, #tpu.memory_space<vmem>>, vector<16xf32>,
        %mul3A_403 = arith.constant 512 : i32
        %mul3A_404 = arith.muli %scan3A_97, %mul3A_403 : i32
        %add3A_405 = arith.constant 448 : i32
        %add3A_406 = arith.addi %mul3A_404, %add3A_405 : i32
        %add3A_407 = arith.constant 4096 : i32
        %add3A_408 = arith.addi %add3A_407, %add3A_406 : i32
        %get3A_409 = arith.index_cast %add3A_408 : i32 to index
        %get3A_410 = tpu.vector_load %arg6[%get3A_409] {strides = array<i32>} : memref<8192xi32, #tpu.memory_space<vmem>>, vector<16xi32>,
        %gather3A_411 = tpu.vector_load_idx %arg5[%get3A_410] : memref<100000xf32, #tpu.memory_space<vmem>>[vector<16xi32>], vector<16xf32>,
        %swap3A_412 = arith.index_cast %add3A_406 : i32 to index
        %swap3A_413 = tpu.vector_load %arg9[%swap3A_412] {strides = array<i32>} : memref<4096xf32, #tpu.memory_space<vmem>>, vector<16xf32>,
        tpu.vector_store %arg9[%swap3A_412], %gather3A_411 {strides = array<i32>} : memref<4096xf32, #tpu.memory_space<vmem>>, vector<16xf32>,
        %mul3A_414 = arith.constant 512 : i32
        %mul3A_415 = arith.muli %scan3A_97, %mul3A_414 : i32
        %add3A_416 = arith.constant 464 : i32
        %add3A_417 = arith.addi %mul3A_415, %add3A_416 : i32
        %add3A_418 = arith.constant 4096 : i32
        %add3A_419 = arith.addi %add3A_418, %add3A_417 : i32
        %get3A_420 = arith.index_cast %add3A_419 : i32 to index
        %get3A_421 = tpu.vector_load %arg6[%get3A_420] {strides = array<i32>} : memref<8192xi32, #tpu.memory_space<vmem>>, vector<16xi32>,
        %gather3A_422 = tpu.vector_load_idx %arg5[%get3A_421] : memref<100000xf32, #tpu.memory_space<vmem>>[vector<16xi32>], vector<16xf32>,
        %swap3A_423 = arith.index_cast %add3A_417 : i32 to index
        %swap3A_424 = tpu.vector_load %arg9[%swap3A_423] {strides = array<i32>} : memref<4096xf32, #tpu.memory_space<vmem>>, vector<16xf32>,
        tpu.vector_store %arg9[%swap3A_423], %gather3A_422 {strides = array<i32>} : memref<4096xf32, #tpu.memory_space<vmem>>, vector<16xf32>,
        %mul3A_425 = arith.constant 512 : i32
        %mul3A_426 = arith.muli %scan3A_97, %mul3A_425 : i32
        %add3A_427 = arith.constant 480 : i32
        %add3A_428 = arith.addi %mul3A_426, %add3A_427 : i32
        %add3A_429 = arith.constant 4096 : i32
        %add3A_430 = arith.addi %add3A_429, %add3A_428 : i32
        %get3A_431 = arith.index_cast %add3A_430 : i32 to index
        %get3A_432 = tpu.vector_load %arg6[%get3A_431] {strides = array<i32>} : memref<8192xi32, #tpu.memory_space<vmem>>, vector<16xi32>,
        %gather3A_433 = tpu.vector_load_idx %arg5[%get3A_432] : memref<100000xf32, #tpu.memory_space<vmem>>[vector<16xi32>], vector<16xf32>,
        %swap3A_434 = arith.index_cast %add3A_428 : i32 to index
        %swap3A_435 = tpu.vector_load %arg9[%swap3A_434] {strides = array<i32>} : memref<4096xf32, #tpu.memory_space<vmem>>, vector<16xf32>,
        tpu.vector_store %arg9[%swap3A_434], %gather3A_433 {strides = array<i32>} : memref<4096xf32, #tpu.memory_space<vmem>>, vector<16xf32>,
        %mul3A_436 = arith.constant 512 : i32
        %mul3A_437 = arith.muli %scan3A_97, %mul3A_436 : i32
        %add3A_438 = arith.constant 496 : i32
        %add3A_439 = arith.addi %mul3A_437, %add3A_438 : i32
        %add3A_440 = arith.constant 4096 : i32
        %add3A_441 = arith.addi %add3A_440, %add3A_439 : i32
        %get3A_442 = arith.index_cast %add3A_441 : i32 to index
        %get3A_443 = tpu.vector_load %arg6[%get3A_442] {strides = array<i32>} : memref<8192xi32, #tpu.memory_space<vmem>>, vector<16xi32>,
        %gather3A_444 = tpu.vector_load_idx %arg5[%get3A_443] : memref<100000xf32, #tpu.memory_space<vmem>>[vector<16xi32>], vector<16xf32>,
        %swap3A_445 = arith.index_cast %add3A_439 : i32 to index
        %swap3A_446 = tpu.vector_load %arg9[%swap3A_445] {strides = array<i32>} : memref<4096xf32, #tpu.memory_space<vmem>>, vector<16xf32>,
        tpu.vector_store %arg9[%swap3A_445], %gather3A_444 {strides = array<i32>} : memref<4096xf32, #tpu.memory_space<vmem>>, vector<16xf32>,
      }
      %scan3A_54 = arith.constant 8 : i32
      %dma_start3A_55 = arith.constant 4096 : i32
      %dma_start3A_56 = tpu.memref_slice %arg4[%add3A_22, %dma_start3A_55] : memref<1664x16384xf32, #tpu.memory_space<hbm>> -> memref<1x4096xf32, #tpu.memory_space<hbm>>
      %dma_start3A_57 = tpu.memref_squeeze %dma_start3A_56 : memref<1x4096xf32, #tpu.memory_space<hbm>> -> memref<4096xf32, #tpu.memory_space<hbm>>
      %dma_start3A_58 = arith.constant 4096 : i32
      %dma_start3A_59 = tpu.memref_slice %arg4[%add3A_22, %dma_start3A_58] : memref<1664x16384xf32, #tpu.memory_space<hbm>> -> memref<1x4096xf32, #tpu.memory_space<hbm>>
      %dma_start3A_60 = tpu.memref_squeeze %dma_start3A_59 : memref<1x4096xf32, #tpu.memory_space<hbm>> -> memref<4096xf32, #tpu.memory_space<hbm>>
      tpu.enqueue_dma source(%arg9 : memref<4096xf32, #tpu.memory_space<vmem>>) target(%dma_start3A_60 : memref<4096xf32, #tpu.memory_space<hbm>>) target_semaphore(%arg11 : memref<!tpu.dma_semaphore, #tpu.memory_space<semaphore_mem>>)
      %dma_wait3A_61 = arith.constant 0 : i32
      %dma_wait3A_62 = tpu.memref_slice %arg4[%add3A_22, %dma_wait3A_61] : memref<1664x16384xf32, #tpu.memory_space<hbm>> -> memref<1x4096xf32, #tpu.memory_space<hbm>>
      %dma_wait3A_63 = tpu.memref_squeeze %dma_wait3A_62 : memref<1x4096xf32, #tpu.memory_space<hbm>> -> memref<4096xf32, #tpu.memory_space<hbm>>
      %dma_wait3A_64 = arith.constant 0 : i32
      %dma_wait3A_65 = tpu.memref_slice %arg4[%add3A_22, %dma_wait3A_64] : memref<1664x16384xf32, #tpu.memory_space<hbm>> -> memref<1x4096xf32, #tpu.memory_space<hbm>>
      %dma_wait3A_66 = tpu.memref_squeeze %dma_wait3A_65 : memref<1x4096xf32, #tpu.memory_space<hbm>> -> memref<4096xf32, #tpu.memory_space<hbm>>
      tpu.wait_dma2 semaphore(%arg10 : memref<!tpu.dma_semaphore, #tpu.memory_space<semaphore_mem>>) src(%arg8 : memref<4096xf32, #tpu.memory_space<vmem>>) dst(%dma_wait3A_66 : memref<4096xf32, #tpu.memory_space<hbm>>)
      %scan3A_67 = arith.constant 0 : i32
      %scan3A_68 = arith.constant 0 : i32
      %scan3A_69 = arith.constant 8 : i32
      %scan3A_70 = arith.addi %scan3A_68, %scan3A_69 : i32
      %scan3A_71 = arith.constant 1 : i32
      scf.for %scan3A_97 = %scan3A_68 to %scan3A_70 step %scan3A_71  : i32 {
        %mul3A_98 = arith.constant 512 : i32
        %mul3A_99 = arith.muli %scan3A_97, %mul3A_98 : i32
        %add3A_100 = arith.constant 0 : i32
        %add3A_101 = arith.addi %mul3A_99, %add3A_100 : i32
        %add3A_102 = arith.constant 0 : i32
        %add3A_103 = arith.addi %add3A_102, %add3A_101 : i32
        %get3A = arith.index_cast %add3A_103 : i32 to index
        %get3A_104 = tpu.vector_load %arg7[%get3A] {strides = array<i32>} : memref<8192xi32, #tpu.memory_space<vmem>>, vector<16xi32>,
        %gather3A = tpu.vector_load_idx %arg5[%get3A_104] : memref<100000xf32, #tpu.memory_space<vmem>>[vector<16xi32>], vector<16xf32>,
        %swap3A = arith.index_cast %add3A_101 : i32 to index
        %swap3A_105 = tpu.vector_load %arg8[%swap3A] {strides = array<i32>} : memref<4096xf32, #tpu.memory_space<vmem>>, vector<16xf32>,
        tpu.vector_store %arg8[%swap3A], %gather3A {strides = array<i32>} : memref<4096xf32, #tpu.memory_space<vmem>>, vector<16xf32>,
        %mul3A_106 = arith.constant 512 : i32
        %mul3A_107 = arith.muli %scan3A_97, %mul3A_106 : i32
        %add3A_108 = arith.constant 16 : i32
        %add3A_109 = arith.addi %mul3A_107, %add3A_108 : i32
        %add3A_110 = arith.constant 0 : i32
        %add3A_111 = arith.addi %add3A_110, %add3A_109 : i32
        %get3A_112 = arith.index_cast %add3A_111 : i32 to index
        %get3A_113 = tpu.vector_load %arg7[%get3A_112] {strides = array<i32>} : memref<8192xi32, #tpu.memory_space<vmem>>, vector<16xi32>,
        %gather3A_114 = tpu.vector_load_idx %arg5[%get3A_113] : memref<100000xf32, #tpu.memory_space<vmem>>[vector<16xi32>], vector<16xf32>,
        %swap3A_115 = arith.index_cast %add3A_109 : i32 to index
        %swap3A_116 = tpu.vector_load %arg8[%swap3A_115] {strides = array<i32>} : memref<4096xf32, #tpu.memory_space<vmem>>, vector<16xf32>,
        tpu.vector_store %arg8[%swap3A_115], %gather3A_114 {strides = array<i32>} : memref<4096xf32, #tpu.memory_space<vmem>>, vector<16xf32>,
        %mul3A_117 = arith.constant 512 : i32
        %mul3A_118 = arith.muli %scan3A_97, %mul3A_117 : i32
        %add3A_119 = arith.constant 32 : i32
        %add3A_120 = arith.addi %mul3A_118, %add3A_119 : i32
        %add3A_121 = arith.constant 0 : i32
        %add3A_122 = arith.addi %add3A_121, %add3A_120 : i32
        %get3A_123 = arith.index_cast %add3A_122 : i32 to index
        %get3A_124 = tpu.vector_load %arg7[%get3A_123] {strides = array<i32>} : memref<8192xi32, #tpu.memory_space<vmem>>, vector<16xi32>,
        %gather3A_125 = tpu.vector_load_idx %arg5[%get3A_124] : memref<100000xf32, #tpu.memory_space<vmem>>[vector<16xi32>], vector<16xf32>,
        %swap3A_126 = arith.index_cast %add3A_120 : i32 to index
        %swap3A_127 = tpu.vector_load %arg8[%swap3A_126] {strides = array<i32>} : memref<4096xf32, #tpu.memory_space<vmem>>, vector<16xf32>,
        tpu.vector_store %arg8[%swap3A_126], %gather3A_125 {strides = array<i32>} : memref<4096xf32, #tpu.memory_space<vmem>>, vector<16xf32>,
        %mul3A_128 = arith.constant 512 : i32
        %mul3A_129 = arith.muli %scan3A_97, %mul3A_128 : i32
        %add3A_130 = arith.constant 48 : i32
        %add3A_131 = arith.addi %mul3A_129, %add3A_130 : i32
        %add3A_132 = arith.constant 0 : i32
        %add3A_133 = arith.addi %add3A_132, %add3A_131 : i32
        %get3A_134 = arith.index_cast %add3A_133 : i32 to index
        %get3A_135 = tpu.vector_load %arg7[%get3A_134] {strides = array<i32>} : memref<8192xi32, #tpu.memory_space<vmem>>, vector<16xi32>,
        %gather3A_136 = tpu.vector_load_idx %arg5[%get3A_135] : memref<100000xf32, #tpu.memory_space<vmem>>[vector<16xi32>], vector<16xf32>,
        %swap3A_137 = arith.index_cast %add3A_131 : i32 to index
        %swap3A_138 = tpu.vector_load %arg8[%swap3A_137] {strides = array<i32>} : memref<4096xf32, #tpu.memory_space<vmem>>, vector<16xf32>,
        tpu.vector_store %arg8[%swap3A_137], %gather3A_136 {strides = array<i32>} : memref<4096xf32, #tpu.memory_space<vmem>>, vector<16xf32>,
        %mul3A_139 = arith.constant 512 : i32
        %mul3A_140 = arith.muli %scan3A_97, %mul3A_139 : i32
        %add3A_141 = arith.constant 64 : i32
        %add3A_142 = arith.addi %mul3A_140, %add3A_141 : i32
        %add3A_143 = arith.constant 0 : i32
        %add3A_144 = arith.addi %add3A_143, %add3A_142 : i32
        %get3A_145 = arith.index_cast %add3A_144 : i32 to index
        %get3A_146 = tpu.vector_load %arg7[%get3A_145] {strides = array<i32>} : memref<8192xi32, #tpu.memory_space<vmem>>, vector<16xi32>,
        %gather3A_147 = tpu.vector_load_idx %arg5[%get3A_146] : memref<100000xf32, #tpu.memory_space<vmem>>[vector<16xi32>], vector<16xf32>,
        %swap3A_148 = arith.index_cast %add3A_142 : i32 to index
        %swap3A_149 = tpu.vector_load %arg8[%swap3A_148] {strides = array<i32>} : memref<4096xf32, #tpu.memory_space<vmem>>, vector<16xf32>,
        tpu.vector_store %arg8[%swap3A_148], %gather3A_147 {strides = array<i32>} : memref<4096xf32, #tpu.memory_space<vmem>>, vector<16xf32>,
        %mul3A_150 = arith.constant 512 : i32
        %mul3A_151 = arith.muli %scan3A_97, %mul3A_150 : i32
        %add3A_152 = arith.constant 80 : i32
        %add3A_153 = arith.addi %mul3A_151, %add3A_152 : i32
        %add3A_154 = arith.constant 0 : i32
        %add3A_155 = arith.addi %add3A_154, %add3A_153 : i32
        %get3A_156 = arith.index_cast %add3A_155 : i32 to index
        %get3A_157 = tpu.vector_load %arg7[%get3A_156] {strides = array<i32>} : memref<8192xi32, #tpu.memory_space<vmem>>, vector<16xi32>,
        %gather3A_158 = tpu.vector_load_idx %arg5[%get3A_157] : memref<100000xf32, #tpu.memory_space<vmem>>[vector<16xi32>], vector<16xf32>,
        %swap3A_159 = arith.index_cast %add3A_153 : i32 to index
        %swap3A_160 = tpu.vector_load %arg8[%swap3A_159] {strides = array<i32>} : memref<4096xf32, #tpu.memory_space<vmem>>, vector<16xf32>,
        tpu.vector_store %arg8[%swap3A_159], %gather3A_158 {strides = array<i32>} : memref<4096xf32, #tpu.memory_space<vmem>>, vector<16xf32>,
        %mul3A_161 = arith.constant 512 : i32
        %mul3A_162 = arith.muli %scan3A_97, %mul3A_161 : i32
        %add3A_163 = arith.constant 96 : i32
        %add3A_164 = arith.addi %mul3A_162, %add3A_163 : i32
        %add3A_165 = arith.constant 0 : i32
        %add3A_166 = arith.addi %add3A_165, %add3A_164 : i32
        %get3A_167 = arith.index_cast %add3A_166 : i32 to index
        %get3A_168 = tpu.vector_load %arg7[%get3A_167] {strides = array<i32>} : memref<8192xi32, #tpu.memory_space<vmem>>, vector<16xi32>,
        %gather3A_169 = tpu.vector_load_idx %arg5[%get3A_168] : memref<100000xf32, #tpu.memory_space<vmem>>[vector<16xi32>], vector<16xf32>,
        %swap3A_170 = arith.index_cast %add3A_164 : i32 to index
        %swap3A_171 = tpu.vector_load %arg8[%swap3A_170] {strides = array<i32>} : memref<4096xf32, #tpu.memory_space<vmem>>, vector<16xf32>,
        tpu.vector_store %arg8[%swap3A_170], %gather3A_169 {strides = array<i32>} : memref<4096xf32, #tpu.memory_space<vmem>>, vector<16xf32>,
        %mul3A_172 = arith.constant 512 : i32
        %mul3A_173 = arith.muli %scan3A_97, %mul3A_172 : i32
        %add3A_174 = arith.constant 112 : i32
        %add3A_175 = arith.addi %mul3A_173, %add3A_174 : i32
        %add3A_176 = arith.constant 0 : i32
        %add3A_177 = arith.addi %add3A_176, %add3A_175 : i32
        %get3A_178 = arith.index_cast %add3A_177 : i32 to index
        %get3A_179 = tpu.vector_load %arg7[%get3A_178] {strides = array<i32>} : memref<8192xi32, #tpu.memory_space<vmem>>, vector<16xi32>,
        %gather3A_180 = tpu.vector_load_idx %arg5[%get3A_179] : memref<100000xf32, #tpu.memory_space<vmem>>[vector<16xi32>], vector<16xf32>,
        %swap3A_181 = arith.index_cast %add3A_175 : i32 to index
        %swap3A_182 = tpu.vector_load %arg8[%swap3A_181] {strides = array<i32>} : memref<4096xf32, #tpu.memory_space<vmem>>, vector<16xf32>,
        tpu.vector_store %arg8[%swap3A_181], %gather3A_180 {strides = array<i32>} : memref<4096xf32, #tpu.memory_space<vmem>>, vector<16xf32>,
        %mul3A_183 = arith.constant 512 : i32
        %mul3A_184 = arith.muli %scan3A_97, %mul3A_183 : i32
        %add3A_185 = arith.constant 128 : i32
        %add3A_186 = arith.addi %mul3A_184, %add3A_185 : i32
        %add3A_187 = arith.constant 0 : i32
        %add3A_188 = arith.addi %add3A_187, %add3A_186 : i32
        %get3A_189 = arith.index_cast %add3A_188 : i32 to index
        %get3A_190 = tpu.vector_load %arg7[%get3A_189] {strides = array<i32>} : memref<8192xi32, #tpu.memory_space<vmem>>, vector<16xi32>,
        %gather3A_191 = tpu.vector_load_idx %arg5[%get3A_190] : memref<100000xf32, #tpu.memory_space<vmem>>[vector<16xi32>], vector<16xf32>,
        %swap3A_192 = arith.index_cast %add3A_186 : i32 to index
        %swap3A_193 = tpu.vector_load %arg8[%swap3A_192] {strides = array<i32>} : memref<4096xf32, #tpu.memory_space<vmem>>, vector<16xf32>,
        tpu.vector_store %arg8[%swap3A_192], %gather3A_191 {strides = array<i32>} : memref<4096xf32, #tpu.memory_space<vmem>>, vector<16xf32>,
        %mul3A_194 = arith.constant 512 : i32
        %mul3A_195 = arith.muli %scan3A_97, %mul3A_194 : i32
        %add3A_196 = arith.constant 144 : i32
        %add3A_197 = arith.addi %mul3A_195, %add3A_196 : i32
        %add3A_198 = arith.constant 0 : i32
        %add3A_199 = arith.addi %add3A_198, %add3A_197 : i32
        %get3A_200 = arith.index_cast %add3A_199 : i32 to index
        %get3A_201 = tpu.vector_load %arg7[%get3A_200] {strides = array<i32>} : memref<8192xi32, #tpu.memory_space<vmem>>, vector<16xi32>,
        %gather3A_202 = tpu.vector_load_idx %arg5[%get3A_201] : memref<100000xf32, #tpu.memory_space<vmem>>[vector<16xi32>], vector<16xf32>,
        %swap3A_203 = arith.index_cast %add3A_197 : i32 to index
        %swap3A_204 = tpu.vector_load %arg8[%swap3A_203] {strides = array<i32>} : memref<4096xf32, #tpu.memory_space<vmem>>, vector<16xf32>,
        tpu.vector_store %arg8[%swap3A_203], %gather3A_202 {strides = array<i32>} : memref<4096xf32, #tpu.memory_space<vmem>>, vector<16xf32>,
        %mul3A_205 = arith.constant 512 : i32
        %mul3A_206 = arith.muli %scan3A_97, %mul3A_205 : i32
        %add3A_207 = arith.constant 160 : i32
        %add3A_208 = arith.addi %mul3A_206, %add3A_207 : i32
        %add3A_209 = arith.constant 0 : i32
        %add3A_210 = arith.addi %add3A_209, %add3A_208 : i32
        %get3A_211 = arith.index_cast %add3A_210 : i32 to index
        %get3A_212 = tpu.vector_load %arg7[%get3A_211] {strides = array<i32>} : memref<8192xi32, #tpu.memory_space<vmem>>, vector<16xi32>,
        %gather3A_213 = tpu.vector_load_idx %arg5[%get3A_212] : memref<100000xf32, #tpu.memory_space<vmem>>[vector<16xi32>], vector<16xf32>,
        %swap3A_214 = arith.index_cast %add3A_208 : i32 to index
        %swap3A_215 = tpu.vector_load %arg8[%swap3A_214] {strides = array<i32>} : memref<4096xf32, #tpu.memory_space<vmem>>, vector<16xf32>,
        tpu.vector_store %arg8[%swap3A_214], %gather3A_213 {strides = array<i32>} : memref<4096xf32, #tpu.memory_space<vmem>>, vector<16xf32>,
        %mul3A_216 = arith.constant 512 : i32
        %mul3A_217 = arith.muli %scan3A_97, %mul3A_216 : i32
        %add3A_218 = arith.constant 176 : i32
        %add3A_219 = arith.addi %mul3A_217, %add3A_218 : i32
        %add3A_220 = arith.constant 0 : i32
        %add3A_221 = arith.addi %add3A_220, %add3A_219 : i32
        %get3A_222 = arith.index_cast %add3A_221 : i32 to index
        %get3A_223 = tpu.vector_load %arg7[%get3A_222] {strides = array<i32>} : memref<8192xi32, #tpu.memory_space<vmem>>, vector<16xi32>,
        %gather3A_224 = tpu.vector_load_idx %arg5[%get3A_223] : memref<100000xf32, #tpu.memory_space<vmem>>[vector<16xi32>], vector<16xf32>,
        %swap3A_225 = arith.index_cast %add3A_219 : i32 to index
        %swap3A_226 = tpu.vector_load %arg8[%swap3A_225] {strides = array<i32>} : memref<4096xf32, #tpu.memory_space<vmem>>, vector<16xf32>,
        tpu.vector_store %arg8[%swap3A_225], %gather3A_224 {strides = array<i32>} : memref<4096xf32, #tpu.memory_space<vmem>>, vector<16xf32>,
        %mul3A_227 = arith.constant 512 : i32
        %mul3A_228 = arith.muli %scan3A_97, %mul3A_227 : i32
        %add3A_229 = arith.constant 192 : i32
        %add3A_230 = arith.addi %mul3A_228, %add3A_229 : i32
        %add3A_231 = arith.constant 0 : i32
        %add3A_232 = arith.addi %add3A_231, %add3A_230 : i32
        %get3A_233 = arith.index_cast %add3A_232 : i32 to index
        %get3A_234 = tpu.vector_load %arg7[%get3A_233] {strides = array<i32>} : memref<8192xi32, #tpu.memory_space<vmem>>, vector<16xi32>,
        %gather3A_235 = tpu.vector_load_idx %arg5[%get3A_234] : memref<100000xf32, #tpu.memory_space<vmem>>[vector<16xi32>], vector<16xf32>,
        %swap3A_236 = arith.index_cast %add3A_230 : i32 to index
        %swap3A_237 = tpu.vector_load %arg8[%swap3A_236] {strides = array<i32>} : memref<4096xf32, #tpu.memory_space<vmem>>, vector<16xf32>,
        tpu.vector_store %arg8[%swap3A_236], %gather3A_235 {strides = array<i32>} : memref<4096xf32, #tpu.memory_space<vmem>>, vector<16xf32>,
        %mul3A_238 = arith.constant 512 : i32
        %mul3A_239 = arith.muli %scan3A_97, %mul3A_238 : i32
        %add3A_240 = arith.constant 208 : i32
        %add3A_241 = arith.addi %mul3A_239, %add3A_240 : i32
        %add3A_242 = arith.constant 0 : i32
        %add3A_243 = arith.addi %add3A_242, %add3A_241 : i32
        %get3A_244 = arith.index_cast %add3A_243 : i32 to index
        %get3A_245 = tpu.vector_load %arg7[%get3A_244] {strides = array<i32>} : memref<8192xi32, #tpu.memory_space<vmem>>, vector<16xi32>,
        %gather3A_246 = tpu.vector_load_idx %arg5[%get3A_245] : memref<100000xf32, #tpu.memory_space<vmem>>[vector<16xi32>], vector<16xf32>,
        %swap3A_247 = arith.index_cast %add3A_241 : i32 to index
        %swap3A_248 = tpu.vector_load %arg8[%swap3A_247] {strides = array<i32>} : memref<4096xf32, #tpu.memory_space<vmem>>, vector<16xf32>,
        tpu.vector_store %arg8[%swap3A_247], %gather3A_246 {strides = array<i32>} : memref<4096xf32, #tpu.memory_space<vmem>>, vector<16xf32>,
        %mul3A_249 = arith.constant 512 : i32
        %mul3A_250 = arith.muli %scan3A_97, %mul3A_249 : i32
        %add3A_251 = arith.constant 224 : i32
        %add3A_252 = arith.addi %mul3A_250, %add3A_251 : i32
        %add3A_253 = arith.constant 0 : i32
        %add3A_254 = arith.addi %add3A_253, %add3A_252 : i32
        %get3A_255 = arith.index_cast %add3A_254 : i32 to index
        %get3A_256 = tpu.vector_load %arg7[%get3A_255] {strides = array<i32>} : memref<8192xi32, #tpu.memory_space<vmem>>, vector<16xi32>,
        %gather3A_257 = tpu.vector_load_idx %arg5[%get3A_256] : memref<100000xf32, #tpu.memory_space<vmem>>[vector<16xi32>], vector<16xf32>,
        %swap3A_258 = arith.index_cast %add3A_252 : i32 to index
        %swap3A_259 = tpu.vector_load %arg8[%swap3A_258] {strides = array<i32>} : memref<4096xf32, #tpu.memory_space<vmem>>, vector<16xf32>,
        tpu.vector_store %arg8[%swap3A_258], %gather3A_257 {strides = array<i32>} : memref<4096xf32, #tpu.memory_space<vmem>>, vector<16xf32>,
        %mul3A_260 = arith.constant 512 : i32
        %mul3A_261 = arith.muli %scan3A_97, %mul3A_260 : i32
        %add3A_262 = arith.constant 240 : i32
        %add3A_263 = arith.addi %mul3A_261, %add3A_262 : i32
        %add3A_264 = arith.constant 0 : i32
        %add3A_265 = arith.addi %add3A_264, %add3A_263 : i32
        %get3A_266 = arith.index_cast %add3A_265 : i32 to index
        %get3A_267 = tpu.vector_load %arg7[%get3A_266] {strides = array<i32>} : memref<8192xi32, #tpu.memory_space<vmem>>, vector<16xi32>,
        %gather3A_268 = tpu.vector_load_idx %arg5[%get3A_267] : memref<100000xf32, #tpu.memory_space<vmem>>[vector<16xi32>], vector<16xf32>,
        %swap3A_269 = arith.index_cast %add3A_263 : i32 to index
        %swap3A_270 = tpu.vector_load %arg8[%swap3A_269] {strides = array<i32>} : memref<4096xf32, #tpu.memory_space<vmem>>, vector<16xf32>,
        tpu.vector_store %arg8[%swap3A_269], %gather3A_268 {strides = array<i32>} : memref<4096xf32, #tpu.memory_space<vmem>>, vector<16xf32>,
        %mul3A_271 = arith.constant 512 : i32
        %mul3A_272 = arith.muli %scan3A_97, %mul3A_271 : i32
        %add3A_273 = arith.constant 256 : i32
        %add3A_274 = arith.addi %mul3A_272, %add3A_273 : i32
        %add3A_275 = arith.constant 0 : i32
        %add3A_276 = arith.addi %add3A_275, %add3A_274 : i32
        %get3A_277 = arith.index_cast %add3A_276 : i32 to index
        %get3A_278 = tpu.vector_load %arg7[%get3A_277] {strides = array<i32>} : memref<8192xi32, #tpu.memory_space<vmem>>, vector<16xi32>,
        %gather3A_279 = tpu.vector_load_idx %arg5[%get3A_278] : memref<100000xf32, #tpu.memory_space<vmem>>[vector<16xi32>], vector<16xf32>,
        %swap3A_280 = arith.index_cast %add3A_274 : i32 to index
        %swap3A_281 = tpu.vector_load %arg8[%swap3A_280] {strides = array<i32>} : memref<4096xf32, #tpu.memory_space<vmem>>, vector<16xf32>,
        tpu.vector_store %arg8[%swap3A_280], %gather3A_279 {strides = array<i32>} : memref<4096xf32, #tpu.memory_space<vmem>>, vector<16xf32>,
        %mul3A_282 = arith.constant 512 : i32
        %mul3A_283 = arith.muli %scan3A_97, %mul3A_282 : i32
        %add3A_284 = arith.constant 272 : i32
        %add3A_285 = arith.addi %mul3A_283, %add3A_284 : i32
        %add3A_286 = arith.constant 0 : i32
        %add3A_287 = arith.addi %add3A_286, %add3A_285 : i32
        %get3A_288 = arith.index_cast %add3A_287 : i32 to index
        %get3A_289 = tpu.vector_load %arg7[%get3A_288] {strides = array<i32>} : memref<8192xi32, #tpu.memory_space<vmem>>, vector<16xi32>,
        %gather3A_290 = tpu.vector_load_idx %arg5[%get3A_289] : memref<100000xf32, #tpu.memory_space<vmem>>[vector<16xi32>], vector<16xf32>,
        %swap3A_291 = arith.index_cast %add3A_285 : i32 to index
        %swap3A_292 = tpu.vector_load %arg8[%swap3A_291] {strides = array<i32>} : memref<4096xf32, #tpu.memory_space<vmem>>, vector<16xf32>,
        tpu.vector_store %arg8[%swap3A_291], %gather3A_290 {strides = array<i32>} : memref<4096xf32, #tpu.memory_space<vmem>>, vector<16xf32>,
        %mul3A_293 = arith.constant 512 : i32
        %mul3A_294 = arith.muli %scan3A_97, %mul3A_293 : i32
        %add3A_295 = arith.constant 288 : i32
        %add3A_296 = arith.addi %mul3A_294, %add3A_295 : i32
        %add3A_297 = arith.constant 0 : i32
        %add3A_298 = arith.addi %add3A_297, %add3A_296 : i32
        %get3A_299 = arith.index_cast %add3A_298 : i32 to index
        %get3A_300 = tpu.vector_load %arg7[%get3A_299] {strides = array<i32>} : memref<8192xi32, #tpu.memory_space<vmem>>, vector<16xi32>,
        %gather3A_301 = tpu.vector_load_idx %arg5[%get3A_300] : memref<100000xf32, #tpu.memory_space<vmem>>[vector<16xi32>], vector<16xf32>,
        %swap3A_302 = arith.index_cast %add3A_296 : i32 to index
        %swap3A_303 = tpu.vector_load %arg8[%swap3A_302] {strides = array<i32>} : memref<4096xf32, #tpu.memory_space<vmem>>, vector<16xf32>,
        tpu.vector_store %arg8[%swap3A_302], %gather3A_301 {strides = array<i32>} : memref<4096xf32, #tpu.memory_space<vmem>>, vector<16xf32>,
        %mul3A_304 = arith.constant 512 : i32
        %mul3A_305 = arith.muli %scan3A_97, %mul3A_304 : i32
        %add3A_306 = arith.constant 304 : i32
        %add3A_307 = arith.addi %mul3A_305, %add3A_306 : i32
        %add3A_308 = arith.constant 0 : i32
        %add3A_309 = arith.addi %add3A_308, %add3A_307 : i32
        %get3A_310 = arith.index_cast %add3A_309 : i32 to index
        %get3A_311 = tpu.vector_load %arg7[%get3A_310] {strides = array<i32>} : memref<8192xi32, #tpu.memory_space<vmem>>, vector<16xi32>,
        %gather3A_312 = tpu.vector_load_idx %arg5[%get3A_311] : memref<100000xf32, #tpu.memory_space<vmem>>[vector<16xi32>], vector<16xf32>,
        %swap3A_313 = arith.index_cast %add3A_307 : i32 to index
        %swap3A_314 = tpu.vector_load %arg8[%swap3A_313] {strides = array<i32>} : memref<4096xf32, #tpu.memory_space<vmem>>, vector<16xf32>,
        tpu.vector_store %arg8[%swap3A_313], %gather3A_312 {strides = array<i32>} : memref<4096xf32, #tpu.memory_space<vmem>>, vector<16xf32>,
        %mul3A_315 = arith.constant 512 : i32
        %mul3A_316 = arith.muli %scan3A_97, %mul3A_315 : i32
        %add3A_317 = arith.constant 320 : i32
        %add3A_318 = arith.addi %mul3A_316, %add3A_317 : i32
        %add3A_319 = arith.constant 0 : i32
        %add3A_320 = arith.addi %add3A_319, %add3A_318 : i32
        %get3A_321 = arith.index_cast %add3A_320 : i32 to index
        %get3A_322 = tpu.vector_load %arg7[%get3A_321] {strides = array<i32>} : memref<8192xi32, #tpu.memory_space<vmem>>, vector<16xi32>,
        %gather3A_323 = tpu.vector_load_idx %arg5[%get3A_322] : memref<100000xf32, #tpu.memory_space<vmem>>[vector<16xi32>], vector<16xf32>,
        %swap3A_324 = arith.index_cast %add3A_318 : i32 to index
        %swap3A_325 = tpu.vector_load %arg8[%swap3A_324] {strides = array<i32>} : memref<4096xf32, #tpu.memory_space<vmem>>, vector<16xf32>,
        tpu.vector_store %arg8[%swap3A_324], %gather3A_323 {strides = array<i32>} : memref<4096xf32, #tpu.memory_space<vmem>>, vector<16xf32>,
        %mul3A_326 = arith.constant 512 : i32
        %mul3A_327 = arith.muli %scan3A_97, %mul3A_326 : i32
        %add3A_328 = arith.constant 336 : i32
        %add3A_329 = arith.addi %mul3A_327, %add3A_328 : i32
        %add3A_330 = arith.constant 0 : i32
        %add3A_331 = arith.addi %add3A_330, %add3A_329 : i32
        %get3A_332 = arith.index_cast %add3A_331 : i32 to index
        %get3A_333 = tpu.vector_load %arg7[%get3A_332] {strides = array<i32>} : memref<8192xi32, #tpu.memory_space<vmem>>, vector<16xi32>,
        %gather3A_334 = tpu.vector_load_idx %arg5[%get3A_333] : memref<100000xf32, #tpu.memory_space<vmem>>[vector<16xi32>], vector<16xf32>,
        %swap3A_335 = arith.index_cast %add3A_329 : i32 to index
        %swap3A_336 = tpu.vector_load %arg8[%swap3A_335] {strides = array<i32>} : memref<4096xf32, #tpu.memory_space<vmem>>, vector<16xf32>,
        tpu.vector_store %arg8[%swap3A_335], %gather3A_334 {strides = array<i32>} : memref<4096xf32, #tpu.memory_space<vmem>>, vector<16xf32>,
        %mul3A_337 = arith.constant 512 : i32
        %mul3A_338 = arith.muli %scan3A_97, %mul3A_337 : i32
        %add3A_339 = arith.constant 352 : i32
        %add3A_340 = arith.addi %mul3A_338, %add3A_339 : i32
        %add3A_341 = arith.constant 0 : i32
        %add3A_342 = arith.addi %add3A_341, %add3A_340 : i32
        %get3A_343 = arith.index_cast %add3A_342 : i32 to index
        %get3A_344 = tpu.vector_load %arg7[%get3A_343] {strides = array<i32>} : memref<8192xi32, #tpu.memory_space<vmem>>, vector<16xi32>,
        %gather3A_345 = tpu.vector_load_idx %arg5[%get3A_344] : memref<100000xf32, #tpu.memory_space<vmem>>[vector<16xi32>], vector<16xf32>,
        %swap3A_346 = arith.index_cast %add3A_340 : i32 to index
        %swap3A_347 = tpu.vector_load %arg8[%swap3A_346] {strides = array<i32>} : memref<4096xf32, #tpu.memory_space<vmem>>, vector<16xf32>,
        tpu.vector_store %arg8[%swap3A_346], %gather3A_345 {strides = array<i32>} : memref<4096xf32, #tpu.memory_space<vmem>>, vector<16xf32>,
        %mul3A_348 = arith.constant 512 : i32
        %mul3A_349 = arith.muli %scan3A_97, %mul3A_348 : i32
        %add3A_350 = arith.constant 368 : i32
        %add3A_351 = arith.addi %mul3A_349, %add3A_350 : i32
        %add3A_352 = arith.constant 0 : i32
        %add3A_353 = arith.addi %add3A_352, %add3A_351 : i32
        %get3A_354 = arith.index_cast %add3A_353 : i32 to index
        %get3A_355 = tpu.vector_load %arg7[%get3A_354] {strides = array<i32>} : memref<8192xi32, #tpu.memory_space<vmem>>, vector<16xi32>,
        %gather3A_356 = tpu.vector_load_idx %arg5[%get3A_355] : memref<100000xf32, #tpu.memory_space<vmem>>[vector<16xi32>], vector<16xf32>,
        %swap3A_357 = arith.index_cast %add3A_351 : i32 to index
        %swap3A_358 = tpu.vector_load %arg8[%swap3A_357] {strides = array<i32>} : memref<4096xf32, #tpu.memory_space<vmem>>, vector<16xf32>,
        tpu.vector_store %arg8[%swap3A_357], %gather3A_356 {strides = array<i32>} : memref<4096xf32, #tpu.memory_space<vmem>>, vector<16xf32>,
        %mul3A_359 = arith.constant 512 : i32
        %mul3A_360 = arith.muli %scan3A_97, %mul3A_359 : i32
        %add3A_361 = arith.constant 384 : i32
        %add3A_362 = arith.addi %mul3A_360, %add3A_361 : i32
        %add3A_363 = arith.constant 0 : i32
        %add3A_364 = arith.addi %add3A_363, %add3A_362 : i32
        %get3A_365 = arith.index_cast %add3A_364 : i32 to index
        %get3A_366 = tpu.vector_load %arg7[%get3A_365] {strides = array<i32>} : memref<8192xi32, #tpu.memory_space<vmem>>, vector<16xi32>,
        %gather3A_367 = tpu.vector_load_idx %arg5[%get3A_366] : memref<100000xf32, #tpu.memory_space<vmem>>[vector<16xi32>], vector<16xf32>,
        %swap3A_368 = arith.index_cast %add3A_362 : i32 to index
        %swap3A_369 = tpu.vector_load %arg8[%swap3A_368] {strides = array<i32>} : memref<4096xf32, #tpu.memory_space<vmem>>, vector<16xf32>,
        tpu.vector_store %arg8[%swap3A_368], %gather3A_367 {strides = array<i32>} : memref<4096xf32, #tpu.memory_space<vmem>>, vector<16xf32>,
        %mul3A_370 = arith.constant 512 : i32
        %mul3A_371 = arith.muli %scan3A_97, %mul3A_370 : i32
        %add3A_372 = arith.constant 400 : i32
        %add3A_373 = arith.addi %mul3A_371, %add3A_372 : i32
        %add3A_374 = arith.constant 0 : i32
        %add3A_375 = arith.addi %add3A_374, %add3A_373 : i32
        %get3A_376 = arith.index_cast %add3A_375 : i32 to index
        %get3A_377 = tpu.vector_load %arg7[%get3A_376] {strides = array<i32>} : memref<8192xi32, #tpu.memory_space<vmem>>, vector<16xi32>,
        %gather3A_378 = tpu.vector_load_idx %arg5[%get3A_377] : memref<100000xf32, #tpu.memory_space<vmem>>[vector<16xi32>], vector<16xf32>,
        %swap3A_379 = arith.index_cast %add3A_373 : i32 to index
        %swap3A_380 = tpu.vector_load %arg8[%swap3A_379] {strides = array<i32>} : memref<4096xf32, #tpu.memory_space<vmem>>, vector<16xf32>,
        tpu.vector_store %arg8[%swap3A_379], %gather3A_378 {strides = array<i32>} : memref<4096xf32, #tpu.memory_space<vmem>>, vector<16xf32>,
        %mul3A_381 = arith.constant 512 : i32
        %mul3A_382 = arith.muli %scan3A_97, %mul3A_381 : i32
        %add3A_383 = arith.constant 416 : i32
        %add3A_384 = arith.addi %mul3A_382, %add3A_383 : i32
        %add3A_385 = arith.constant 0 : i32
        %add3A_386 = arith.addi %add3A_385, %add3A_384 : i32
        %get3A_387 = arith.index_cast %add3A_386 : i32 to index
        %get3A_388 = tpu.vector_load %arg7[%get3A_387] {strides = array<i32>} : memref<8192xi32, #tpu.memory_space<vmem>>, vector<16xi32>,
        %gather3A_389 = tpu.vector_load_idx %arg5[%get3A_388] : memref<100000xf32, #tpu.memory_space<vmem>>[vector<16xi32>], vector<16xf32>,
        %swap3A_390 = arith.index_cast %add3A_384 : i32 to index
        %swap3A_391 = tpu.vector_load %arg8[%swap3A_390] {strides = array<i32>} : memref<4096xf32, #tpu.memory_space<vmem>>, vector<16xf32>,
        tpu.vector_store %arg8[%swap3A_390], %gather3A_389 {strides = array<i32>} : memref<4096xf32, #tpu.memory_space<vmem>>, vector<16xf32>,
        %mul3A_392 = arith.constant 512 : i32
        %mul3A_393 = arith.muli %scan3A_97, %mul3A_392 : i32
        %add3A_394 = arith.constant 432 : i32
        %add3A_395 = arith.addi %mul3A_393, %add3A_394 : i32
        %add3A_396 = arith.constant 0 : i32
        %add3A_397 = arith.addi %add3A_396, %add3A_395 : i32
        %get3A_398 = arith.index_cast %add3A_397 : i32 to index
        %get3A_399 = tpu.vector_load %arg7[%get3A_398] {strides = array<i32>} : memref<8192xi32, #tpu.memory_space<vmem>>, vector<16xi32>,
        %gather3A_400 = tpu.vector_load_idx %arg5[%get3A_399] : memref<100000xf32, #tpu.memory_space<vmem>>[vector<16xi32>], vector<16xf32>,
        %swap3A_401 = arith.index_cast %add3A_395 : i32 to index
        %swap3A_402 = tpu.vector_load %arg8[%swap3A_401] {strides = array<i32>} : memref<4096xf32, #tpu.memory_space<vmem>>, vector<16xf32>,
        tpu.vector_store %arg8[%swap3A_401], %gather3A_400 {strides = array<i32>} : memref<4096xf32, #tpu.memory_space<vmem>>, vector<16xf32>,
        %mul3A_403 = arith.constant 512 : i32
        %mul3A_404 = arith.muli %scan3A_97, %mul3A_403 : i32
        %add3A_405 = arith.constant 448 : i32
        %add3A_406 = arith.addi %mul3A_404, %add3A_405 : i32
        %add3A_407 = arith.constant 0 : i32
        %add3A_408 = arith.addi %add3A_407, %add3A_406 : i32
        %get3A_409 = arith.index_cast %add3A_408 : i32 to index
        %get3A_410 = tpu.vector_load %arg7[%get3A_409] {strides = array<i32>} : memref<8192xi32, #tpu.memory_space<vmem>>, vector<16xi32>,
        %gather3A_411 = tpu.vector_load_idx %arg5[%get3A_410] : memref<100000xf32, #tpu.memory_space<vmem>>[vector<16xi32>], vector<16xf32>,
        %swap3A_412 = arith.index_cast %add3A_406 : i32 to index
        %swap3A_413 = tpu.vector_load %arg8[%swap3A_412] {strides = array<i32>} : memref<4096xf32, #tpu.memory_space<vmem>>, vector<16xf32>,
        tpu.vector_store %arg8[%swap3A_412], %gather3A_411 {strides = array<i32>} : memref<4096xf32, #tpu.memory_space<vmem>>, vector<16xf32>,
        %mul3A_414 = arith.constant 512 : i32
        %mul3A_415 = arith.muli %scan3A_97, %mul3A_414 : i32
        %add3A_416 = arith.constant 464 : i32
        %add3A_417 = arith.addi %mul3A_415, %add3A_416 : i32
        %add3A_418 = arith.constant 0 : i32
        %add3A_419 = arith.addi %add3A_418, %add3A_417 : i32
        %get3A_420 = arith.index_cast %add3A_419 : i32 to index
        %get3A_421 = tpu.vector_load %arg7[%get3A_420] {strides = array<i32>} : memref<8192xi32, #tpu.memory_space<vmem>>, vector<16xi32>,
        %gather3A_422 = tpu.vector_load_idx %arg5[%get3A_421] : memref<100000xf32, #tpu.memory_space<vmem>>[vector<16xi32>], vector<16xf32>,
        %swap3A_423 = arith.index_cast %add3A_417 : i32 to index
        %swap3A_424 = tpu.vector_load %arg8[%swap3A_423] {strides = array<i32>} : memref<4096xf32, #tpu.memory_space<vmem>>, vector<16xf32>,
        tpu.vector_store %arg8[%swap3A_423], %gather3A_422 {strides = array<i32>} : memref<4096xf32, #tpu.memory_space<vmem>>, vector<16xf32>,
        %mul3A_425 = arith.constant 512 : i32
        %mul3A_426 = arith.muli %scan3A_97, %mul3A_425 : i32
        %add3A_427 = arith.constant 480 : i32
        %add3A_428 = arith.addi %mul3A_426, %add3A_427 : i32
        %add3A_429 = arith.constant 0 : i32
        %add3A_430 = arith.addi %add3A_429, %add3A_428 : i32
        %get3A_431 = arith.index_cast %add3A_430 : i32 to index
        %get3A_432 = tpu.vector_load %arg7[%get3A_431] {strides = array<i32>} : memref<8192xi32, #tpu.memory_space<vmem>>, vector<16xi32>,
        %gather3A_433 = tpu.vector_load_idx %arg5[%get3A_432] : memref<100000xf32, #tpu.memory_space<vmem>>[vector<16xi32>], vector<16xf32>,
        %swap3A_434 = arith.index_cast %add3A_428 : i32 to index
        %swap3A_435 = tpu.vector_load %arg8[%swap3A_434] {strides = array<i32>} : memref<4096xf32, #tpu.memory_space<vmem>>, vector<16xf32>,
        tpu.vector_store %arg8[%swap3A_434], %gather3A_433 {strides = array<i32>} : memref<4096xf32, #tpu.memory_space<vmem>>, vector<16xf32>,
        %mul3A_436 = arith.constant 512 : i32
        %mul3A_437 = arith.muli %scan3A_97, %mul3A_436 : i32
        %add3A_438 = arith.constant 496 : i32
        %add3A_439 = arith.addi %mul3A_437, %add3A_438 : i32
        %add3A_440 = arith.constant 0 : i32
        %add3A_441 = arith.addi %add3A_440, %add3A_439 : i32
        %get3A_442 = arith.index_cast %add3A_441 : i32 to index
        %get3A_443 = tpu.vector_load %arg7[%get3A_442] {strides = array<i32>} : memref<8192xi32, #tpu.memory_space<vmem>>, vector<16xi32>,
        %gather3A_444 = tpu.vector_load_idx %arg5[%get3A_443] : memref<100000xf32, #tpu.memory_space<vmem>>[vector<16xi32>], vector<16xf32>,
        %swap3A_445 = arith.index_cast %add3A_439 : i32 to index
        %swap3A_446 = tpu.vector_load %arg8[%swap3A_445] {strides = array<i32>} : memref<4096xf32, #tpu.memory_space<vmem>>, vector<16xf32>,
        tpu.vector_store %arg8[%swap3A_445], %gather3A_444 {strides = array<i32>} : memref<4096xf32, #tpu.memory_space<vmem>>, vector<16xf32>,
      }
      %scan3A_72 = arith.constant 8 : i32
      %dma_start3A_73 = arith.constant 8192 : i32
      %dma_start3A_74 = tpu.memref_slice %arg4[%add3A_22, %dma_start3A_73] : memref<1664x16384xf32, #tpu.memory_space<hbm>> -> memref<1x4096xf32, #tpu.memory_space<hbm>>
      %dma_start3A_75 = tpu.memref_squeeze %dma_start3A_74 : memref<1x4096xf32, #tpu.memory_space<hbm>> -> memref<4096xf32, #tpu.memory_space<hbm>>
      %dma_start3A_76 = arith.constant 8192 : i32
      %dma_start3A_77 = tpu.memref_slice %arg4[%add3A_22, %dma_start3A_76] : memref<1664x16384xf32, #tpu.memory_space<hbm>> -> memref<1x4096xf32, #tpu.memory_space<hbm>>
      %dma_start3A_78 = tpu.memref_squeeze %dma_start3A_77 : memref<1x4096xf32, #tpu.memory_space<hbm>> -> memref<4096xf32, #tpu.memory_space<hbm>>
      tpu.enqueue_dma source(%arg8 : memref<4096xf32, #tpu.memory_space<vmem>>) target(%dma_start3A_78 : memref<4096xf32, #tpu.memory_space<hbm>>) target_semaphore(%arg10 : memref<!tpu.dma_semaphore, #tpu.memory_space<semaphore_mem>>)
      %dma_wait3A_79 = arith.constant 0 : i32
      %dma_wait3A_80 = tpu.memref_slice %arg4[%add3A_22, %dma_wait3A_79] : memref<1664x16384xf32, #tpu.memory_space<hbm>> -> memref<1x4096xf32, #tpu.memory_space<hbm>>
      %dma_wait3A_81 = tpu.memref_squeeze %dma_wait3A_80 : memref<1x4096xf32, #tpu.memory_space<hbm>> -> memref<4096xf32, #tpu.memory_space<hbm>>
      %dma_wait3A_82 = arith.constant 0 : i32
      %dma_wait3A_83 = tpu.memref_slice %arg4[%add3A_22, %dma_wait3A_82] : memref<1664x16384xf32, #tpu.memory_space<hbm>> -> memref<1x4096xf32, #tpu.memory_space<hbm>>
      %dma_wait3A_84 = tpu.memref_squeeze %dma_wait3A_83 : memref<1x4096xf32, #tpu.memory_space<hbm>> -> memref<4096xf32, #tpu.memory_space<hbm>>
      tpu.wait_dma2 semaphore(%arg11 : memref<!tpu.dma_semaphore, #tpu.memory_space<semaphore_mem>>) src(%arg9 : memref<4096xf32, #tpu.memory_space<vmem>>) dst(%dma_wait3A_84 : memref<4096xf32, #tpu.memory_space<hbm>>)
      %scan3A_85 = arith.constant 0 : i32
      %scan3A_86 = arith.constant 0 : i32
      %scan3A_87 = arith.constant 8 : i32
      %scan3A_88 = arith.addi %scan3A_86, %scan3A_87 : i32
      %scan3A_89 = arith.constant 1 : i32
      scf.for %scan3A_97 = %scan3A_86 to %scan3A_88 step %scan3A_89  : i32 {
        %mul3A_98 = arith.constant 512 : i32
        %mul3A_99 = arith.muli %scan3A_97, %mul3A_98 : i32
        %add3A_100 = arith.constant 0 : i32
        %add3A_101 = arith.addi %mul3A_99, %add3A_100 : i32
        %add3A_102 = arith.constant 4096 : i32
        %add3A_103 = arith.addi %add3A_102, %add3A_101 : i32
        %get3A = arith.index_cast %add3A_103 : i32 to index
        %get3A_104 = tpu.vector_load %arg7[%get3A] {strides = array<i32>} : memref<8192xi32, #tpu.memory_space<vmem>>, vector<16xi32>,
        %gather3A = tpu.vector_load_idx %arg5[%get3A_104] : memref<100000xf32, #tpu.memory_space<vmem>>[vector<16xi32>], vector<16xf32>,
        %swap3A = arith.index_cast %add3A_101 : i32 to index
        %swap3A_105 = tpu.vector_load %arg9[%swap3A] {strides = array<i32>} : memref<4096xf32, #tpu.memory_space<vmem>>, vector<16xf32>,
        tpu.vector_store %arg9[%swap3A], %gather3A {strides = array<i32>} : memref<4096xf32, #tpu.memory_space<vmem>>, vector<16xf32>,
        %mul3A_106 = arith.constant 512 : i32
        %mul3A_107 = arith.muli %scan3A_97, %mul3A_106 : i32
        %add3A_108 = arith.constant 16 : i32
        %add3A_109 = arith.addi %mul3A_107, %add3A_108 : i32
        %add3A_110 = arith.constant 4096 : i32
        %add3A_111 = arith.addi %add3A_110, %add3A_109 : i32
        %get3A_112 = arith.index_cast %add3A_111 : i32 to index
        %get3A_113 = tpu.vector_load %arg7[%get3A_112] {strides = array<i32>} : memref<8192xi32, #tpu.memory_space<vmem>>, vector<16xi32>,
        %gather3A_114 = tpu.vector_load_idx %arg5[%get3A_113] : memref<100000xf32, #tpu.memory_space<vmem>>[vector<16xi32>], vector<16xf32>,
        %swap3A_115 = arith.index_cast %add3A_109 : i32 to index
        %swap3A_116 = tpu.vector_load %arg9[%swap3A_115] {strides = array<i32>} : memref<4096xf32, #tpu.memory_space<vmem>>, vector<16xf32>,
        tpu.vector_store %arg9[%swap3A_115], %gather3A_114 {strides = array<i32>} : memref<4096xf32, #tpu.memory_space<vmem>>, vector<16xf32>,
        %mul3A_117 = arith.constant 512 : i32
        %mul3A_118 = arith.muli %scan3A_97, %mul3A_117 : i32
        %add3A_119 = arith.constant 32 : i32
        %add3A_120 = arith.addi %mul3A_118, %add3A_119 : i32
        %add3A_121 = arith.constant 4096 : i32
        %add3A_122 = arith.addi %add3A_121, %add3A_120 : i32
        %get3A_123 = arith.index_cast %add3A_122 : i32 to index
        %get3A_124 = tpu.vector_load %arg7[%get3A_123] {strides = array<i32>} : memref<8192xi32, #tpu.memory_space<vmem>>, vector<16xi32>,
        %gather3A_125 = tpu.vector_load_idx %arg5[%get3A_124] : memref<100000xf32, #tpu.memory_space<vmem>>[vector<16xi32>], vector<16xf32>,
        %swap3A_126 = arith.index_cast %add3A_120 : i32 to index
        %swap3A_127 = tpu.vector_load %arg9[%swap3A_126] {strides = array<i32>} : memref<4096xf32, #tpu.memory_space<vmem>>, vector<16xf32>,
        tpu.vector_store %arg9[%swap3A_126], %gather3A_125 {strides = array<i32>} : memref<4096xf32, #tpu.memory_space<vmem>>, vector<16xf32>,
        %mul3A_128 = arith.constant 512 : i32
        %mul3A_129 = arith.muli %scan3A_97, %mul3A_128 : i32
        %add3A_130 = arith.constant 48 : i32
        %add3A_131 = arith.addi %mul3A_129, %add3A_130 : i32
        %add3A_132 = arith.constant 4096 : i32
        %add3A_133 = arith.addi %add3A_132, %add3A_131 : i32
        %get3A_134 = arith.index_cast %add3A_133 : i32 to index
        %get3A_135 = tpu.vector_load %arg7[%get3A_134] {strides = array<i32>} : memref<8192xi32, #tpu.memory_space<vmem>>, vector<16xi32>,
        %gather3A_136 = tpu.vector_load_idx %arg5[%get3A_135] : memref<100000xf32, #tpu.memory_space<vmem>>[vector<16xi32>], vector<16xf32>,
        %swap3A_137 = arith.index_cast %add3A_131 : i32 to index
        %swap3A_138 = tpu.vector_load %arg9[%swap3A_137] {strides = array<i32>} : memref<4096xf32, #tpu.memory_space<vmem>>, vector<16xf32>,
        tpu.vector_store %arg9[%swap3A_137], %gather3A_136 {strides = array<i32>} : memref<4096xf32, #tpu.memory_space<vmem>>, vector<16xf32>,
        %mul3A_139 = arith.constant 512 : i32
        %mul3A_140 = arith.muli %scan3A_97, %mul3A_139 : i32
        %add3A_141 = arith.constant 64 : i32
        %add3A_142 = arith.addi %mul3A_140, %add3A_141 : i32
        %add3A_143 = arith.constant 4096 : i32
        %add3A_144 = arith.addi %add3A_143, %add3A_142 : i32
        %get3A_145 = arith.index_cast %add3A_144 : i32 to index
        %get3A_146 = tpu.vector_load %arg7[%get3A_145] {strides = array<i32>} : memref<8192xi32, #tpu.memory_space<vmem>>, vector<16xi32>,
        %gather3A_147 = tpu.vector_load_idx %arg5[%get3A_146] : memref<100000xf32, #tpu.memory_space<vmem>>[vector<16xi32>], vector<16xf32>,
        %swap3A_148 = arith.index_cast %add3A_142 : i32 to index
        %swap3A_149 = tpu.vector_load %arg9[%swap3A_148] {strides = array<i32>} : memref<4096xf32, #tpu.memory_space<vmem>>, vector<16xf32>,
        tpu.vector_store %arg9[%swap3A_148], %gather3A_147 {strides = array<i32>} : memref<4096xf32, #tpu.memory_space<vmem>>, vector<16xf32>,
        %mul3A_150 = arith.constant 512 : i32
        %mul3A_151 = arith.muli %scan3A_97, %mul3A_150 : i32
        %add3A_152 = arith.constant 80 : i32
        %add3A_153 = arith.addi %mul3A_151, %add3A_152 : i32
        %add3A_154 = arith.constant 4096 : i32
        %add3A_155 = arith.addi %add3A_154, %add3A_153 : i32
        %get3A_156 = arith.index_cast %add3A_155 : i32 to index
        %get3A_157 = tpu.vector_load %arg7[%get3A_156] {strides = array<i32>} : memref<8192xi32, #tpu.memory_space<vmem>>, vector<16xi32>,
        %gather3A_158 = tpu.vector_load_idx %arg5[%get3A_157] : memref<100000xf32, #tpu.memory_space<vmem>>[vector<16xi32>], vector<16xf32>,
        %swap3A_159 = arith.index_cast %add3A_153 : i32 to index
        %swap3A_160 = tpu.vector_load %arg9[%swap3A_159] {strides = array<i32>} : memref<4096xf32, #tpu.memory_space<vmem>>, vector<16xf32>,
        tpu.vector_store %arg9[%swap3A_159], %gather3A_158 {strides = array<i32>} : memref<4096xf32, #tpu.memory_space<vmem>>, vector<16xf32>,
        %mul3A_161 = arith.constant 512 : i32
        %mul3A_162 = arith.muli %scan3A_97, %mul3A_161 : i32
        %add3A_163 = arith.constant 96 : i32
        %add3A_164 = arith.addi %mul3A_162, %add3A_163 : i32
        %add3A_165 = arith.constant 4096 : i32
        %add3A_166 = arith.addi %add3A_165, %add3A_164 : i32
        %get3A_167 = arith.index_cast %add3A_166 : i32 to index
        %get3A_168 = tpu.vector_load %arg7[%get3A_167] {strides = array<i32>} : memref<8192xi32, #tpu.memory_space<vmem>>, vector<16xi32>,
        %gather3A_169 = tpu.vector_load_idx %arg5[%get3A_168] : memref<100000xf32, #tpu.memory_space<vmem>>[vector<16xi32>], vector<16xf32>,
        %swap3A_170 = arith.index_cast %add3A_164 : i32 to index
        %swap3A_171 = tpu.vector_load %arg9[%swap3A_170] {strides = array<i32>} : memref<4096xf32, #tpu.memory_space<vmem>>, vector<16xf32>,
        tpu.vector_store %arg9[%swap3A_170], %gather3A_169 {strides = array<i32>} : memref<4096xf32, #tpu.memory_space<vmem>>, vector<16xf32>,
        %mul3A_172 = arith.constant 512 : i32
        %mul3A_173 = arith.muli %scan3A_97, %mul3A_172 : i32
        %add3A_174 = arith.constant 112 : i32
        %add3A_175 = arith.addi %mul3A_173, %add3A_174 : i32
        %add3A_176 = arith.constant 4096 : i32
        %add3A_177 = arith.addi %add3A_176, %add3A_175 : i32
        %get3A_178 = arith.index_cast %add3A_177 : i32 to index
        %get3A_179 = tpu.vector_load %arg7[%get3A_178] {strides = array<i32>} : memref<8192xi32, #tpu.memory_space<vmem>>, vector<16xi32>,
        %gather3A_180 = tpu.vector_load_idx %arg5[%get3A_179] : memref<100000xf32, #tpu.memory_space<vmem>>[vector<16xi32>], vector<16xf32>,
        %swap3A_181 = arith.index_cast %add3A_175 : i32 to index
        %swap3A_182 = tpu.vector_load %arg9[%swap3A_181] {strides = array<i32>} : memref<4096xf32, #tpu.memory_space<vmem>>, vector<16xf32>,
        tpu.vector_store %arg9[%swap3A_181], %gather3A_180 {strides = array<i32>} : memref<4096xf32, #tpu.memory_space<vmem>>, vector<16xf32>,
        %mul3A_183 = arith.constant 512 : i32
        %mul3A_184 = arith.muli %scan3A_97, %mul3A_183 : i32
        %add3A_185 = arith.constant 128 : i32
        %add3A_186 = arith.addi %mul3A_184, %add3A_185 : i32
        %add3A_187 = arith.constant 4096 : i32
        %add3A_188 = arith.addi %add3A_187, %add3A_186 : i32
        %get3A_189 = arith.index_cast %add3A_188 : i32 to index
        %get3A_190 = tpu.vector_load %arg7[%get3A_189] {strides = array<i32>} : memref<8192xi32, #tpu.memory_space<vmem>>, vector<16xi32>,
        %gather3A_191 = tpu.vector_load_idx %arg5[%get3A_190] : memref<100000xf32, #tpu.memory_space<vmem>>[vector<16xi32>], vector<16xf32>,
        %swap3A_192 = arith.index_cast %add3A_186 : i32 to index
        %swap3A_193 = tpu.vector_load %arg9[%swap3A_192] {strides = array<i32>} : memref<4096xf32, #tpu.memory_space<vmem>>, vector<16xf32>,
        tpu.vector_store %arg9[%swap3A_192], %gather3A_191 {strides = array<i32>} : memref<4096xf32, #tpu.memory_space<vmem>>, vector<16xf32>,
        %mul3A_194 = arith.constant 512 : i32
        %mul3A_195 = arith.muli %scan3A_97, %mul3A_194 : i32
        %add3A_196 = arith.constant 144 : i32
        %add3A_197 = arith.addi %mul3A_195, %add3A_196 : i32
        %add3A_198 = arith.constant 4096 : i32
        %add3A_199 = arith.addi %add3A_198, %add3A_197 : i32
        %get3A_200 = arith.index_cast %add3A_199 : i32 to index
        %get3A_201 = tpu.vector_load %arg7[%get3A_200] {strides = array<i32>} : memref<8192xi32, #tpu.memory_space<vmem>>, vector<16xi32>,
        %gather3A_202 = tpu.vector_load_idx %arg5[%get3A_201] : memref<100000xf32, #tpu.memory_space<vmem>>[vector<16xi32>], vector<16xf32>,
        %swap3A_203 = arith.index_cast %add3A_197 : i32 to index
        %swap3A_204 = tpu.vector_load %arg9[%swap3A_203] {strides = array<i32>} : memref<4096xf32, #tpu.memory_space<vmem>>, vector<16xf32>,
        tpu.vector_store %arg9[%swap3A_203], %gather3A_202 {strides = array<i32>} : memref<4096xf32, #tpu.memory_space<vmem>>, vector<16xf32>,
        %mul3A_205 = arith.constant 512 : i32
        %mul3A_206 = arith.muli %scan3A_97, %mul3A_205 : i32
        %add3A_207 = arith.constant 160 : i32
        %add3A_208 = arith.addi %mul3A_206, %add3A_207 : i32
        %add3A_209 = arith.constant 4096 : i32
        %add3A_210 = arith.addi %add3A_209, %add3A_208 : i32
        %get3A_211 = arith.index_cast %add3A_210 : i32 to index
        %get3A_212 = tpu.vector_load %arg7[%get3A_211] {strides = array<i32>} : memref<8192xi32, #tpu.memory_space<vmem>>, vector<16xi32>,
        %gather3A_213 = tpu.vector_load_idx %arg5[%get3A_212] : memref<100000xf32, #tpu.memory_space<vmem>>[vector<16xi32>], vector<16xf32>,
        %swap3A_214 = arith.index_cast %add3A_208 : i32 to index
        %swap3A_215 = tpu.vector_load %arg9[%swap3A_214] {strides = array<i32>} : memref<4096xf32, #tpu.memory_space<vmem>>, vector<16xf32>,
        tpu.vector_store %arg9[%swap3A_214], %gather3A_213 {strides = array<i32>} : memref<4096xf32, #tpu.memory_space<vmem>>, vector<16xf32>,
        %mul3A_216 = arith.constant 512 : i32
        %mul3A_217 = arith.muli %scan3A_97, %mul3A_216 : i32
        %add3A_218 = arith.constant 176 : i32
        %add3A_219 = arith.addi %mul3A_217, %add3A_218 : i32
        %add3A_220 = arith.constant 4096 : i32
        %add3A_221 = arith.addi %add3A_220, %add3A_219 : i32
        %get3A_222 = arith.index_cast %add3A_221 : i32 to index
        %get3A_223 = tpu.vector_load %arg7[%get3A_222] {strides = array<i32>} : memref<8192xi32, #tpu.memory_space<vmem>>, vector<16xi32>,
        %gather3A_224 = tpu.vector_load_idx %arg5[%get3A_223] : memref<100000xf32, #tpu.memory_space<vmem>>[vector<16xi32>], vector<16xf32>,
        %swap3A_225 = arith.index_cast %add3A_219 : i32 to index
        %swap3A_226 = tpu.vector_load %arg9[%swap3A_225] {strides = array<i32>} : memref<4096xf32, #tpu.memory_space<vmem>>, vector<16xf32>,
        tpu.vector_store %arg9[%swap3A_225], %gather3A_224 {strides = array<i32>} : memref<4096xf32, #tpu.memory_space<vmem>>, vector<16xf32>,
        %mul3A_227 = arith.constant 512 : i32
        %mul3A_228 = arith.muli %scan3A_97, %mul3A_227 : i32
        %add3A_229 = arith.constant 192 : i32
        %add3A_230 = arith.addi %mul3A_228, %add3A_229 : i32
        %add3A_231 = arith.constant 4096 : i32
        %add3A_232 = arith.addi %add3A_231, %add3A_230 : i32
        %get3A_233 = arith.index_cast %add3A_232 : i32 to index
        %get3A_234 = tpu.vector_load %arg7[%get3A_233] {strides = array<i32>} : memref<8192xi32, #tpu.memory_space<vmem>>, vector<16xi32>,
        %gather3A_235 = tpu.vector_load_idx %arg5[%get3A_234] : memref<100000xf32, #tpu.memory_space<vmem>>[vector<16xi32>], vector<16xf32>,
        %swap3A_236 = arith.index_cast %add3A_230 : i32 to index
        %swap3A_237 = tpu.vector_load %arg9[%swap3A_236] {strides = array<i32>} : memref<4096xf32, #tpu.memory_space<vmem>>, vector<16xf32>,
        tpu.vector_store %arg9[%swap3A_236], %gather3A_235 {strides = array<i32>} : memref<4096xf32, #tpu.memory_space<vmem>>, vector<16xf32>,
        %mul3A_238 = arith.constant 512 : i32
        %mul3A_239 = arith.muli %scan3A_97, %mul3A_238 : i32
        %add3A_240 = arith.constant 208 : i32
        %add3A_241 = arith.addi %mul3A_239, %add3A_240 : i32
        %add3A_242 = arith.constant 4096 : i32
        %add3A_243 = arith.addi %add3A_242, %add3A_241 : i32
        %get3A_244 = arith.index_cast %add3A_243 : i32 to index
        %get3A_245 = tpu.vector_load %arg7[%get3A_244] {strides = array<i32>} : memref<8192xi32, #tpu.memory_space<vmem>>, vector<16xi32>,
        %gather3A_246 = tpu.vector_load_idx %arg5[%get3A_245] : memref<100000xf32, #tpu.memory_space<vmem>>[vector<16xi32>], vector<16xf32>,
        %swap3A_247 = arith.index_cast %add3A_241 : i32 to index
        %swap3A_248 = tpu.vector_load %arg9[%swap3A_247] {strides = array<i32>} : memref<4096xf32, #tpu.memory_space<vmem>>, vector<16xf32>,
        tpu.vector_store %arg9[%swap3A_247], %gather3A_246 {strides = array<i32>} : memref<4096xf32, #tpu.memory_space<vmem>>, vector<16xf32>,
        %mul3A_249 = arith.constant 512 : i32
        %mul3A_250 = arith.muli %scan3A_97, %mul3A_249 : i32
        %add3A_251 = arith.constant 224 : i32
        %add3A_252 = arith.addi %mul3A_250, %add3A_251 : i32
        %add3A_253 = arith.constant 4096 : i32
        %add3A_254 = arith.addi %add3A_253, %add3A_252 : i32
        %get3A_255 = arith.index_cast %add3A_254 : i32 to index
        %get3A_256 = tpu.vector_load %arg7[%get3A_255] {strides = array<i32>} : memref<8192xi32, #tpu.memory_space<vmem>>, vector<16xi32>,
        %gather3A_257 = tpu.vector_load_idx %arg5[%get3A_256] : memref<100000xf32, #tpu.memory_space<vmem>>[vector<16xi32>], vector<16xf32>,
        %swap3A_258 = arith.index_cast %add3A_252 : i32 to index
        %swap3A_259 = tpu.vector_load %arg9[%swap3A_258] {strides = array<i32>} : memref<4096xf32, #tpu.memory_space<vmem>>, vector<16xf32>,
        tpu.vector_store %arg9[%swap3A_258], %gather3A_257 {strides = array<i32>} : memref<4096xf32, #tpu.memory_space<vmem>>, vector<16xf32>,
        %mul3A_260 = arith.constant 512 : i32
        %mul3A_261 = arith.muli %scan3A_97, %mul3A_260 : i32
        %add3A_262 = arith.constant 240 : i32
        %add3A_263 = arith.addi %mul3A_261, %add3A_262 : i32
        %add3A_264 = arith.constant 4096 : i32
        %add3A_265 = arith.addi %add3A_264, %add3A_263 : i32
        %get3A_266 = arith.index_cast %add3A_265 : i32 to index
        %get3A_267 = tpu.vector_load %arg7[%get3A_266] {strides = array<i32>} : memref<8192xi32, #tpu.memory_space<vmem>>, vector<16xi32>,
        %gather3A_268 = tpu.vector_load_idx %arg5[%get3A_267] : memref<100000xf32, #tpu.memory_space<vmem>>[vector<16xi32>], vector<16xf32>,
        %swap3A_269 = arith.index_cast %add3A_263 : i32 to index
        %swap3A_270 = tpu.vector_load %arg9[%swap3A_269] {strides = array<i32>} : memref<4096xf32, #tpu.memory_space<vmem>>, vector<16xf32>,
        tpu.vector_store %arg9[%swap3A_269], %gather3A_268 {strides = array<i32>} : memref<4096xf32, #tpu.memory_space<vmem>>, vector<16xf32>,
        %mul3A_271 = arith.constant 512 : i32
        %mul3A_272 = arith.muli %scan3A_97, %mul3A_271 : i32
        %add3A_273 = arith.constant 256 : i32
        %add3A_274 = arith.addi %mul3A_272, %add3A_273 : i32
        %add3A_275 = arith.constant 4096 : i32
        %add3A_276 = arith.addi %add3A_275, %add3A_274 : i32
        %get3A_277 = arith.index_cast %add3A_276 : i32 to index
        %get3A_278 = tpu.vector_load %arg7[%get3A_277] {strides = array<i32>} : memref<8192xi32, #tpu.memory_space<vmem>>, vector<16xi32>,
        %gather3A_279 = tpu.vector_load_idx %arg5[%get3A_278] : memref<100000xf32, #tpu.memory_space<vmem>>[vector<16xi32>], vector<16xf32>,
        %swap3A_280 = arith.index_cast %add3A_274 : i32 to index
        %swap3A_281 = tpu.vector_load %arg9[%swap3A_280] {strides = array<i32>} : memref<4096xf32, #tpu.memory_space<vmem>>, vector<16xf32>,
        tpu.vector_store %arg9[%swap3A_280], %gather3A_279 {strides = array<i32>} : memref<4096xf32, #tpu.memory_space<vmem>>, vector<16xf32>,
        %mul3A_282 = arith.constant 512 : i32
        %mul3A_283 = arith.muli %scan3A_97, %mul3A_282 : i32
        %add3A_284 = arith.constant 272 : i32
        %add3A_285 = arith.addi %mul3A_283, %add3A_284 : i32
        %add3A_286 = arith.constant 4096 : i32
        %add3A_287 = arith.addi %add3A_286, %add3A_285 : i32
        %get3A_288 = arith.index_cast %add3A_287 : i32 to index
        %get3A_289 = tpu.vector_load %arg7[%get3A_288] {strides = array<i32>} : memref<8192xi32, #tpu.memory_space<vmem>>, vector<16xi32>,
        %gather3A_290 = tpu.vector_load_idx %arg5[%get3A_289] : memref<100000xf32, #tpu.memory_space<vmem>>[vector<16xi32>], vector<16xf32>,
        %swap3A_291 = arith.index_cast %add3A_285 : i32 to index
        %swap3A_292 = tpu.vector_load %arg9[%swap3A_291] {strides = array<i32>} : memref<4096xf32, #tpu.memory_space<vmem>>, vector<16xf32>,
        tpu.vector_store %arg9[%swap3A_291], %gather3A_290 {strides = array<i32>} : memref<4096xf32, #tpu.memory_space<vmem>>, vector<16xf32>,
        %mul3A_293 = arith.constant 512 : i32
        %mul3A_294 = arith.muli %scan3A_97, %mul3A_293 : i32
        %add3A_295 = arith.constant 288 : i32
        %add3A_296 = arith.addi %mul3A_294, %add3A_295 : i32
        %add3A_297 = arith.constant 4096 : i32
        %add3A_298 = arith.addi %add3A_297, %add3A_296 : i32
        %get3A_299 = arith.index_cast %add3A_298 : i32 to index
        %get3A_300 = tpu.vector_load %arg7[%get3A_299] {strides = array<i32>} : memref<8192xi32, #tpu.memory_space<vmem>>, vector<16xi32>,
        %gather3A_301 = tpu.vector_load_idx %arg5[%get3A_300] : memref<100000xf32, #tpu.memory_space<vmem>>[vector<16xi32>], vector<16xf32>,
        %swap3A_302 = arith.index_cast %add3A_296 : i32 to index
        %swap3A_303 = tpu.vector_load %arg9[%swap3A_302] {strides = array<i32>} : memref<4096xf32, #tpu.memory_space<vmem>>, vector<16xf32>,
        tpu.vector_store %arg9[%swap3A_302], %gather3A_301 {strides = array<i32>} : memref<4096xf32, #tpu.memory_space<vmem>>, vector<16xf32>,
        %mul3A_304 = arith.constant 512 : i32
        %mul3A_305 = arith.muli %scan3A_97, %mul3A_304 : i32
        %add3A_306 = arith.constant 304 : i32
        %add3A_307 = arith.addi %mul3A_305, %add3A_306 : i32
        %add3A_308 = arith.constant 4096 : i32
        %add3A_309 = arith.addi %add3A_308, %add3A_307 : i32
        %get3A_310 = arith.index_cast %add3A_309 : i32 to index
        %get3A_311 = tpu.vector_load %arg7[%get3A_310] {strides = array<i32>} : memref<8192xi32, #tpu.memory_space<vmem>>, vector<16xi32>,
        %gather3A_312 = tpu.vector_load_idx %arg5[%get3A_311] : memref<100000xf32, #tpu.memory_space<vmem>>[vector<16xi32>], vector<16xf32>,
        %swap3A_313 = arith.index_cast %add3A_307 : i32 to index
        %swap3A_314 = tpu.vector_load %arg9[%swap3A_313] {strides = array<i32>} : memref<4096xf32, #tpu.memory_space<vmem>>, vector<16xf32>,
        tpu.vector_store %arg9[%swap3A_313], %gather3A_312 {strides = array<i32>} : memref<4096xf32, #tpu.memory_space<vmem>>, vector<16xf32>,
        %mul3A_315 = arith.constant 512 : i32
        %mul3A_316 = arith.muli %scan3A_97, %mul3A_315 : i32
        %add3A_317 = arith.constant 320 : i32
        %add3A_318 = arith.addi %mul3A_316, %add3A_317 : i32
        %add3A_319 = arith.constant 4096 : i32
        %add3A_320 = arith.addi %add3A_319, %add3A_318 : i32
        %get3A_321 = arith.index_cast %add3A_320 : i32 to index
        %get3A_322 = tpu.vector_load %arg7[%get3A_321] {strides = array<i32>} : memref<8192xi32, #tpu.memory_space<vmem>>, vector<16xi32>,
        %gather3A_323 = tpu.vector_load_idx %arg5[%get3A_322] : memref<100000xf32, #tpu.memory_space<vmem>>[vector<16xi32>], vector<16xf32>,
        %swap3A_324 = arith.index_cast %add3A_318 : i32 to index
        %swap3A_325 = tpu.vector_load %arg9[%swap3A_324] {strides = array<i32>} : memref<4096xf32, #tpu.memory_space<vmem>>, vector<16xf32>,
        tpu.vector_store %arg9[%swap3A_324], %gather3A_323 {strides = array<i32>} : memref<4096xf32, #tpu.memory_space<vmem>>, vector<16xf32>,
        %mul3A_326 = arith.constant 512 : i32
        %mul3A_327 = arith.muli %scan3A_97, %mul3A_326 : i32
        %add3A_328 = arith.constant 336 : i32
        %add3A_329 = arith.addi %mul3A_327, %add3A_328 : i32
        %add3A_330 = arith.constant 4096 : i32
        %add3A_331 = arith.addi %add3A_330, %add3A_329 : i32
        %get3A_332 = arith.index_cast %add3A_331 : i32 to index
        %get3A_333 = tpu.vector_load %arg7[%get3A_332] {strides = array<i32>} : memref<8192xi32, #tpu.memory_space<vmem>>, vector<16xi32>,
        %gather3A_334 = tpu.vector_load_idx %arg5[%get3A_333] : memref<100000xf32, #tpu.memory_space<vmem>>[vector<16xi32>], vector<16xf32>,
        %swap3A_335 = arith.index_cast %add3A_329 : i32 to index
        %swap3A_336 = tpu.vector_load %arg9[%swap3A_335] {strides = array<i32>} : memref<4096xf32, #tpu.memory_space<vmem>>, vector<16xf32>,
        tpu.vector_store %arg9[%swap3A_335], %gather3A_334 {strides = array<i32>} : memref<4096xf32, #tpu.memory_space<vmem>>, vector<16xf32>,
        %mul3A_337 = arith.constant 512 : i32
        %mul3A_338 = arith.muli %scan3A_97, %mul3A_337 : i32
        %add3A_339 = arith.constant 352 : i32
        %add3A_340 = arith.addi %mul3A_338, %add3A_339 : i32
        %add3A_341 = arith.constant 4096 : i32
        %add3A_342 = arith.addi %add3A_341, %add3A_340 : i32
        %get3A_343 = arith.index_cast %add3A_342 : i32 to index
        %get3A_344 = tpu.vector_load %arg7[%get3A_343] {strides = array<i32>} : memref<8192xi32, #tpu.memory_space<vmem>>, vector<16xi32>,
        %gather3A_345 = tpu.vector_load_idx %arg5[%get3A_344] : memref<100000xf32, #tpu.memory_space<vmem>>[vector<16xi32>], vector<16xf32>,
        %swap3A_346 = arith.index_cast %add3A_340 : i32 to index
        %swap3A_347 = tpu.vector_load %arg9[%swap3A_346] {strides = array<i32>} : memref<4096xf32, #tpu.memory_space<vmem>>, vector<16xf32>,
        tpu.vector_store %arg9[%swap3A_346], %gather3A_345 {strides = array<i32>} : memref<4096xf32, #tpu.memory_space<vmem>>, vector<16xf32>,
        %mul3A_348 = arith.constant 512 : i32
        %mul3A_349 = arith.muli %scan3A_97, %mul3A_348 : i32
        %add3A_350 = arith.constant 368 : i32
        %add3A_351 = arith.addi %mul3A_349, %add3A_350 : i32
        %add3A_352 = arith.constant 4096 : i32
        %add3A_353 = arith.addi %add3A_352, %add3A_351 : i32
        %get3A_354 = arith.index_cast %add3A_353 : i32 to index
        %get3A_355 = tpu.vector_load %arg7[%get3A_354] {strides = array<i32>} : memref<8192xi32, #tpu.memory_space<vmem>>, vector<16xi32>,
        %gather3A_356 = tpu.vector_load_idx %arg5[%get3A_355] : memref<100000xf32, #tpu.memory_space<vmem>>[vector<16xi32>], vector<16xf32>,
        %swap3A_357 = arith.index_cast %add3A_351 : i32 to index
        %swap3A_358 = tpu.vector_load %arg9[%swap3A_357] {strides = array<i32>} : memref<4096xf32, #tpu.memory_space<vmem>>, vector<16xf32>,
        tpu.vector_store %arg9[%swap3A_357], %gather3A_356 {strides = array<i32>} : memref<4096xf32, #tpu.memory_space<vmem>>, vector<16xf32>,
        %mul3A_359 = arith.constant 512 : i32
        %mul3A_360 = arith.muli %scan3A_97, %mul3A_359 : i32
        %add3A_361 = arith.constant 384 : i32
        %add3A_362 = arith.addi %mul3A_360, %add3A_361 : i32
        %add3A_363 = arith.constant 4096 : i32
        %add3A_364 = arith.addi %add3A_363, %add3A_362 : i32
        %get3A_365 = arith.index_cast %add3A_364 : i32 to index
        %get3A_366 = tpu.vector_load %arg7[%get3A_365] {strides = array<i32>} : memref<8192xi32, #tpu.memory_space<vmem>>, vector<16xi32>,
        %gather3A_367 = tpu.vector_load_idx %arg5[%get3A_366] : memref<100000xf32, #tpu.memory_space<vmem>>[vector<16xi32>], vector<16xf32>,
        %swap3A_368 = arith.index_cast %add3A_362 : i32 to index
        %swap3A_369 = tpu.vector_load %arg9[%swap3A_368] {strides = array<i32>} : memref<4096xf32, #tpu.memory_space<vmem>>, vector<16xf32>,
        tpu.vector_store %arg9[%swap3A_368], %gather3A_367 {strides = array<i32>} : memref<4096xf32, #tpu.memory_space<vmem>>, vector<16xf32>,
        %mul3A_370 = arith.constant 512 : i32
        %mul3A_371 = arith.muli %scan3A_97, %mul3A_370 : i32
        %add3A_372 = arith.constant 400 : i32
        %add3A_373 = arith.addi %mul3A_371, %add3A_372 : i32
        %add3A_374 = arith.constant 4096 : i32
        %add3A_375 = arith.addi %add3A_374, %add3A_373 : i32
        %get3A_376 = arith.index_cast %add3A_375 : i32 to index
        %get3A_377 = tpu.vector_load %arg7[%get3A_376] {strides = array<i32>} : memref<8192xi32, #tpu.memory_space<vmem>>, vector<16xi32>,
        %gather3A_378 = tpu.vector_load_idx %arg5[%get3A_377] : memref<100000xf32, #tpu.memory_space<vmem>>[vector<16xi32>], vector<16xf32>,
        %swap3A_379 = arith.index_cast %add3A_373 : i32 to index
        %swap3A_380 = tpu.vector_load %arg9[%swap3A_379] {strides = array<i32>} : memref<4096xf32, #tpu.memory_space<vmem>>, vector<16xf32>,
        tpu.vector_store %arg9[%swap3A_379], %gather3A_378 {strides = array<i32>} : memref<4096xf32, #tpu.memory_space<vmem>>, vector<16xf32>,
        %mul3A_381 = arith.constant 512 : i32
        %mul3A_382 = arith.muli %scan3A_97, %mul3A_381 : i32
        %add3A_383 = arith.constant 416 : i32
        %add3A_384 = arith.addi %mul3A_382, %add3A_383 : i32
        %add3A_385 = arith.constant 4096 : i32
        %add3A_386 = arith.addi %add3A_385, %add3A_384 : i32
        %get3A_387 = arith.index_cast %add3A_386 : i32 to index
        %get3A_388 = tpu.vector_load %arg7[%get3A_387] {strides = array<i32>} : memref<8192xi32, #tpu.memory_space<vmem>>, vector<16xi32>,
        %gather3A_389 = tpu.vector_load_idx %arg5[%get3A_388] : memref<100000xf32, #tpu.memory_space<vmem>>[vector<16xi32>], vector<16xf32>,
        %swap3A_390 = arith.index_cast %add3A_384 : i32 to index
        %swap3A_391 = tpu.vector_load %arg9[%swap3A_390] {strides = array<i32>} : memref<4096xf32, #tpu.memory_space<vmem>>, vector<16xf32>,
        tpu.vector_store %arg9[%swap3A_390], %gather3A_389 {strides = array<i32>} : memref<4096xf32, #tpu.memory_space<vmem>>, vector<16xf32>,
        %mul3A_392 = arith.constant 512 : i32
        %mul3A_393 = arith.muli %scan3A_97, %mul3A_392 : i32
        %add3A_394 = arith.constant 432 : i32
        %add3A_395 = arith.addi %mul3A_393, %add3A_394 : i32
        %add3A_396 = arith.constant 4096 : i32
        %add3A_397 = arith.addi %add3A_396, %add3A_395 : i32
        %get3A_398 = arith.index_cast %add3A_397 : i32 to index
        %get3A_399 = tpu.vector_load %arg7[%get3A_398] {strides = array<i32>} : memref<8192xi32, #tpu.memory_space<vmem>>, vector<16xi32>,
        %gather3A_400 = tpu.vector_load_idx %arg5[%get3A_399] : memref<100000xf32, #tpu.memory_space<vmem>>[vector<16xi32>], vector<16xf32>,
        %swap3A_401 = arith.index_cast %add3A_395 : i32 to index
        %swap3A_402 = tpu.vector_load %arg9[%swap3A_401] {strides = array<i32>} : memref<4096xf32, #tpu.memory_space<vmem>>, vector<16xf32>,
        tpu.vector_store %arg9[%swap3A_401], %gather3A_400 {strides = array<i32>} : memref<4096xf32, #tpu.memory_space<vmem>>, vector<16xf32>,
        %mul3A_403 = arith.constant 512 : i32
        %mul3A_404 = arith.muli %scan3A_97, %mul3A_403 : i32
        %add3A_405 = arith.constant 448 : i32
        %add3A_406 = arith.addi %mul3A_404, %add3A_405 : i32
        %add3A_407 = arith.constant 4096 : i32
        %add3A_408 = arith.addi %add3A_407, %add3A_406 : i32
        %get3A_409 = arith.index_cast %add3A_408 : i32 to index
        %get3A_410 = tpu.vector_load %arg7[%get3A_409] {strides = array<i32>} : memref<8192xi32, #tpu.memory_space<vmem>>, vector<16xi32>,
        %gather3A_411 = tpu.vector_load_idx %arg5[%get3A_410] : memref<100000xf32, #tpu.memory_space<vmem>>[vector<16xi32>], vector<16xf32>,
        %swap3A_412 = arith.index_cast %add3A_406 : i32 to index
        %swap3A_413 = tpu.vector_load %arg9[%swap3A_412] {strides = array<i32>} : memref<4096xf32, #tpu.memory_space<vmem>>, vector<16xf32>,
        tpu.vector_store %arg9[%swap3A_412], %gather3A_411 {strides = array<i32>} : memref<4096xf32, #tpu.memory_space<vmem>>, vector<16xf32>,
        %mul3A_414 = arith.constant 512 : i32
        %mul3A_415 = arith.muli %scan3A_97, %mul3A_414 : i32
        %add3A_416 = arith.constant 464 : i32
        %add3A_417 = arith.addi %mul3A_415, %add3A_416 : i32
        %add3A_418 = arith.constant 4096 : i32
        %add3A_419 = arith.addi %add3A_418, %add3A_417 : i32
        %get3A_420 = arith.index_cast %add3A_419 : i32 to index
        %get3A_421 = tpu.vector_load %arg7[%get3A_420] {strides = array<i32>} : memref<8192xi32, #tpu.memory_space<vmem>>, vector<16xi32>,
        %gather3A_422 = tpu.vector_load_idx %arg5[%get3A_421] : memref<100000xf32, #tpu.memory_space<vmem>>[vector<16xi32>], vector<16xf32>,
        %swap3A_423 = arith.index_cast %add3A_417 : i32 to index
        %swap3A_424 = tpu.vector_load %arg9[%swap3A_423] {strides = array<i32>} : memref<4096xf32, #tpu.memory_space<vmem>>, vector<16xf32>,
        tpu.vector_store %arg9[%swap3A_423], %gather3A_422 {strides = array<i32>} : memref<4096xf32, #tpu.memory_space<vmem>>, vector<16xf32>,
        %mul3A_425 = arith.constant 512 : i32
        %mul3A_426 = arith.muli %scan3A_97, %mul3A_425 : i32
        %add3A_427 = arith.constant 480 : i32
        %add3A_428 = arith.addi %mul3A_426, %add3A_427 : i32
        %add3A_429 = arith.constant 4096 : i32
        %add3A_430 = arith.addi %add3A_429, %add3A_428 : i32
        %get3A_431 = arith.index_cast %add3A_430 : i32 to index
        %get3A_432 = tpu.vector_load %arg7[%get3A_431] {strides = array<i32>} : memref<8192xi32, #tpu.memory_space<vmem>>, vector<16xi32>,
        %gather3A_433 = tpu.vector_load_idx %arg5[%get3A_432] : memref<100000xf32, #tpu.memory_space<vmem>>[vector<16xi32>], vector<16xf32>,
        %swap3A_434 = arith.index_cast %add3A_428 : i32 to index
        %swap3A_435 = tpu.vector_load %arg9[%swap3A_434] {strides = array<i32>} : memref<4096xf32, #tpu.memory_space<vmem>>, vector<16xf32>,
        tpu.vector_store %arg9[%swap3A_434], %gather3A_433 {strides = array<i32>} : memref<4096xf32, #tpu.memory_space<vmem>>, vector<16xf32>,
        %mul3A_436 = arith.constant 512 : i32
        %mul3A_437 = arith.muli %scan3A_97, %mul3A_436 : i32
        %add3A_438 = arith.constant 496 : i32
        %add3A_439 = arith.addi %mul3A_437, %add3A_438 : i32
        %add3A_440 = arith.constant 4096 : i32
        %add3A_441 = arith.addi %add3A_440, %add3A_439 : i32
        %get3A_442 = arith.index_cast %add3A_441 : i32 to index
        %get3A_443 = tpu.vector_load %arg7[%get3A_442] {strides = array<i32>} : memref<8192xi32, #tpu.memory_space<vmem>>, vector<16xi32>,
        %gather3A_444 = tpu.vector_load_idx %arg5[%get3A_443] : memref<100000xf32, #tpu.memory_space<vmem>>[vector<16xi32>], vector<16xf32>,
        %swap3A_445 = arith.index_cast %add3A_439 : i32 to index
        %swap3A_446 = tpu.vector_load %arg9[%swap3A_445] {strides = array<i32>} : memref<4096xf32, #tpu.memory_space<vmem>>, vector<16xf32>,
        tpu.vector_store %arg9[%swap3A_445], %gather3A_444 {strides = array<i32>} : memref<4096xf32, #tpu.memory_space<vmem>>, vector<16xf32>,
      }
      %scan3A_90 = arith.constant 8 : i32
      %dma_start3A_91 = arith.constant 12288 : i32
      %dma_start3A_92 = tpu.memref_slice %arg4[%add3A_22, %dma_start3A_91] : memref<1664x16384xf32, #tpu.memory_space<hbm>> -> memref<1x4096xf32, #tpu.memory_space<hbm>>
      %dma_start3A_93 = tpu.memref_squeeze %dma_start3A_92 : memref<1x4096xf32, #tpu.memory_space<hbm>> -> memref<4096xf32, #tpu.memory_space<hbm>>
      %dma_start3A_94 = arith.constant 12288 : i32
      %dma_start3A_95 = tpu.memref_slice %arg4[%add3A_22, %dma_start3A_94] : memref<1664x16384xf32, #tpu.memory_space<hbm>> -> memref<1x4096xf32, #tpu.memory_space<hbm>>
      %dma_start3A_96 = tpu.memref_squeeze %dma_start3A_95 : memref<1x4096xf32, #tpu.memory_space<hbm>> -> memref<4096xf32, #tpu.memory_space<hbm>>
      tpu.enqueue_dma source(%arg9 : memref<4096xf32, #tpu.memory_space<vmem>>) target(%dma_start3A_96 : memref<4096xf32, #tpu.memory_space<hbm>>) target_semaphore(%arg11 : memref<!tpu.dma_semaphore, #tpu.memory_space<semaphore_mem>>)
    }
    %scan3A_7 = arith.constant 52 : i32
    %dma_wait3A = arith.constant 0 : i32
    %dma_wait3A_8 = arith.constant 0 : i32
    %dma_wait3A_9 = tpu.memref_slice %arg4[%dma_wait3A, %dma_wait3A_8] : memref<1664x16384xf32, #tpu.memory_space<hbm>> -> memref<1x4096xf32, #tpu.memory_space<hbm>>
    %dma_wait3A_10 = tpu.memref_squeeze %dma_wait3A_9 : memref<1x4096xf32, #tpu.memory_space<hbm>> -> memref<4096xf32, #tpu.memory_space<hbm>>
    %dma_wait3A_11 = arith.constant 0 : i32
    %dma_wait3A_12 = tpu.memref_slice %arg4[%dma_wait3A, %dma_wait3A_11] : memref<1664x16384xf32, #tpu.memory_space<hbm>> -> memref<1x4096xf32, #tpu.memory_space<hbm>>
    %dma_wait3A_13 = tpu.memref_squeeze %dma_wait3A_12 : memref<1x4096xf32, #tpu.memory_space<hbm>> -> memref<4096xf32, #tpu.memory_space<hbm>>
    tpu.wait_dma2 semaphore(%arg10 : memref<!tpu.dma_semaphore, #tpu.memory_space<semaphore_mem>>) src(%arg8 : memref<4096xf32, #tpu.memory_space<vmem>>) dst(%dma_wait3A_13 : memref<4096xf32, #tpu.memory_space<hbm>>)
    %dma_wait3A_14 = arith.constant 0 : i32
    %dma_wait3A_15 = arith.constant 0 : i32
    %dma_wait3A_16 = tpu.memref_slice %arg4[%dma_wait3A_14, %dma_wait3A_15] : memref<1664x16384xf32, #tpu.memory_space<hbm>> -> memref<1x4096xf32, #tpu.memory_space<hbm>>
    %dma_wait3A_17 = tpu.memref_squeeze %dma_wait3A_16 : memref<1x4096xf32, #tpu.memory_space<hbm>> -> memref<4096xf32, #tpu.memory_space<hbm>>
    %dma_wait3A_18 = arith.constant 0 : i32
    %dma_wait3A_19 = tpu.memref_slice %arg4[%dma_wait3A_14, %dma_wait3A_18] : memref<1664x16384xf32, #tpu.memory_space<hbm>> -> memref<1x4096xf32, #tpu.memory_space<hbm>>
    %dma_wait3A_20 = tpu.memref_squeeze %dma_wait3A_19 : memref<1x4096xf32, #tpu.memory_space<hbm>> -> memref<4096xf32, #tpu.memory_space<hbm>>
    tpu.wait_dma2 semaphore(%arg11 : memref<!tpu.dma_semaphore, #tpu.memory_space<semaphore_mem>>) src(%arg9 : memref<4096xf32, #tpu.memory_space<vmem>>) dst(%dma_wait3A_20 : memref<4096xf32, #tpu.memory_space<hbm>>)
    return
  }
}

</mosaic_0001>

<sc_bundles>
// kernel: kernel.3.cloned.1.call-start
scs
__scs_entry_jumppad:
0x0: {  	(pc) =	sbr.rel $0x88, $3  }
0x1: {  	(tag) =	ssettag $0x0;
	lr =	simm.s32 $0x1  }
0x2: {  	[smem:$0x3F9F] =	sst lr;
	_ =	strace $0xD0000000  }
0x3: {  	_ = 	snop  }
0x4: {  	_ = 	snop  }
0x5: {  	_ = 	snop  }
0x6: {  	_ = 	snop  }
0x7: {  	_ = 	snop  }
__scs_overlays_trampoline_lowered:
0x8: {  	[smem:$0x3FAE] =	sst s0  }
0x9: {  	[smem:$0x3FAF] =	sst s1  }
0xa: {  	[smem:$0x3FB0] =	sst s2  }
0xb: {  	[smem:$0x3FB1] =	sst s3  }
0xc: {  	[smem:$0x3FB2] =	sst s4  }
0xd: {  	[smem:$0x3FB3] =	sst s5  }
0xe: {  	[smem:$0x3FB4] =	sst s6  }
0xf: {  	[smem:$0x3FB5] =	sst s7  }
0x10: {  	[smem:$0x3FB6] =	sst s8  }
0x11: {  	[smem:$0x3FB7] =	sst s9;
	s0 =	simm.s32 @!p0 $0x0  }
0x12: {  	s1 =	sld [smem:$0x3F9D];
	s0 =	simm.s32 @p0 $0x1  }
0x13: {  	[smem:$0x3FB8] =	sst s0;
	s0 =	simm.s32 @!p1 $0x0  }
0x14: {  	s2 =	sld [smem:$0x3F9C];
	s0 =	simm.s32 @p1 $0x1  }
0x15: {  	[smem:$0x3FB9] =	sst s0;
	s0 =	simm.s32 @!p2 $0x0  }
0x16: {  	s3 =	sld [smem:$0x3FDB];
	s0 =	simm.s32 @p2 $0x1  }
0x17: {  	s4 =	simm.s32 $0x1BF5;
	[smem:$0x3FBB] =	sst s0  }
0x18: {  	s0 =	sld [smem:$0x3F9E];
	_ =	swait.ge [sflag:s4], $0x0  }
0x19: {  	s7 =	sld [smem:$0x3F9F]  }
0x1a: {  	s8 =	sadd.s32 $0xFFFFE003, lr  }
0x1b: {  	s9 =	sadd.s32 $0xFFFFFEF7, lr;
	s5 =	simm.s32 $0xFFFFFFFF;
	p2 =	slt.u32 s8, $0xFFFFF086  }
0x1c: {  	p1 =	slt.u32 s9, $0xF7A;
	s5 =	simm.s32 @!p2 $0x0  }
0x1d: {  	s5 =	simm.s32 @p1 $0x1;
	p0 =	seq.s32 s7, s2  }
0x1e: {  	s7 =	smul.u32 @!p0 $0xF7A, s2;
	p2 =	seq.s32 @!p0 s5, $0x0  }
0x1f: {  	s9 =	smul.u32 $0xF7A, s1;
	s8 =	simm.s32 @!p0 $0x1BF5;
	p2 =	por !p2, p0  }
0x20: {  	[sflag:s8] =	ssyncset.s32 @!p0 $0xFFFFF086;
	s6 =	sadd.s32 @!p0 s3, s7;
	s7 =	simm.s32 @!p0 $0x108  }
0x21: {  	s3 =	sadd.s32 s3, s9;
	s6 =	sadd.s32 @!p0 $0x88, s6;
	s7 =	simm.s32 @p2 $0x1082  }
0x22: {  	[simem:s7], [sflag:s8] =	dma.local @!p0 [hbm:s6], $0xF7A  }
0x23: {  	s9 =	sor.u32 $0xD0000000, s2;
	s6 =	simm.s32 $0x108;
	_ =	swait.ge @!p0 [sflag:s8], $0x0  }
0x24: {  	s3 =	sadd.s32 $0x88, s3;
	s6 =	simm.s32 @!p1 $0x1082;
	[sflag:s4] =	ssyncset.s32 $0xFFFFF086  }
0x25: {  	[simem:s6], [sflag:s4] =	dma.local [hbm:s3], $0xF7A  }
0x26: {  	[smem:$0x3F9F] =	sst s1;
	(tag) =	ssettag s2;
	_ =	strace s9  }
0x27: {  	s1 =	sld [smem:$0x3FAF]  }
0x28: {  	s2 =	sld [smem:$0x3FB0]  }
0x29: {  	s4 =	sld [smem:$0x3FB2]  }
0x2a: {  	p0 =	seq.s32 s5, $0x0;
	s5 =	sld [smem:$0x3FB3]  }
0x2b: {  	s6 =	sld [smem:$0x3FB4]  }
0x2c: {  	s7 =	sld [smem:$0x3FB5]  }
0x2d: {  	s3 =	simm.s32 $0x108;
	s8 =	sld [smem:$0x3FB6]  }
0x2e: {  	s3 =	simm.s32 @!p0 $0x1082;
	s9 =	sld [smem:$0x3FB7]  }
0x2f: {  	lr =	sadd.s32 s0, s3;
	s0 =	sld [smem:$0x3FAE]  }
0x30: {  	s3 =	sld [smem:$0x3FB1]  }
0x31: {  	[smem:$0x3FBA] =	sst s10  }
0x32: {  	s10 =	sld [smem:$0x3FB8];
	_ =	sdelay $0x3  }
0x33: {  	p0 =	seq.s32 s10, $0x1;
	s10 =	sld [smem:$0x3FBA];
	_ =	sdelay $0x3  }
0x34: {  	[smem:$0x3FBA] =	sst s10  }
0x35: {  	s10 =	sld [smem:$0x3FB9];
	_ =	sdelay $0x3  }
0x36: {  	p1 =	seq.s32 s10, $0x1;
	s10 =	sld [smem:$0x3FBA];
	_ =	sdelay $0x3  }
0x37: {  	[smem:$0x3FBA] =	sst s10  }
0x38: {  	s10 =	sld [smem:$0x3FBB]  }
0x39: {  	_ = 	snop;
	(pc) =	sbr.ind lr, $3  }
0x3a: {  	_ = 	snop  }
0x3b: {  	_ = 	snop  }
0x3c: {  	p2 =	seq.s32 s10, $0x1;
	s10 =	sld [smem:$0x3FBA]  }
0x3d: {  	_ =	shalt  }
0x3e: {  	_ =	shalt  }
0x3f: {  	_ =	shalt  }
0x40: {  	_ =	shalt  }
0x41: {  	_ =	shalt  }
0x42: {  	_ =	shalt  }
0x43: {  	_ =	shalt  }
0x44: {  	_ =	shalt  }
0x45: {  	_ =	shalt  }
0x46: {  	_ =	shalt  }
0x47: {  	_ =	shalt  }
0x48: {  	_ =	shalt  }
0x49: {  	_ =	shalt  }
0x4a: {  	_ =	shalt  }
0x4b: {  	_ =	shalt  }
0x4c: {  	_ =	shalt  }
0x4d: {  	_ =	shalt  }
0x4e: {  	_ =	shalt  }
0x4f: {  	_ =	shalt  }
0x50: {  	_ =	shalt  }
0x51: {  	_ =	shalt  }
0x52: {  	_ =	shalt  }
0x53: {  	_ =	shalt  }
0x54: {  	_ =	shalt  }
0x55: {  	_ =	shalt  }
0x56: {  	_ =	shalt  }
0x57: {  	_ =	shalt  }
0x58: {  	_ =	shalt  }
0x59: {  	_ =	shalt  }
0x5a: {  	_ =	shalt  }
0x5b: {  	_ =	shalt  }
0x5c: {  	_ =	shalt  }
0x5d: {  	_ =	shalt  }
0x5e: {  	_ =	shalt  }
0x5f: {  	_ =	shalt  }
0x60: {  	_ =	shalt  }
0x61: {  	_ =	shalt  }
0x62: {  	_ =	shalt  }
0x63: {  	_ =	shalt  }
0x64: {  	_ =	shalt  }
0x65: {  	_ =	shalt  }
0x66: {  	_ =	shalt  }
0x67: {  	_ =	shalt  }
0x68: {  	_ =	shalt  }
0x69: {  	_ =	shalt  }
0x6a: {  	_ =	shalt  }
0x6b: {  	_ =	shalt  }
0x6c: {  	_ =	shalt  }
0x6d: {  	_ =	shalt  }
0x6e: {  	_ =	shalt  }
0x6f: {  	_ =	shalt  }
0x70: {  	_ =	shalt  }
0x71: {  	_ =	shalt  }
0x72: {  	_ =	shalt  }
0x73: {  	_ =	shalt  }
0x74: {  	_ =	shalt  }
0x75: {  	_ =	shalt  }
0x76: {  	_ =	shalt  }
0x77: {  	_ =	shalt  }
0x78: {  	_ =	shalt  }
0x79: {  	_ =	shalt  }
0x7a: {  	_ =	shalt  }
0x7b: {  	_ =	shalt  }
0x7c: {  	_ =	shalt  }
0x7d: {  	_ =	shalt  }
0x7e: {  	_ =	shalt  }
0x7f: {  	_ =	shalt  }
0x80: {  	_ =	shalt  }
0x81: {  	_ =	shalt  }
0x82: {  	_ =	shalt  }
0x83: {  	_ =	shalt  }
0x84: {  	_ =	shalt  }
0x85: {  	_ =	shalt  }
0x86: {  	_ =	shalt  }
0x87: {  	_ =	shalt  }
.Lfunc_end0:
.L_simem_size_0:
called_computation.1_lowered:
.L_overlay_start_0:
0x88: {  	s2 =	sld [smem:$0x3FD9]  }
0x89: {  	s3 =	sld [smem:$0x3FFE];
	_ =	sdelay $0x1  }
0x8a: {  	s1 =	srdreg.scid  }
0x8b: {  	s0 =	sand.u32 $0x1, s1  }
0x8c: {  	s17 =	sshll.u32 s0, $0xA;
	s2 =	sadd.s32 s3, s2  }
0x8d: {  	s2 =	sadd.s32 s2, s17  }
0x8e: {  	[smem:$0x3FC6] =	sst s2  }
0x8f: {  	_ = 	snop  }
0x90: {  	s2 =	sld [smem:$0x3FC9]  }
0x91: {  	s18 =	sld [smem:$0x3FC8];
	(tm) =	ssettm $0x1  }
0x92: {  	s4 =	sld [smem:$0x3FFB];
	_ =	sdelay $0x3  }
0x93: {  	_ =	strace s4  }
0x94: {  	s4 =	sld [smem:$0x3FFC];
	_ =	sdelay $0x3  }
0x95: {  	_ =	strace s4  }
0x96: {  	s4 =	sld [smem:$0x3FFD];
	_ =	sdelay $0x3  }
0x97: {  	_ =	strace s4  }
0x98: {  	_ =	strace $0x8FFFFFFF  }
0x99: {  	s19 =	sld [smem:$0x3FDB];
	_ =	sdelay $0x1  }
0x9a: {  	s5 =	simm.s32 $_scs_section_size  }
0x9b: {  	s6 =	simm.s32 $_size__tile_overlayer_lowered;
	s7 =	simm.s32 $_tile_overlayer_lowered  }
0x9c: {  	s22 =	simm.s32 $0x1BFF;
	s21 =	sshll.u32 s7, $0x1;
	s4 =	sadd.s32 s5, s19  }
0x9d: {  	s8 =	simm.s32 $0x0;
	s20 =	sshll.u32 s6, $0x1;
	s6 =	sadd.s32 s21, s4  }
0x9e: {  	[timem:s8], [sflag:s22] =	dma.local [hbm:s6], s20  }
0x9f: {  	_ =	swait.ge [sflag:s22], s20  }
0xa0: {  	s5 =	ssub.s32 $0x0, s20;
	[sflag:s22] =	ssyncset.done $0x0  }
0xa1: {  	[sflag:s22] =	ssyncadd.s32 s5;
	_ =	sdelay $0x1  }
0xa2: {  	s23 =	simm.s32 $0x1B8B  }
0xa3: {  	_ =	swait.ge [sflag:s23], $0x1  }
0xa4: {  	[sflag:s23] =	ssyncset.done $0x0  }
0xa5: {  	s25 =	simm.s32 $0x1B8E;
	s24 =	sld [smem:$0x3FFE];
	[sflag:s23] =	ssyncadd.s32 $0xFFFFFFFF  }
0xa6: {  	s26 =	simm.s32 $execute0_lowered;
	[smem:$0x3FD2] =	sst s25  }
0xa7: {  	s6 =	sshll.u32 s26, $0x1;
	_ =	strace $0x80000046;
	[dreg:$0x1] =	wrdreg $0xFFFFFFFF  }
0xa8: {  	s28 =	simm.s32 $_size_execute0_lowered;
	s4 =	sadd.s32 s4, s6;
	[dreg:$0x0] =	wrdreg $0x0  }
0xa9: {  	s6 =	sshll.u32 s28, $0x1;
	[dreg:$0x2] =	wrdreg s4  }
0xaa: {  	[dreg:$0x3] =	wrdreg s6  }
0xab: {  	[dreg:$0x4] =	wrdreg $0xC0  }
0xac: {  	_ =	task [dreg:s8], $0x5FFFF  }
0xad: {  	[dreg:$0x1] =	wrdreg $0xFFFFFFFF  }
0xae: {  	[dreg:$0x0] =	wrdreg $0x60  }
0xaf: {  	[dreg:$0x2] =	wrdreg s18  }
0xb0: {  	[dreg:$0x3] =	wrdreg s2  }
0xb1: {  	[dreg:$0x4] =	wrdreg s24  }
0xb2: {  	[dreg:$0x5] =	wrdreg $0x9  }
0xb3: {  	_ =	task.clear_ibuf [dreg:s8], $0x6FFFF;
	_ =	strace $0x90000046  }
0xb4: {  	s29 =	simm.s32 $0x9;
	_ =	strace $0x80000048  }
0xb5: {  	_ =	swait.ge [sflag:s29], $0x1  }
0xb6: {  	[sflag:s29] =	ssyncadd.s32 $0xFFFFFFFF  }
0xb7: {  	_ =	strace $0x90000048  }
0xb8: {  	_ =	sfence  }
0xb9: {  	s30 =	sld [smem:$0x0];
	_ =	sdelay $0x2  }
0xba: {  	s31 =	sshll.u32 s1, $0xD;
	s1 =	sshrl.u32 s1, $0x2  }
0xbb: {  	s3 =	sand.u32 $0x4000, s31;
	s1 =	sadd.s32 s1, s30  }
0xbc: {  	s0 =	sor.u32 s3, s0;
	s1 =	sshll.u32 s1, $0x11  }
0xbd: {  	s0 =	sor.u32 s1, s0  }
0xbe: {  	s0 =	sadd.s32 $0x8F2B, s0  }
0xbf: {  	[sflag:s0] =	ssyncadd.remote.s32 $0x1  }
0xc0: {  	_ =	sfence.sel $0xFFFF  }
0xc1: {  	[dreg:$0x0] =	wrdreg $0xFFFFFFFF;
	(pc) =	sbr.abs _section_cstart, $3  }
0xc2: {  	[dreg:$0x1] =	wrdreg $0xFFFFFFFF  }
0xc3: {  	_ =	task.clear_ibuf [dreg:s8], $0x2FFFF;
	_ =	strace $0x9FFFFFFF  }
0xc4: {  	(tm) =	ssettm $0x7FFFFFFF  }
0xc5: {  	_ =	shalt  }
tec
execute0_lowered:
.L_overlay_start_1:
0x0: {  	(tag) =	ssettag $0x1  }
0x1: {  	s1 =	rddreg [dreg:$0x0]  }
0x2: {  	s2 =	rddreg [dreg:$0x1]  }
0x3: {  	s10 =	rddreg [dreg:$0x2]  }
0x4: {  	s0 =	rddreg [dreg:$0x3];
	s5 =	srdreg.scid  }
0x5: {  	s4 =	simm.s32 $0x0;
	s3 =	stileid.u32;
	s12 =	simm.s32 $0x80  }
0x6: {  	s13 =	simm.s32 $0x400;
	s14 =	simm.s32 $0x18700;
	s15 =	simm.s32 $0x3  }
0x7: {  	s16 =	simm.s32 $0x1A700;
	s17 =	simm.s32 $0x1C700;
	s18 =	simm.s32 $0x1D700  }
0x8: {  	s19 =	simm.s32 $0x1;
	s20 =	simm.s32 $0x2;
	s21 =	simm.s32 $0x0  }
0x9: {  	s5 =	sand.u32 $0x1, s5;
	[smem:$0x7FF] =	sst s4;
	s7 =	sshll.u32 s3, $0x1  }
0xa: {  	s9 =	sadd.s32 $0x2800, s10;
	s6 =	ssub.s32 $0x2, s5;
	_ =	strace $0x80000047  }
0xb: {  	s7 =	sor.u32 s5, s7;
	s5 =	sadd.s32 $0x800, s10;
	s8 =	sshrl.u32 s6, $0x1  }
0xc: {  	s11 =	ssub.s32 s6, s8;
	s6 =	smul.u32 $0x34, s7;
	s7 =	sadd.s32 $0x2000, s2  }
0xd: {  	s8 =	sadd.s32 $0x1800, s10;
	s10 =	sadd.s32 $0x3800, s10;
	s11 =	smax.u32 s11, $0x1  }
.LBB2_1:
0xe: {  	s22 =	simm.s32 $0x0  }
.LBB2_2:
0xf: {  	s23 =	sadd.s32 s6, s22  }
0x10: {  	p0 =	seq.s32 s22, $0x0;
	s24 =	sand.u32 $0x3F, s23  }
0x11: {  	p1 =	sne.s32 @!p0 s24, $0x0  }
0x12: {  	s25 =	sshrl.u32 s23, $0x6;
	p1 =	por p0, !p1  }
0x13: {  	s26 =	sshll.u32 @p1 s23, $0x5;
	s28 =	sshll.u32 @p1 s25, $0x4  }
0x14: {  	s24 =	sshrl.u32 s24, $0x3;
	s26 =	sand.u32 @p1 $0xFFFC000, s26;
	s28 =	sand.u32 @p1 $0x70, s28  }
0x15: {  	s24 =	smul.u32 $0xC3800, s24;
	s26 =	sor.u32 @p1 s26, s28  }
0x16: {  	s25 =	smul.u32 $0x61C000, s25;
	s28 =	sadd.s32 @p1 s2, s26  }
0x17: {  	[tilespmem:s14], [sflag:$0x3] =	stream.strided.gather @p1 [hbm4b:s28+s12], $0x2000, s13, s12, $0x38;
	[tilespmem:$0x1E700] =	vst v63  }
0x18: {  	_ =	swait.ge @p1 [sflag:s15], $0x2000  }
0x19: {  	s31 =	sshll.u32 s23, $0x7;
	s25 =	sadd.s32 s25, s24;
	[sflag:s15] =	ssyncset.done @p1 $0x0  }
0x1a: {  	s24 =	sand.u32 $0x380, s31;
	s26 =	sadd.s32 @p1 s26, s7;
	[sflag:s15] =	ssyncadd.s32 @p1 $0xFFFFE000  }
0x1b: {  	[tilespmem:s16], [sflag:$0x3] =	stream.strided.gather @p1 [hbm4b:s26+s12], $0x2000, s13, s12, $0x38;
	[tilespmem:$0x1E700] =	vst v63  }
0x1c: {  	s25 =	sor.u32 s24, s25;
	_ =	swait.ge @p1 [sflag:s15], $0x2000  }
0x1d: {  	s25 =	sshrl.u32 s25, $0x3;
	[sflag:s15] =	ssyncset.done @p1 $0x0  }
0x1e: {  	s25 =	sadd.s32 s1, s25;
	[sflag:s15] =	ssyncadd.s32 @p1 $0xFFFFE000  }
0x1f: {  	[tilespmem:s4], [sflag:$0x3] =	stream.strided.gather [hbm4b:s25+s12], $0x18700, s13, s12, $0x38;
	[tilespmem:$0x1E700] =	vst v63  }
0x20: {  	_ =	swait.ge [sflag:s15], $0x18700  }
0x21: {  	[sflag:s15] =	ssyncset.done $0x0  }
0x22: {  	s25 =	simm.s32 @!p0 $0x1;
	[sflag:s15] =	ssyncadd.s32 $0xFFFE7900  }
0x23: {  	_ =	swait.ge @!p0 [sflag:s25], $0x1000  }
0x24: {  	[sflag:s25] =	ssyncset.done @!p0 $0x0  }
0x25: {  	[sflag:s25] =	ssyncadd.s32 @!p0 $0xFFFFF000;
	s25 =	simm.s32 $0x0  }
0x26: {  	v0 =	vld [tilespmem:s25+$0x18700];
	_ =	sdelay $0x5  }
0x27: {  	v1 =	vld [tilespmem:s25+$0x18710];
	_ =	sdelay $0x1  }
0x28: {  	v0 =	vld.idx.msk [tilespmem:v0+s4+$0x0], $0xffff;
	_ =	sdelay $0x4  }
0x29: {  	[tilespmem:s25+$0x1C700] =	vst v0;
	v0 =	vld [tilespmem:s25+$0x18720]  }
0x2a: {  	v1 =	vld.idx.msk [tilespmem:v1+s4+$0x0], $0xffff;
	_ =	sdelay $0x4  }
0x2b: {  	[tilespmem:s25+$0x1C710] =	vst v1;
	v1 =	vld [tilespmem:s25+$0x18730];
	_ =	sdelay $0x1  }
0x2c: {  	v0 =	vld.idx.msk [tilespmem:v0+s4+$0x0], $0xffff;
	_ =	sdelay $0x4  }
0x2d: {  	[tilespmem:s25+$0x1C720] =	vst v0;
	v0 =	vld [tilespmem:s25+$0x18740]  }
0x2e: {  	v1 =	vld.idx.msk [tilespmem:v1+s4+$0x0], $0xffff;
	_ =	sdelay $0x4  }
0x2f: {  	[tilespmem:s25+$0x1C730] =	vst v1;
	v1 =	vld [tilespmem:s25+$0x18750];
	_ =	sdelay $0x1  }
0x30: {  	v0 =	vld.idx.msk [tilespmem:v0+s4+$0x0], $0xffff;
	_ =	sdelay $0x4  }
0x31: {  	[tilespmem:s25+$0x1C740] =	vst v0;
	v0 =	vld [tilespmem:s25+$0x18760]  }
0x32: {  	v1 =	vld.idx.msk [tilespmem:v1+s4+$0x0], $0xffff;
	_ =	sdelay $0x4  }
0x33: {  	[tilespmem:s25+$0x1C750] =	vst v1;
	v1 =	vld [tilespmem:s25+$0x18770];
	_ =	sdelay $0x1  }
0x34: {  	v0 =	vld.idx.msk [tilespmem:v0+s4+$0x0], $0xffff;
	_ =	sdelay $0x4  }
0x35: {  	[tilespmem:s25+$0x1C760] =	vst v0;
	v0 =	vld [tilespmem:s25+$0x18780]  }
0x36: {  	v1 =	vld.idx.msk [tilespmem:v1+s4+$0x0], $0xffff;
	_ =	sdelay $0x4  }
0x37: {  	[tilespmem:s25+$0x1C770] =	vst v1;
	v1 =	vld [tilespmem:s25+$0x18790];
	_ =	sdelay $0x1  }
0x38: {  	v0 =	vld.idx.msk [tilespmem:v0+s4+$0x0], $0xffff;
	_ =	sdelay $0x4  }
0x39: {  	[tilespmem:s25+$0x1C780] =	vst v0;
	v0 =	vld [tilespmem:s25+$0x187A0]  }
0x3a: {  	v1 =	vld.idx.msk [tilespmem:v1+s4+$0x0], $0xffff;
	_ =	sdelay $0x4  }
0x3b: {  	[tilespmem:s25+$0x1C790] =	vst v1;
	v1 =	vld [tilespmem:s25+$0x187B0];
	_ =	sdelay $0x1  }
0x3c: {  	v0 =	vld.idx.msk [tilespmem:v0+s4+$0x0], $0xffff;
	_ =	sdelay $0x4  }
0x3d: {  	[tilespmem:s25+$0x1C7A0] =	vst v0;
	v0 =	vld [tilespmem:s25+$0x187C0]  }
0x3e: {  	v1 =	vld.idx.msk [tilespmem:v1+s4+$0x0], $0xffff;
	_ =	sdelay $0x4  }
0x3f: {  	[tilespmem:s25+$0x1C7B0] =	vst v1;
	v1 =	vld [tilespmem:s25+$0x187D0];
	_ =	sdelay $0x1  }
0x40: {  	v0 =	vld.idx.msk [tilespmem:v0+s4+$0x0], $0xffff;
	_ =	sdelay $0x4  }
0x41: {  	[tilespmem:s25+$0x1C7C0] =	vst v0;
	v0 =	vld [tilespmem:s25+$0x187E0]  }
0x42: {  	v1 =	vld.idx.msk [tilespmem:v1+s4+$0x0], $0xffff;
	_ =	sdelay $0x4  }
0x43: {  	[tilespmem:s25+$0x1C7D0] =	vst v1;
	v1 =	vld [tilespmem:s25+$0x187F0];
	_ =	sdelay $0x1  }
0x44: {  	v0 =	vld.idx.msk [tilespmem:v0+s4+$0x0], $0xffff;
	_ =	sdelay $0x4  }
0x45: {  	[tilespmem:s25+$0x1C7E0] =	vst v0;
	v0 =	vld [tilespmem:s25+$0x18800]  }
0x46: {  	v1 =	vld.idx.msk [tilespmem:v1+s4+$0x0], $0xffff;
	_ =	sdelay $0x4  }
0x47: {  	[tilespmem:s25+$0x1C7F0] =	vst v1;
	v1 =	vld [tilespmem:s25+$0x18810];
	_ =	sdelay $0x1  }
0x48: {  	v0 =	vld.idx.msk [tilespmem:v0+s4+$0x0], $0xffff;
	_ =	sdelay $0x4  }
0x49: {  	[tilespmem:s25+$0x1C800] =	vst v0;
	v0 =	vld [tilespmem:s25+$0x18820]  }
0x4a: {  	v1 =	vld.idx.msk [tilespmem:v1+s4+$0x0], $0xffff;
	_ =	sdelay $0x4  }
0x4b: {  	[tilespmem:s25+$0x1C810] =	vst v1;
	v1 =	vld [tilespmem:s25+$0x18830];
	_ =	sdelay $0x1  }
0x4c: {  	v0 =	vld.idx.msk [tilespmem:v0+s4+$0x0], $0xffff;
	_ =	sdelay $0x4  }
0x4d: {  	[tilespmem:s25+$0x1C820] =	vst v0;
	v0 =	vld [tilespmem:s25+$0x18840]  }
0x4e: {  	v1 =	vld.idx.msk [tilespmem:v1+s4+$0x0], $0xffff;
	_ =	sdelay $0x4  }
0x4f: {  	[tilespmem:s25+$0x1C830] =	vst v1;
	v1 =	vld [tilespmem:s25+$0x18850];
	_ =	sdelay $0x1  }
0x50: {  	v0 =	vld.idx.msk [tilespmem:v0+s4+$0x0], $0xffff;
	_ =	sdelay $0x4  }
0x51: {  	[tilespmem:s25+$0x1C840] =	vst v0;
	v0 =	vld [tilespmem:s25+$0x18860]  }
0x52: {  	v1 =	vld.idx.msk [tilespmem:v1+s4+$0x0], $0xffff;
	_ =	sdelay $0x4  }
0x53: {  	[tilespmem:s25+$0x1C850] =	vst v1;
	v1 =	vld [tilespmem:s25+$0x18870];
	_ =	sdelay $0x1  }
0x54: {  	v0 =	vld.idx.msk [tilespmem:v0+s4+$0x0], $0xffff;
	_ =	sdelay $0x4  }
0x55: {  	[tilespmem:s25+$0x1C860] =	vst v0;
	v0 =	vld [tilespmem:s25+$0x18880]  }
0x56: {  	v1 =	vld.idx.msk [tilespmem:v1+s4+$0x0], $0xffff;
	_ =	sdelay $0x4  }
0x57: {  	[tilespmem:s25+$0x1C870] =	vst v1;
	v1 =	vld [tilespmem:s25+$0x18890];
	_ =	sdelay $0x1  }
0x58: {  	v0 =	vld.idx.msk [tilespmem:v0+s4+$0x0], $0xffff;
	_ =	sdelay $0x4  }
0x59: {  	[tilespmem:s25+$0x1C880] =	vst v0;
	v0 =	vld [tilespmem:s25+$0x188A0]  }
0x5a: {  	v1 =	vld.idx.msk [tilespmem:v1+s4+$0x0], $0xffff;
	_ =	sdelay $0x4  }
0x5b: {  	[tilespmem:s25+$0x1C890] =	vst v1;
	v1 =	vld [tilespmem:s25+$0x188B0];
	_ =	sdelay $0x1  }
0x5c: {  	v0 =	vld.idx.msk [tilespmem:v0+s4+$0x0], $0xffff;
	_ =	sdelay $0x4  }
0x5d: {  	[tilespmem:s25+$0x1C8A0] =	vst v0;
	v0 =	vld [tilespmem:s25+$0x188C0]  }
0x5e: {  	v1 =	vld.idx.msk [tilespmem:v1+s4+$0x0], $0xffff;
	_ =	sdelay $0x4  }
0x5f: {  	[tilespmem:s25+$0x1C8B0] =	vst v1;
	v1 =	vld [tilespmem:s25+$0x188D0];
	_ =	sdelay $0x1  }
0x60: {  	v0 =	vld.idx.msk [tilespmem:v0+s4+$0x0], $0xffff;
	_ =	sdelay $0x4  }
0x61: {  	v2 =	vld [tilespmem:s25+$0x188E0];
	[tilespmem:s25+$0x1C8C0] =	vst v0  }
0x62: {  	v0 =	vld.idx.msk [tilespmem:v1+s4+$0x0], $0xffff;
	_ =	sdelay $0x4  }
0x63: {  	[tilespmem:s25+$0x1C8D0] =	vst v0;
	v0 =	vld [tilespmem:s25+$0x188F0];
	_ =	sdelay $0x1  }
0x64: {  	v1 =	vld.idx.msk [tilespmem:v2+s4+$0x0], $0xffff;
	_ =	sdelay $0x3  }
0x65: {  	s28 =	simm.s32 $0x200;
	s26 =	simm.s32 $0x1000  }
.LBB2_3:
0x66: {  	p1 =	sne.s32 s26, $0x3800;
	v2 =	vld [tilespmem:s28+$0x18700];
	[tilespmem:s25+$0x1C8E0] =	vst v1  }
0x67: {  	v0 =	vld.idx.msk [tilespmem:v0+s4+$0x0], $0xffff;
	_ =	sdelay $0x5  }
0x68: {  	v1 =	vld [tilespmem:s28+$0x18710];
	[tilespmem:s25+$0x1C8F0] =	vst v0;
	s25 =	smov.u32 s28  }
0x69: {  	v0 =	vld.idx.msk [tilespmem:v2+s4+$0x0], $0xffff;
	_ =	sdelay $0x5  }
0x6a: {  	[tilespmem:s25+$0x1C700] =	vst v0;
	v0 =	vld [tilespmem:s25+$0x18720]  }
0x6b: {  	v1 =	vld.idx.msk [tilespmem:v1+s4+$0x0], $0xffff;
	_ =	sdelay $0x5  }
0x6c: {  	[tilespmem:s25+$0x1C710] =	vst v1;
	v1 =	vld [tilespmem:s25+$0x18730]  }
0x6d: {  	v0 =	vld.idx.msk [tilespmem:v0+s4+$0x0], $0xffff;
	_ =	sdelay $0x5  }
0x6e: {  	[tilespmem:s25+$0x1C720] =	vst v0;
	v0 =	vld [tilespmem:s25+$0x18740]  }
0x6f: {  	v1 =	vld.idx.msk [tilespmem:v1+s4+$0x0], $0xffff;
	_ =	sdelay $0x5  }
0x70: {  	[tilespmem:s25+$0x1C730] =	vst v1;
	v1 =	vld [tilespmem:s25+$0x18750]  }
0x71: {  	v0 =	vld.idx.msk [tilespmem:v0+s4+$0x0], $0xffff;
	_ =	sdelay $0x5  }
0x72: {  	[tilespmem:s25+$0x1C740] =	vst v0;
	v0 =	vld [tilespmem:s25+$0x18760]  }
0x73: {  	v1 =	vld.idx.msk [tilespmem:v1+s4+$0x0], $0xffff;
	_ =	sdelay $0x5  }
0x74: {  	[tilespmem:s25+$0x1C750] =	vst v1;
	v1 =	vld [tilespmem:s25+$0x18770]  }
0x75: {  	v0 =	vld.idx.msk [tilespmem:v0+s4+$0x0], $0xffff;
	_ =	sdelay $0x5  }
0x76: {  	[tilespmem:s25+$0x1C760] =	vst v0;
	v0 =	vld [tilespmem:s25+$0x18780]  }
0x77: {  	v1 =	vld.idx.msk [tilespmem:v1+s4+$0x0], $0xffff;
	_ =	sdelay $0x5  }
0x78: {  	[tilespmem:s25+$0x1C770] =	vst v1;
	v1 =	vld [tilespmem:s25+$0x18790]  }
0x79: {  	v0 =	vld.idx.msk [tilespmem:v0+s4+$0x0], $0xffff;
	_ =	sdelay $0x5  }
0x7a: {  	[tilespmem:s25+$0x1C780] =	vst v0;
	v0 =	vld [tilespmem:s25+$0x187A0]  }
0x7b: {  	v1 =	vld.idx.msk [tilespmem:v1+s4+$0x0], $0xffff;
	_ =	sdelay $0x5  }
0x7c: {  	[tilespmem:s25+$0x1C790] =	vst v1;
	v1 =	vld [tilespmem:s25+$0x187B0]  }
0x7d: {  	v0 =	vld.idx.msk [tilespmem:v0+s4+$0x0], $0xffff;
	_ =	sdelay $0x5  }
0x7e: {  	[tilespmem:s25+$0x1C7A0] =	vst v0;
	v0 =	vld [tilespmem:s25+$0x187C0]  }
0x7f: {  	v1 =	vld.idx.msk [tilespmem:v1+s4+$0x0], $0xffff;
	_ =	sdelay $0x5  }
0x80: {  	[tilespmem:s25+$0x1C7B0] =	vst v1;
	v1 =	vld [tilespmem:s25+$0x187D0]  }
0x81: {  	v0 =	vld.idx.msk [tilespmem:v0+s4+$0x0], $0xffff;
	_ =	sdelay $0x5  }
0x82: {  	[tilespmem:s25+$0x1C7C0] =	vst v0;
	v0 =	vld [tilespmem:s25+$0x187E0]  }
0x83: {  	v1 =	vld.idx.msk [tilespmem:v1+s4+$0x0], $0xffff;
	_ =	sdelay $0x5  }
0x84: {  	[tilespmem:s25+$0x1C7D0] =	vst v1;
	v1 =	vld [tilespmem:s25+$0x187F0]  }
0x85: {  	v0 =	vld.idx.msk [tilespmem:v0+s4+$0x0], $0xffff;
	_ =	sdelay $0x5  }
0x86: {  	[tilespmem:s25+$0x1C7E0] =	vst v0;
	v0 =	vld [tilespmem:s25+$0x18800]  }
0x87: {  	v1 =	vld.idx.msk [tilespmem:v1+s4+$0x0], $0xffff;
	_ =	sdelay $0x5  }
0x88: {  	[tilespmem:s25+$0x1C7F0] =	vst v1;
	v1 =	vld [tilespmem:s25+$0x18810]  }
0x89: {  	v0 =	vld.idx.msk [tilespmem:v0+s4+$0x0], $0xffff;
	_ =	sdelay $0x5  }
0x8a: {  	[tilespmem:s25+$0x1C800] =	vst v0;
	v0 =	vld [tilespmem:s25+$0x18820]  }
0x8b: {  	v1 =	vld.idx.msk [tilespmem:v1+s4+$0x0], $0xffff;
	_ =	sdelay $0x5  }
0x8c: {  	[tilespmem:s25+$0x1C810] =	vst v1;
	v1 =	vld [tilespmem:s25+$0x18830]  }
0x8d: {  	v0 =	vld.idx.msk [tilespmem:v0+s4+$0x0], $0xffff;
	_ =	sdelay $0x5  }
0x8e: {  	[tilespmem:s25+$0x1C820] =	vst v0;
	v0 =	vld [tilespmem:s25+$0x18840]  }
0x8f: {  	v1 =	vld.idx.msk [tilespmem:v1+s4+$0x0], $0xffff;
	_ =	sdelay $0x5  }
0x90: {  	[tilespmem:s25+$0x1C830] =	vst v1;
	v1 =	vld [tilespmem:s25+$0x18850]  }
0x91: {  	v0 =	vld.idx.msk [tilespmem:v0+s4+$0x0], $0xffff;
	_ =	sdelay $0x5  }
0x92: {  	[tilespmem:s25+$0x1C840] =	vst v0;
	v0 =	vld [tilespmem:s25+$0x18860]  }
0x93: {  	v1 =	vld.idx.msk [tilespmem:v1+s4+$0x0], $0xffff;
	_ =	sdelay $0x5  }
0x94: {  	[tilespmem:s25+$0x1C850] =	vst v1;
	v1 =	vld [tilespmem:s25+$0x18870]  }
0x95: {  	v0 =	vld.idx.msk [tilespmem:v0+s4+$0x0], $0xffff;
	_ =	sdelay $0x5  }
0x96: {  	[tilespmem:s25+$0x1C860] =	vst v0;
	v0 =	vld [tilespmem:s25+$0x18880]  }
0x97: {  	v1 =	vld.idx.msk [tilespmem:v1+s4+$0x0], $0xffff;
	_ =	sdelay $0x5  }
0x98: {  	[tilespmem:s25+$0x1C870] =	vst v1;
	v1 =	vld [tilespmem:s25+$0x18890]  }
0x99: {  	v0 =	vld.idx.msk [tilespmem:v0+s4+$0x0], $0xffff;
	_ =	sdelay $0x5  }
0x9a: {  	[tilespmem:s25+$0x1C880] =	vst v0;
	v0 =	vld [tilespmem:s25+$0x188A0]  }
0x9b: {  	v1 =	vld.idx.msk [tilespmem:v1+s4+$0x0], $0xffff;
	_ =	sdelay $0x5  }
0x9c: {  	[tilespmem:s25+$0x1C890] =	vst v1;
	v1 =	vld [tilespmem:s25+$0x188B0]  }
0x9d: {  	v0 =	vld.idx.msk [tilespmem:v0+s4+$0x0], $0xffff;
	_ =	sdelay $0x5  }
0x9e: {  	[tilespmem:s25+$0x1C8A0] =	vst v0;
	v0 =	vld [tilespmem:s25+$0x188C0]  }
0x9f: {  	v1 =	vld.idx.msk [tilespmem:v1+s4+$0x0], $0xffff;
	_ =	sdelay $0x5  }
0xa0: {  	[tilespmem:s25+$0x1C8B0] =	vst v1;
	v1 =	vld [tilespmem:s25+$0x188D0]  }
0xa1: {  	v0 =	vld.idx.msk [tilespmem:v0+s4+$0x0], $0xffff;
	_ =	sdelay $0x5  }
0xa2: {  	[tilespmem:s25+$0x1C8C0] =	vst v0;
	v2 =	vld [tilespmem:s25+$0x188E0]  }
0xa3: {  	v0 =	vld.idx.msk [tilespmem:v1+s4+$0x0], $0xffff;
	_ =	sdelay $0x5  }
0xa4: {  	[tilespmem:s25+$0x1C8D0] =	vst v0;
	v0 =	vld [tilespmem:s25+$0x188F0]  }
0xa5: {  	v1 =	vld.idx.msk [tilespmem:v2+s4+$0x0], $0xffff  }
.Ltmp0:
0xa6: {  	(pc) =	sbr.rel @p1 .LBB2_3-.Ltmp0, $2  }
0xa7: {  	_ =	sdelay $0x2  }
0xa8: {  	s28 =	sshra.s32 s26, $0x2;
	s26 =	sadd.s32 $0x800, s26  }
0xa9: {  	_ =	sdelay $0x1  }
0xaa: {  	v2 =	vld [tilespmem:s28+$0x18700]  }
0xab: {  	[tilespmem:s25+$0x1C8E0] =	vst v1  }
0xac: {  	v0 =	vld.idx.msk [tilespmem:v0+s4+$0x0], $0xffff;
	_ =	sdelay $0x3  }
0xad: {  	v1 =	vld [tilespmem:s28+$0x18710]  }
0xae: {  	[tilespmem:s25+$0x1C8F0] =	vst v0  }
0xaf: {  	v0 =	vld.idx.msk [tilespmem:v2+s4+$0x0], $0xffff;
	_ =	sdelay $0x4  }
0xb0: {  	[tilespmem:s28+$0x1C700] =	vst v0;
	v0 =	vld [tilespmem:s28+$0x18720]  }
0xb1: {  	v1 =	vld.idx.msk [tilespmem:v1+s4+$0x0], $0xffff;
	_ =	sdelay $0x4  }
0xb2: {  	[tilespmem:s28+$0x1C710] =	vst v1;
	v1 =	vld [tilespmem:s28+$0x18730];
	_ =	sdelay $0x1  }
0xb3: {  	v0 =	vld.idx.msk [tilespmem:v0+s4+$0x0], $0xffff;
	_ =	sdelay $0x4  }
0xb4: {  	[tilespmem:s28+$0x1C720] =	vst v0;
	v0 =	vld [tilespmem:s28+$0x18740]  }
0xb5: {  	v1 =	vld.idx.msk [tilespmem:v1+s4+$0x0], $0xffff;
	_ =	sdelay $0x4  }
0xb6: {  	[tilespmem:s28+$0x1C730] =	vst v1;
	v1 =	vld [tilespmem:s28+$0x18750];
	_ =	sdelay $0x1  }
0xb7: {  	v0 =	vld.idx.msk [tilespmem:v0+s4+$0x0], $0xffff;
	_ =	sdelay $0x4  }
0xb8: {  	[tilespmem:s28+$0x1C740] =	vst v0;
	v0 =	vld [tilespmem:s28+$0x18760]  }
0xb9: {  	v1 =	vld.idx.msk [tilespmem:v1+s4+$0x0], $0xffff;
	_ =	sdelay $0x4  }
0xba: {  	[tilespmem:s28+$0x1C750] =	vst v1;
	v1 =	vld [tilespmem:s28+$0x18770];
	_ =	sdelay $0x1  }
0xbb: {  	v0 =	vld.idx.msk [tilespmem:v0+s4+$0x0], $0xffff;
	_ =	sdelay $0x4  }
0xbc: {  	[tilespmem:s28+$0x1C760] =	vst v0;
	v0 =	vld [tilespmem:s28+$0x18780]  }
0xbd: {  	v1 =	vld.idx.msk [tilespmem:v1+s4+$0x0], $0xffff;
	_ =	sdelay $0x4  }
0xbe: {  	[tilespmem:s28+$0x1C770] =	vst v1;
	v1 =	vld [tilespmem:s28+$0x18790];
	_ =	sdelay $0x1  }
0xbf: {  	v0 =	vld.idx.msk [tilespmem:v0+s4+$0x0], $0xffff;
	_ =	sdelay $0x4  }
0xc0: {  	[tilespmem:s28+$0x1C780] =	vst v0;
	v0 =	vld [tilespmem:s28+$0x187A0]  }
0xc1: {  	v1 =	vld.idx.msk [tilespmem:v1+s4+$0x0], $0xffff;
	_ =	sdelay $0x4  }
0xc2: {  	[tilespmem:s28+$0x1C790] =	vst v1;
	v1 =	vld [tilespmem:s28+$0x187B0];
	_ =	sdelay $0x1  }
0xc3: {  	v0 =	vld.idx.msk [tilespmem:v0+s4+$0x0], $0xffff;
	_ =	sdelay $0x4  }
0xc4: {  	[tilespmem:s28+$0x1C7A0] =	vst v0;
	v0 =	vld [tilespmem:s28+$0x187C0]  }
0xc5: {  	v1 =	vld.idx.msk [tilespmem:v1+s4+$0x0], $0xffff;
	_ =	sdelay $0x4  }
0xc6: {  	[tilespmem:s28+$0x1C7B0] =	vst v1;
	v1 =	vld [tilespmem:s28+$0x187D0];
	_ =	sdelay $0x1  }
0xc7: {  	v0 =	vld.idx.msk [tilespmem:v0+s4+$0x0], $0xffff;
	_ =	sdelay $0x4  }
0xc8: {  	[tilespmem:s28+$0x1C7C0] =	vst v0;
	v0 =	vld [tilespmem:s28+$0x187E0]  }
0xc9: {  	v1 =	vld.idx.msk [tilespmem:v1+s4+$0x0], $0xffff;
	_ =	sdelay $0x4  }
0xca: {  	[tilespmem:s28+$0x1C7D0] =	vst v1;
	v1 =	vld [tilespmem:s28+$0x187F0];
	_ =	sdelay $0x1  }
0xcb: {  	v0 =	vld.idx.msk [tilespmem:v0+s4+$0x0], $0xffff;
	_ =	sdelay $0x4  }
0xcc: {  	[tilespmem:s28+$0x1C7E0] =	vst v0;
	v0 =	vld [tilespmem:s28+$0x18800]  }
0xcd: {  	v1 =	vld.idx.msk [tilespmem:v1+s4+$0x0], $0xffff;
	_ =	sdelay $0x4  }
0xce: {  	[tilespmem:s28+$0x1C7F0] =	vst v1;
	v1 =	vld [tilespmem:s28+$0x18810];
	_ =	sdelay $0x1  }
0xcf: {  	v0 =	vld.idx.msk [tilespmem:v0+s4+$0x0], $0xffff;
	_ =	sdelay $0x4  }
0xd0: {  	[tilespmem:s28+$0x1C800] =	vst v0;
	v0 =	vld [tilespmem:s28+$0x18820]  }
0xd1: {  	v1 =	vld.idx.msk [tilespmem:v1+s4+$0x0], $0xffff;
	_ =	sdelay $0x4  }
0xd2: {  	[tilespmem:s28+$0x1C810] =	vst v1;
	v1 =	vld [tilespmem:s28+$0x18830];
	_ =	sdelay $0x1  }
0xd3: {  	v0 =	vld.idx.msk [tilespmem:v0+s4+$0x0], $0xffff;
	_ =	sdelay $0x4  }
0xd4: {  	[tilespmem:s28+$0x1C820] =	vst v0;
	v0 =	vld [tilespmem:s28+$0x18840]  }
0xd5: {  	v1 =	vld.idx.msk [tilespmem:v1+s4+$0x0], $0xffff;
	_ =	sdelay $0x4  }
0xd6: {  	[tilespmem:s28+$0x1C830] =	vst v1;
	v1 =	vld [tilespmem:s28+$0x18850];
	_ =	sdelay $0x1  }
0xd7: {  	v0 =	vld.idx.msk [tilespmem:v0+s4+$0x0], $0xffff;
	_ =	sdelay $0x4  }
0xd8: {  	[tilespmem:s28+$0x1C840] =	vst v0;
	v0 =	vld [tilespmem:s28+$0x18860]  }
0xd9: {  	v1 =	vld.idx.msk [tilespmem:v1+s4+$0x0], $0xffff;
	_ =	sdelay $0x4  }
0xda: {  	[tilespmem:s28+$0x1C850] =	vst v1;
	v1 =	vld [tilespmem:s28+$0x18870];
	_ =	sdelay $0x1  }
0xdb: {  	v0 =	vld.idx.msk [tilespmem:v0+s4+$0x0], $0xffff;
	_ =	sdelay $0x4  }
0xdc: {  	[tilespmem:s28+$0x1C860] =	vst v0;
	v0 =	vld [tilespmem:s28+$0x18880]  }
0xdd: {  	v1 =	vld.idx.msk [tilespmem:v1+s4+$0x0], $0xffff;
	_ =	sdelay $0x4  }
0xde: {  	[tilespmem:s28+$0x1C870] =	vst v1;
	v1 =	vld [tilespmem:s28+$0x18890];
	_ =	sdelay $0x1  }
0xdf: {  	v0 =	vld.idx.msk [tilespmem:v0+s4+$0x0], $0xffff;
	_ =	sdelay $0x4  }
0xe0: {  	[tilespmem:s28+$0x1C880] =	vst v0;
	v0 =	vld [tilespmem:s28+$0x188A0]  }
0xe1: {  	v1 =	vld.idx.msk [tilespmem:v1+s4+$0x0], $0xffff;
	_ =	sdelay $0x4  }
0xe2: {  	[tilespmem:s28+$0x1C890] =	vst v1;
	v1 =	vld [tilespmem:s28+$0x188B0];
	_ =	sdelay $0x1  }
0xe3: {  	v0 =	vld.idx.msk [tilespmem:v0+s4+$0x0], $0xffff;
	_ =	sdelay $0x4  }
0xe4: {  	[tilespmem:s28+$0x1C8A0] =	vst v0;
	v0 =	vld [tilespmem:s28+$0x188C0]  }
0xe5: {  	v1 =	vld.idx.msk [tilespmem:v1+s4+$0x0], $0xffff;
	_ =	sdelay $0x4  }
0xe6: {  	[tilespmem:s28+$0x1C8B0] =	vst v1;
	v1 =	vld [tilespmem:s28+$0x188D0];
	_ =	sdelay $0x1  }
0xe7: {  	v0 =	vld.idx.msk [tilespmem:v0+s4+$0x0], $0xffff;
	_ =	sdelay $0x4  }
0xe8: {  	[tilespmem:s28+$0x1C8C0] =	vst v0;
	v0 =	vld [tilespmem:s28+$0x188E0]  }
0xe9: {  	v1 =	vld.idx.msk [tilespmem:v1+s4+$0x0], $0xffff;
	_ =	sdelay $0x4  }
0xea: {  	[tilespmem:s28+$0x1C8D0] =	vst v1;
	v1 =	vld [tilespmem:s28+$0x188F0];
	_ =	sdelay $0x1  }
0xeb: {  	v0 =	vld.idx.msk [tilespmem:v0+s4+$0x0], $0xffff;
	_ =	sdelay $0x4  }
0xec: {  	[tilespmem:s28+$0x1C8E0] =	vst v0  }
0xed: {  	v0 =	vld.idx.msk [tilespmem:v1+s4+$0x0], $0xffff  }
0xee: {  	s23 =	sshll.u32 s23, $0xE  }
0xef: {  	s23 =	sand.u32 $0x7FFE0000, s23  }
0xf0: {  	s23 =	sor.u32 s24, s23  }
0xf1: {  	s23 =	sshrl.u32 s23, $0x3  }
0xf2: {  	s24 =	simm.s32 @!p0 $0x2;
	s31 =	sadd.s32 s5, s23;
	[tilespmem:s28+$0x1C8F0] =	vst v0  }
0xf3: {  	[hbm4b:s31+s12] =	stream.strided.scatter [tilespmem:s17], [sflag:$0x1], $0x1000, s13, s12, $0x38;
	[tilespmem:$0x1E700] =	vst v63  }
0xf4: {  	_ =	swait.ge @!p0 [sflag:s24], $0x1000  }
0xf5: {  	[sflag:s24] =	ssyncset.done @!p0 $0x0  }
0xf6: {  	[sflag:s24] =	ssyncadd.s32 @!p0 $0xFFFFF000;
	s24 =	simm.s32 $0x0  }
0xf7: {  	v0 =	vld [tilespmem:s24+$0x19700];
	_ =	sdelay $0x5  }
0xf8: {  	v1 =	vld [tilespmem:s24+$0x19710];
	_ =	sdelay $0x1  }
0xf9: {  	v0 =	vld.idx.msk [tilespmem:v0+s4+$0x0], $0xffff;
	_ =	sdelay $0x4  }
0xfa: {  	[tilespmem:s24+$0x1D700] =	vst v0;
	v0 =	vld [tilespmem:s24+$0x19720]  }
0xfb: {  	v1 =	vld.idx.msk [tilespmem:v1+s4+$0x0], $0xffff;
	_ =	sdelay $0x4  }
0xfc: {  	[tilespmem:s24+$0x1D710] =	vst v1;
	v1 =	vld [tilespmem:s24+$0x19730];
	_ =	sdelay $0x1  }
0xfd: {  	v0 =	vld.idx.msk [tilespmem:v0+s4+$0x0], $0xffff;
	_ =	sdelay $0x4  }
0xfe: {  	[tilespmem:s24+$0x1D720] =	vst v0;
	v0 =	vld [tilespmem:s24+$0x19740]  }
0xff: {  	v1 =	vld.idx.msk [tilespmem:v1+s4+$0x0], $0xffff;
	_ =	sdelay $0x4  }
0x100: {  	[tilespmem:s24+$0x1D730] =	vst v1;
	v1 =	vld [tilespmem:s24+$0x19750];
	_ =	sdelay $0x1  }
0x101: {  	v0 =	vld.idx.msk [tilespmem:v0+s4+$0x0], $0xffff;
	_ =	sdelay $0x4  }
0x102: {  	[tilespmem:s24+$0x1D740] =	vst v0;
	v0 =	vld [tilespmem:s24+$0x19760]  }
0x103: {  	v1 =	vld.idx.msk [tilespmem:v1+s4+$0x0], $0xffff;
	_ =	sdelay $0x4  }
0x104: {  	[tilespmem:s24+$0x1D750] =	vst v1;
	v1 =	vld [tilespmem:s24+$0x19770];
	_ =	sdelay $0x1  }
0x105: {  	v0 =	vld.idx.msk [tilespmem:v0+s4+$0x0], $0xffff;
	_ =	sdelay $0x4  }
0x106: {  	[tilespmem:s24+$0x1D760] =	vst v0;
	v0 =	vld [tilespmem:s24+$0x19780]  }
0x107: {  	v1 =	vld.idx.msk [tilespmem:v1+s4+$0x0], $0xffff;
	_ =	sdelay $0x4  }
0x108: {  	[tilespmem:s24+$0x1D770] =	vst v1;
	v1 =	vld [tilespmem:s24+$0x19790];
	_ =	sdelay $0x1  }
0x109: {  	v0 =	vld.idx.msk [tilespmem:v0+s4+$0x0], $0xffff;
	_ =	sdelay $0x4  }
0x10a: {  	[tilespmem:s24+$0x1D780] =	vst v0;
	v0 =	vld [tilespmem:s24+$0x197A0]  }
0x10b: {  	v1 =	vld.idx.msk [tilespmem:v1+s4+$0x0], $0xffff;
	_ =	sdelay $0x4  }
0x10c: {  	[tilespmem:s24+$0x1D790] =	vst v1;
	v1 =	vld [tilespmem:s24+$0x197B0];
	_ =	sdelay $0x1  }
0x10d: {  	v0 =	vld.idx.msk [tilespmem:v0+s4+$0x0], $0xffff;
	_ =	sdelay $0x4  }
0x10e: {  	[tilespmem:s24+$0x1D7A0] =	vst v0;
	v0 =	vld [tilespmem:s24+$0x197C0]  }
0x10f: {  	v1 =	vld.idx.msk [tilespmem:v1+s4+$0x0], $0xffff;
	_ =	sdelay $0x4  }
0x110: {  	[tilespmem:s24+$0x1D7B0] =	vst v1;
	v1 =	vld [tilespmem:s24+$0x197D0];
	_ =	sdelay $0x1  }
0x111: {  	v0 =	vld.idx.msk [tilespmem:v0+s4+$0x0], $0xffff;
	_ =	sdelay $0x4  }
0x112: {  	[tilespmem:s24+$0x1D7C0] =	vst v0;
	v0 =	vld [tilespmem:s24+$0x197E0]  }
0x113: {  	v1 =	vld.idx.msk [tilespmem:v1+s4+$0x0], $0xffff;
	_ =	sdelay $0x4  }
0x114: {  	[tilespmem:s24+$0x1D7D0] =	vst v1;
	v1 =	vld [tilespmem:s24+$0x197F0];
	_ =	sdelay $0x1  }
0x115: {  	v0 =	vld.idx.msk [tilespmem:v0+s4+$0x0], $0xffff;
	_ =	sdelay $0x4  }
0x116: {  	[tilespmem:s24+$0x1D7E0] =	vst v0;
	v0 =	vld [tilespmem:s24+$0x19800]  }
0x117: {  	v1 =	vld.idx.msk [tilespmem:v1+s4+$0x0], $0xffff;
	_ =	sdelay $0x4  }
0x118: {  	[tilespmem:s24+$0x1D7F0] =	vst v1;
	v1 =	vld [tilespmem:s24+$0x19810];
	_ =	sdelay $0x1  }
0x119: {  	v0 =	vld.idx.msk [tilespmem:v0+s4+$0x0], $0xffff;
	_ =	sdelay $0x4  }
0x11a: {  	[tilespmem:s24+$0x1D800] =	vst v0;
	v0 =	vld [tilespmem:s24+$0x19820]  }
0x11b: {  	v1 =	vld.idx.msk [tilespmem:v1+s4+$0x0], $0xffff;
	_ =	sdelay $0x4  }
0x11c: {  	[tilespmem:s24+$0x1D810] =	vst v1;
	v1 =	vld [tilespmem:s24+$0x19830];
	_ =	sdelay $0x1  }
0x11d: {  	v0 =	vld.idx.msk [tilespmem:v0+s4+$0x0], $0xffff;
	_ =	sdelay $0x4  }
0x11e: {  	[tilespmem:s24+$0x1D820] =	vst v0;
	v0 =	vld [tilespmem:s24+$0x19840]  }
0x11f: {  	v1 =	vld.idx.msk [tilespmem:v1+s4+$0x0], $0xffff;
	_ =	sdelay $0x4  }
0x120: {  	[tilespmem:s24+$0x1D830] =	vst v1;
	v1 =	vld [tilespmem:s24+$0x19850];
	_ =	sdelay $0x1  }
0x121: {  	v0 =	vld.idx.msk [tilespmem:v0+s4+$0x0], $0xffff;
	_ =	sdelay $0x4  }
0x122: {  	[tilespmem:s24+$0x1D840] =	vst v0;
	v0 =	vld [tilespmem:s24+$0x19860]  }
0x123: {  	v1 =	vld.idx.msk [tilespmem:v1+s4+$0x0], $0xffff;
	_ =	sdelay $0x4  }
0x124: {  	[tilespmem:s24+$0x1D850] =	vst v1;
	v1 =	vld [tilespmem:s24+$0x19870];
	_ =	sdelay $0x1  }
0x125: {  	v0 =	vld.idx.msk [tilespmem:v0+s4+$0x0], $0xffff;
	_ =	sdelay $0x4  }
0x126: {  	[tilespmem:s24+$0x1D860] =	vst v0;
	v0 =	vld [tilespmem:s24+$0x19880]  }
0x127: {  	v1 =	vld.idx.msk [tilespmem:v1+s4+$0x0], $0xffff;
	_ =	sdelay $0x4  }
0x128: {  	[tilespmem:s24+$0x1D870] =	vst v1;
	v1 =	vld [tilespmem:s24+$0x19890];
	_ =	sdelay $0x1  }
0x129: {  	v0 =	vld.idx.msk [tilespmem:v0+s4+$0x0], $0xffff;
	_ =	sdelay $0x4  }
0x12a: {  	[tilespmem:s24+$0x1D880] =	vst v0;
	v0 =	vld [tilespmem:s24+$0x198A0]  }
0x12b: {  	v1 =	vld.idx.msk [tilespmem:v1+s4+$0x0], $0xffff;
	_ =	sdelay $0x4  }
0x12c: {  	[tilespmem:s24+$0x1D890] =	vst v1;
	v1 =	vld [tilespmem:s24+$0x198B0];
	_ =	sdelay $0x1  }
0x12d: {  	v0 =	vld.idx.msk [tilespmem:v0+s4+$0x0], $0xffff;
	_ =	sdelay $0x4  }
0x12e: {  	[tilespmem:s24+$0x1D8A0] =	vst v0;
	v0 =	vld [tilespmem:s24+$0x198C0]  }
0x12f: {  	v1 =	vld.idx.msk [tilespmem:v1+s4+$0x0], $0xffff;
	_ =	sdelay $0x4  }
0x130: {  	[tilespmem:s24+$0x1D8B0] =	vst v1;
	v1 =	vld [tilespmem:s24+$0x198D0];
	_ =	sdelay $0x1  }
0x131: {  	v0 =	vld.idx.msk [tilespmem:v0+s4+$0x0], $0xffff;
	_ =	sdelay $0x4  }
0x132: {  	v2 =	vld [tilespmem:s24+$0x198E0];
	[tilespmem:s24+$0x1D8C0] =	vst v0  }
0x133: {  	v0 =	vld.idx.msk [tilespmem:v1+s4+$0x0], $0xffff;
	_ =	sdelay $0x4  }
0x134: {  	[tilespmem:s24+$0x1D8D0] =	vst v0;
	v0 =	vld [tilespmem:s24+$0x198F0];
	_ =	sdelay $0x1  }
0x135: {  	v1 =	vld.idx.msk [tilespmem:v2+s4+$0x0], $0xffff;
	_ =	sdelay $0x3  }
0x136: {  	s26 =	simm.s32 $0x200;
	s25 =	simm.s32 $0x1000  }
.LBB2_5:
0x137: {  	p0 =	sne.s32 s25, $0x3800;
	v2 =	vld [tilespmem:s26+$0x19700];
	[tilespmem:s24+$0x1D8E0] =	vst v1  }
0x138: {  	v0 =	vld.idx.msk [tilespmem:v0+s4+$0x0], $0xffff;
	_ =	sdelay $0x5  }
0x139: {  	v1 =	vld [tilespmem:s26+$0x19710];
	[tilespmem:s24+$0x1D8F0] =	vst v0;
	s24 =	smov.u32 s26  }
0x13a: {  	v0 =	vld.idx.msk [tilespmem:v2+s4+$0x0], $0xffff;
	_ =	sdelay $0x5  }
0x13b: {  	[tilespmem:s24+$0x1D700] =	vst v0;
	v0 =	vld [tilespmem:s24+$0x19720]  }
0x13c: {  	v1 =	vld.idx.msk [tilespmem:v1+s4+$0x0], $0xffff;
	_ =	sdelay $0x5  }
0x13d: {  	[tilespmem:s24+$0x1D710] =	vst v1;
	v1 =	vld [tilespmem:s24+$0x19730]  }
0x13e: {  	v0 =	vld.idx.msk [tilespmem:v0+s4+$0x0], $0xffff;
	_ =	sdelay $0x5  }
0x13f: {  	[tilespmem:s24+$0x1D720] =	vst v0;
	v0 =	vld [tilespmem:s24+$0x19740]  }
0x140: {  	v1 =	vld.idx.msk [tilespmem:v1+s4+$0x0], $0xffff;
	_ =	sdelay $0x5  }
0x141: {  	[tilespmem:s24+$0x1D730] =	vst v1;
	v1 =	vld [tilespmem:s24+$0x19750]  }
0x142: {  	v0 =	vld.idx.msk [tilespmem:v0+s4+$0x0], $0xffff;
	_ =	sdelay $0x5  }
0x143: {  	[tilespmem:s24+$0x1D740] =	vst v0;
	v0 =	vld [tilespmem:s24+$0x19760]  }
0x144: {  	v1 =	vld.idx.msk [tilespmem:v1+s4+$0x0], $0xffff;
	_ =	sdelay $0x5  }
0x145: {  	[tilespmem:s24+$0x1D750] =	vst v1;
	v1 =	vld [tilespmem:s24+$0x19770]  }
0x146: {  	v0 =	vld.idx.msk [tilespmem:v0+s4+$0x0], $0xffff;
	_ =	sdelay $0x5  }
0x147: {  	[tilespmem:s24+$0x1D760] =	vst v0;
	v0 =	vld [tilespmem:s24+$0x19780]  }
0x148: {  	v1 =	vld.idx.msk [tilespmem:v1+s4+$0x0], $0xffff;
	_ =	sdelay $0x5  }
0x149: {  	[tilespmem:s24+$0x1D770] =	vst v1;
	v1 =	vld [tilespmem:s24+$0x19790]  }
0x14a: {  	v0 =	vld.idx.msk [tilespmem:v0+s4+$0x0], $0xffff;
	_ =	sdelay $0x5  }
0x14b: {  	[tilespmem:s24+$0x1D780] =	vst v0;
	v0 =	vld [tilespmem:s24+$0x197A0]  }
0x14c: {  	v1 =	vld.idx.msk [tilespmem:v1+s4+$0x0], $0xffff;
	_ =	sdelay $0x5  }
0x14d: {  	[tilespmem:s24+$0x1D790] =	vst v1;
	v1 =	vld [tilespmem:s24+$0x197B0]  }
0x14e: {  	v0 =	vld.idx.msk [tilespmem:v0+s4+$0x0], $0xffff;
	_ =	sdelay $0x5  }
0x14f: {  	[tilespmem:s24+$0x1D7A0] =	vst v0;
	v0 =	vld [tilespmem:s24+$0x197C0]  }
0x150: {  	v1 =	vld.idx.msk [tilespmem:v1+s4+$0x0], $0xffff;
	_ =	sdelay $0x5  }
0x151: {  	[tilespmem:s24+$0x1D7B0] =	vst v1;
	v1 =	vld [tilespmem:s24+$0x197D0]  }
0x152: {  	v0 =	vld.idx.msk [tilespmem:v0+s4+$0x0], $0xffff;
	_ =	sdelay $0x5  }
0x153: {  	[tilespmem:s24+$0x1D7C0] =	vst v0;
	v0 =	vld [tilespmem:s24+$0x197E0]  }
0x154: {  	v1 =	vld.idx.msk [tilespmem:v1+s4+$0x0], $0xffff;
	_ =	sdelay $0x5  }
0x155: {  	[tilespmem:s24+$0x1D7D0] =	vst v1;
	v1 =	vld [tilespmem:s24+$0x197F0]  }
0x156: {  	v0 =	vld.idx.msk [tilespmem:v0+s4+$0x0], $0xffff;
	_ =	sdelay $0x5  }
0x157: {  	[tilespmem:s24+$0x1D7E0] =	vst v0;
	v0 =	vld [tilespmem:s24+$0x19800]  }
0x158: {  	v1 =	vld.idx.msk [tilespmem:v1+s4+$0x0], $0xffff;
	_ =	sdelay $0x5  }
0x159: {  	[tilespmem:s24+$0x1D7F0] =	vst v1;
	v1 =	vld [tilespmem:s24+$0x19810]  }
0x15a: {  	v0 =	vld.idx.msk [tilespmem:v0+s4+$0x0], $0xffff;
	_ =	sdelay $0x5  }
0x15b: {  	[tilespmem:s24+$0x1D800] =	vst v0;
	v0 =	vld [tilespmem:s24+$0x19820]  }
0x15c: {  	v1 =	vld.idx.msk [tilespmem:v1+s4+$0x0], $0xffff;
	_ =	sdelay $0x5  }
0x15d: {  	[tilespmem:s24+$0x1D810] =	vst v1;
	v1 =	vld [tilespmem:s24+$0x19830]  }
0x15e: {  	v0 =	vld.idx.msk [tilespmem:v0+s4+$0x0], $0xffff;
	_ =	sdelay $0x5  }
0x15f: {  	[tilespmem:s24+$0x1D820] =	vst v0;
	v0 =	vld [tilespmem:s24+$0x19840]  }
0x160: {  	v1 =	vld.idx.msk [tilespmem:v1+s4+$0x0], $0xffff;
	_ =	sdelay $0x5  }
0x161: {  	[tilespmem:s24+$0x1D830] =	vst v1;
	v1 =	vld [tilespmem:s24+$0x19850]  }
0x162: {  	v0 =	vld.idx.msk [tilespmem:v0+s4+$0x0], $0xffff;
	_ =	sdelay $0x5  }
0x163: {  	[tilespmem:s24+$0x1D840] =	vst v0;
	v0 =	vld [tilespmem:s24+$0x19860]  }
0x164: {  	v1 =	vld.idx.msk [tilespmem:v1+s4+$0x0], $0xffff;
	_ =	sdelay $0x5  }
0x165: {  	[tilespmem:s24+$0x1D850] =	vst v1;
	v1 =	vld [tilespmem:s24+$0x19870]  }
0x166: {  	v0 =	vld.idx.msk [tilespmem:v0+s4+$0x0], $0xffff;
	_ =	sdelay $0x5  }
0x167: {  	[tilespmem:s24+$0x1D860] =	vst v0;
	v0 =	vld [tilespmem:s24+$0x19880]  }
0x168: {  	v1 =	vld.idx.msk [tilespmem:v1+s4+$0x0], $0xffff;
	_ =	sdelay $0x5  }
0x169: {  	[tilespmem:s24+$0x1D870] =	vst v1;
	v1 =	vld [tilespmem:s24+$0x19890]  }
0x16a: {  	v0 =	vld.idx.msk [tilespmem:v0+s4+$0x0], $0xffff;
	_ =	sdelay $0x5  }
0x16b: {  	[tilespmem:s24+$0x1D880] =	vst v0;
	v0 =	vld [tilespmem:s24+$0x198A0]  }
0x16c: {  	v1 =	vld.idx.msk [tilespmem:v1+s4+$0x0], $0xffff;
	_ =	sdelay $0x5  }
0x16d: {  	[tilespmem:s24+$0x1D890] =	vst v1;
	v1 =	vld [tilespmem:s24+$0x198B0]  }
0x16e: {  	v0 =	vld.idx.msk [tilespmem:v0+s4+$0x0], $0xffff;
	_ =	sdelay $0x5  }
0x16f: {  	[tilespmem:s24+$0x1D8A0] =	vst v0;
	v0 =	vld [tilespmem:s24+$0x198C0]  }
0x170: {  	v1 =	vld.idx.msk [tilespmem:v1+s4+$0x0], $0xffff;
	_ =	sdelay $0x5  }
0x171: {  	[tilespmem:s24+$0x1D8B0] =	vst v1;
	v1 =	vld [tilespmem:s24+$0x198D0]  }
0x172: {  	v0 =	vld.idx.msk [tilespmem:v0+s4+$0x0], $0xffff;
	_ =	sdelay $0x5  }
0x173: {  	[tilespmem:s24+$0x1D8C0] =	vst v0;
	v2 =	vld [tilespmem:s24+$0x198E0]  }
0x174: {  	v0 =	vld.idx.msk [tilespmem:v1+s4+$0x0], $0xffff;
	_ =	sdelay $0x5  }
0x175: {  	[tilespmem:s24+$0x1D8D0] =	vst v0;
	v0 =	vld [tilespmem:s24+$0x198F0]  }
0x176: {  	v1 =	vld.idx.msk [tilespmem:v2+s4+$0x0], $0xffff  }
.Ltmp1:
0x177: {  	(pc) =	sbr.rel @p0 .LBB2_5-.Ltmp1, $2  }
0x178: {  	_ =	sdelay $0x2  }
0x179: {  	s26 =	sshra.s32 s25, $0x2;
	s25 =	sadd.s32 $0x800, s25  }
0x17a: {  	_ =	sdelay $0x1  }
0x17b: {  	v2 =	vld [tilespmem:s26+$0x19700]  }
0x17c: {  	[tilespmem:s24+$0x1D8E0] =	vst v1  }
0x17d: {  	v0 =	vld.idx.msk [tilespmem:v0+s4+$0x0], $0xffff;
	_ =	sdelay $0x3  }
0x17e: {  	v1 =	vld [tilespmem:s26+$0x19710]  }
0x17f: {  	[tilespmem:s24+$0x1D8F0] =	vst v0  }
0x180: {  	v0 =	vld.idx.msk [tilespmem:v2+s4+$0x0], $0xffff;
	_ =	sdelay $0x4  }
0x181: {  	[tilespmem:s26+$0x1D700] =	vst v0;
	v0 =	vld [tilespmem:s26+$0x19720]  }
0x182: {  	v1 =	vld.idx.msk [tilespmem:v1+s4+$0x0], $0xffff;
	_ =	sdelay $0x4  }
0x183: {  	[tilespmem:s26+$0x1D710] =	vst v1;
	v1 =	vld [tilespmem:s26+$0x19730];
	_ =	sdelay $0x1  }
0x184: {  	v0 =	vld.idx.msk [tilespmem:v0+s4+$0x0], $0xffff;
	_ =	sdelay $0x4  }
0x185: {  	[tilespmem:s26+$0x1D720] =	vst v0;
	v0 =	vld [tilespmem:s26+$0x19740]  }
0x186: {  	v1 =	vld.idx.msk [tilespmem:v1+s4+$0x0], $0xffff;
	_ =	sdelay $0x4  }
0x187: {  	[tilespmem:s26+$0x1D730] =	vst v1;
	v1 =	vld [tilespmem:s26+$0x19750];
	_ =	sdelay $0x1  }
0x188: {  	v0 =	vld.idx.msk [tilespmem:v0+s4+$0x0], $0xffff;
	_ =	sdelay $0x4  }
0x189: {  	[tilespmem:s26+$0x1D740] =	vst v0;
	v0 =	vld [tilespmem:s26+$0x19760]  }
0x18a: {  	v1 =	vld.idx.msk [tilespmem:v1+s4+$0x0], $0xffff;
	_ =	sdelay $0x4  }
0x18b: {  	[tilespmem:s26+$0x1D750] =	vst v1;
	v1 =	vld [tilespmem:s26+$0x19770];
	_ =	sdelay $0x1  }
0x18c: {  	v0 =	vld.idx.msk [tilespmem:v0+s4+$0x0], $0xffff;
	_ =	sdelay $0x4  }
0x18d: {  	[tilespmem:s26+$0x1D760] =	vst v0;
	v0 =	vld [tilespmem:s26+$0x19780]  }
0x18e: {  	v1 =	vld.idx.msk [tilespmem:v1+s4+$0x0], $0xffff;
	_ =	sdelay $0x4  }
0x18f: {  	[tilespmem:s26+$0x1D770] =	vst v1;
	v1 =	vld [tilespmem:s26+$0x19790];
	_ =	sdelay $0x1  }
0x190: {  	v0 =	vld.idx.msk [tilespmem:v0+s4+$0x0], $0xffff;
	_ =	sdelay $0x4  }
0x191: {  	[tilespmem:s26+$0x1D780] =	vst v0;
	v0 =	vld [tilespmem:s26+$0x197A0]  }
0x192: {  	v1 =	vld.idx.msk [tilespmem:v1+s4+$0x0], $0xffff;
	_ =	sdelay $0x4  }
0x193: {  	[tilespmem:s26+$0x1D790] =	vst v1;
	v1 =	vld [tilespmem:s26+$0x197B0];
	_ =	sdelay $0x1  }
0x194: {  	v0 =	vld.idx.msk [tilespmem:v0+s4+$0x0], $0xffff;
	_ =	sdelay $0x4  }
0x195: {  	[tilespmem:s26+$0x1D7A0] =	vst v0;
	v0 =	vld [tilespmem:s26+$0x197C0]  }
0x196: {  	v1 =	vld.idx.msk [tilespmem:v1+s4+$0x0], $0xffff;
	_ =	sdelay $0x4  }
0x197: {  	[tilespmem:s26+$0x1D7B0] =	vst v1;
	v1 =	vld [tilespmem:s26+$0x197D0];
	_ =	sdelay $0x1  }
0x198: {  	v0 =	vld.idx.msk [tilespmem:v0+s4+$0x0], $0xffff;
	_ =	sdelay $0x4  }
0x199: {  	[tilespmem:s26+$0x1D7C0] =	vst v0;
	v0 =	vld [tilespmem:s26+$0x197E0]  }
0x19a: {  	v1 =	vld.idx.msk [tilespmem:v1+s4+$0x0], $0xffff;
	_ =	sdelay $0x4  }
0x19b: {  	[tilespmem:s26+$0x1D7D0] =	vst v1;
	v1 =	vld [tilespmem:s26+$0x197F0];
	_ =	sdelay $0x1  }
0x19c: {  	v0 =	vld.idx.msk [tilespmem:v0+s4+$0x0], $0xffff;
	_ =	sdelay $0x4  }
0x19d: {  	[tilespmem:s26+$0x1D7E0] =	vst v0;
	v0 =	vld [tilespmem:s26+$0x19800]  }
0x19e: {  	v1 =	vld.idx.msk [tilespmem:v1+s4+$0x0], $0xffff;
	_ =	sdelay $0x4  }
0x19f: {  	[tilespmem:s26+$0x1D7F0] =	vst v1;
	v1 =	vld [tilespmem:s26+$0x19810];
	_ =	sdelay $0x1  }
0x1a0: {  	v0 =	vld.idx.msk [tilespmem:v0+s4+$0x0], $0xffff;
	_ =	sdelay $0x4  }
0x1a1: {  	[tilespmem:s26+$0x1D800] =	vst v0;
	v0 =	vld [tilespmem:s26+$0x19820]  }
0x1a2: {  	v1 =	vld.idx.msk [tilespmem:v1+s4+$0x0], $0xffff;
	_ =	sdelay $0x4  }
0x1a3: {  	[tilespmem:s26+$0x1D810] =	vst v1;
	v1 =	vld [tilespmem:s26+$0x19830];
	_ =	sdelay $0x1  }
0x1a4: {  	v0 =	vld.idx.msk [tilespmem:v0+s4+$0x0], $0xffff;
	_ =	sdelay $0x4  }
0x1a5: {  	[tilespmem:s26+$0x1D820] =	vst v0;
	v0 =	vld [tilespmem:s26+$0x19840]  }
0x1a6: {  	v1 =	vld.idx.msk [tilespmem:v1+s4+$0x0], $0xffff;
	_ =	sdelay $0x4  }
0x1a7: {  	[tilespmem:s26+$0x1D830] =	vst v1;
	v1 =	vld [tilespmem:s26+$0x19850];
	_ =	sdelay $0x1  }
0x1a8: {  	v0 =	vld.idx.msk [tilespmem:v0+s4+$0x0], $0xffff;
	_ =	sdelay $0x4  }
0x1a9: {  	[tilespmem:s26+$0x1D840] =	vst v0;
	v0 =	vld [tilespmem:s26+$0x19860]  }
0x1aa: {  	v1 =	vld.idx.msk [tilespmem:v1+s4+$0x0], $0xffff;
	_ =	sdelay $0x4  }
0x1ab: {  	[tilespmem:s26+$0x1D850] =	vst v1;
	v1 =	vld [tilespmem:s26+$0x19870];
	_ =	sdelay $0x1  }
0x1ac: {  	v0 =	vld.idx.msk [tilespmem:v0+s4+$0x0], $0xffff;
	_ =	sdelay $0x4  }
0x1ad: {  	[tilespmem:s26+$0x1D860] =	vst v0;
	v0 =	vld [tilespmem:s26+$0x19880]  }
0x1ae: {  	v1 =	vld.idx.msk [tilespmem:v1+s4+$0x0], $0xffff;
	_ =	sdelay $0x4  }
0x1af: {  	[tilespmem:s26+$0x1D870] =	vst v1;
	v1 =	vld [tilespmem:s26+$0x19890];
	_ =	sdelay $0x1  }
0x1b0: {  	v0 =	vld.idx.msk [tilespmem:v0+s4+$0x0], $0xffff;
	_ =	sdelay $0x4  }
0x1b1: {  	[tilespmem:s26+$0x1D880] =	vst v0;
	v0 =	vld [tilespmem:s26+$0x198A0]  }
0x1b2: {  	v1 =	vld.idx.msk [tilespmem:v1+s4+$0x0], $0xffff;
	_ =	sdelay $0x4  }
0x1b3: {  	[tilespmem:s26+$0x1D890] =	vst v1;
	v1 =	vld [tilespmem:s26+$0x198B0];
	_ =	sdelay $0x1  }
0x1b4: {  	v0 =	vld.idx.msk [tilespmem:v0+s4+$0x0], $0xffff;
	_ =	sdelay $0x4  }
0x1b5: {  	[tilespmem:s26+$0x1D8A0] =	vst v0;
	v0 =	vld [tilespmem:s26+$0x198C0]  }
0x1b6: {  	v1 =	vld.idx.msk [tilespmem:v1+s4+$0x0], $0xffff;
	_ =	sdelay $0x4  }
0x1b7: {  	[tilespmem:s26+$0x1D8B0] =	vst v1;
	v1 =	vld [tilespmem:s26+$0x198D0];
	_ =	sdelay $0x1  }
0x1b8: {  	v0 =	vld.idx.msk [tilespmem:v0+s4+$0x0], $0xffff;
	_ =	sdelay $0x4  }
0x1b9: {  	[tilespmem:s26+$0x1D8C0] =	vst v0;
	v0 =	vld [tilespmem:s26+$0x198E0]  }
0x1ba: {  	v1 =	vld.idx.msk [tilespmem:v1+s4+$0x0], $0xffff;
	_ =	sdelay $0x4  }
0x1bb: {  	[tilespmem:s26+$0x1D8D0] =	vst v1;
	v1 =	vld [tilespmem:s26+$0x198F0];
	_ =	sdelay $0x1  }
0x1bc: {  	v0 =	vld.idx.msk [tilespmem:v0+s4+$0x0], $0xffff;
	_ =	sdelay $0x4  }
0x1bd: {  	[tilespmem:s26+$0x1D8E0] =	vst v0  }
0x1be: {  	v0 =	vld.idx.msk [tilespmem:v1+s4+$0x0], $0xffff;
	_ =	sdelay $0x4  }
0x1bf: {  	s31 =	sadd.s32 s23, s8;
	[tilespmem:s26+$0x1D8F0] =	vst v0  }
0x1c0: {  	[hbm4b:s31+s12] =	stream.strided.scatter [tilespmem:s18], [sflag:$0x2], $0x1000, s13, s12, $0x38;
	[tilespmem:$0x1E700] =	vst v63  }
0x1c1: {  	_ =	swait.ge [sflag:s19], $0x1000  }
0x1c2: {  	[sflag:s19] =	ssyncset.done $0x0  }
0x1c3: {  	s24 =	simm.s32 $0x0;
	[sflag:s19] =	ssyncadd.s32 $0xFFFFF000  }
0x1c4: {  	v0 =	vld [tilespmem:s24+$0x1A700];
	_ =	sdelay $0x5  }
0x1c5: {  	v1 =	vld [tilespmem:s24+$0x1A710];
	_ =	sdelay $0x1  }
0x1c6: {  	v0 =	vld.idx.msk [tilespmem:v0+s4+$0x0], $0xffff;
	_ =	sdelay $0x4  }
0x1c7: {  	[tilespmem:s24+$0x1C700] =	vst v0;
	v0 =	vld [tilespmem:s24+$0x1A720]  }
0x1c8: {  	v1 =	vld.idx.msk [tilespmem:v1+s4+$0x0], $0xffff;
	_ =	sdelay $0x4  }
0x1c9: {  	[tilespmem:s24+$0x1C710] =	vst v1;
	v1 =	vld [tilespmem:s24+$0x1A730];
	_ =	sdelay $0x1  }
0x1ca: {  	v0 =	vld.idx.msk [tilespmem:v0+s4+$0x0], $0xffff;
	_ =	sdelay $0x4  }
0x1cb: {  	[tilespmem:s24+$0x1C720] =	vst v0;
	v0 =	vld [tilespmem:s24+$0x1A740]  }
0x1cc: {  	v1 =	vld.idx.msk [tilespmem:v1+s4+$0x0], $0xffff;
	_ =	sdelay $0x4  }
0x1cd: {  	[tilespmem:s24+$0x1C730] =	vst v1;
	v1 =	vld [tilespmem:s24+$0x1A750];
	_ =	sdelay $0x1  }
0x1ce: {  	v0 =	vld.idx.msk [tilespmem:v0+s4+$0x0], $0xffff;
	_ =	sdelay $0x4  }
0x1cf: {  	[tilespmem:s24+$0x1C740] =	vst v0;
	v0 =	vld [tilespmem:s24+$0x1A760]  }
0x1d0: {  	v1 =	vld.idx.msk [tilespmem:v1+s4+$0x0], $0xffff;
	_ =	sdelay $0x4  }
0x1d1: {  	[tilespmem:s24+$0x1C750] =	vst v1;
	v1 =	vld [tilespmem:s24+$0x1A770];
	_ =	sdelay $0x1  }
0x1d2: {  	v0 =	vld.idx.msk [tilespmem:v0+s4+$0x0], $0xffff;
	_ =	sdelay $0x4  }
0x1d3: {  	[tilespmem:s24+$0x1C760] =	vst v0;
	v0 =	vld [tilespmem:s24+$0x1A780]  }
0x1d4: {  	v1 =	vld.idx.msk [tilespmem:v1+s4+$0x0], $0xffff;
	_ =	sdelay $0x4  }
0x1d5: {  	[tilespmem:s24+$0x1C770] =	vst v1;
	v1 =	vld [tilespmem:s24+$0x1A790];
	_ =	sdelay $0x1  }
0x1d6: {  	v0 =	vld.idx.msk [tilespmem:v0+s4+$0x0], $0xffff;
	_ =	sdelay $0x4  }
0x1d7: {  	[tilespmem:s24+$0x1C780] =	vst v0;
	v0 =	vld [tilespmem:s24+$0x1A7A0]  }
0x1d8: {  	v1 =	vld.idx.msk [tilespmem:v1+s4+$0x0], $0xffff;
	_ =	sdelay $0x4  }
0x1d9: {  	[tilespmem:s24+$0x1C790] =	vst v1;
	v1 =	vld [tilespmem:s24+$0x1A7B0];
	_ =	sdelay $0x1  }
0x1da: {  	v0 =	vld.idx.msk [tilespmem:v0+s4+$0x0], $0xffff;
	_ =	sdelay $0x4  }
0x1db: {  	[tilespmem:s24+$0x1C7A0] =	vst v0;
	v0 =	vld [tilespmem:s24+$0x1A7C0]  }
0x1dc: {  	v1 =	vld.idx.msk [tilespmem:v1+s4+$0x0], $0xffff;
	_ =	sdelay $0x4  }
0x1dd: {  	[tilespmem:s24+$0x1C7B0] =	vst v1;
	v1 =	vld [tilespmem:s24+$0x1A7D0];
	_ =	sdelay $0x1  }
0x1de: {  	v0 =	vld.idx.msk [tilespmem:v0+s4+$0x0], $0xffff;
	_ =	sdelay $0x4  }
0x1df: {  	[tilespmem:s24+$0x1C7C0] =	vst v0;
	v0 =	vld [tilespmem:s24+$0x1A7E0]  }
0x1e0: {  	v1 =	vld.idx.msk [tilespmem:v1+s4+$0x0], $0xffff;
	_ =	sdelay $0x4  }
0x1e1: {  	[tilespmem:s24+$0x1C7D0] =	vst v1;
	v1 =	vld [tilespmem:s24+$0x1A7F0];
	_ =	sdelay $0x1  }
0x1e2: {  	v0 =	vld.idx.msk [tilespmem:v0+s4+$0x0], $0xffff;
	_ =	sdelay $0x4  }
0x1e3: {  	[tilespmem:s24+$0x1C7E0] =	vst v0;
	v0 =	vld [tilespmem:s24+$0x1A800]  }
0x1e4: {  	v1 =	vld.idx.msk [tilespmem:v1+s4+$0x0], $0xffff;
	_ =	sdelay $0x4  }
0x1e5: {  	[tilespmem:s24+$0x1C7F0] =	vst v1;
	v1 =	vld [tilespmem:s24+$0x1A810];
	_ =	sdelay $0x1  }
0x1e6: {  	v0 =	vld.idx.msk [tilespmem:v0+s4+$0x0], $0xffff;
	_ =	sdelay $0x4  }
0x1e7: {  	[tilespmem:s24+$0x1C800] =	vst v0;
	v0 =	vld [tilespmem:s24+$0x1A820]  }
0x1e8: {  	v1 =	vld.idx.msk [tilespmem:v1+s4+$0x0], $0xffff;
	_ =	sdelay $0x4  }
0x1e9: {  	[tilespmem:s24+$0x1C810] =	vst v1;
	v1 =	vld [tilespmem:s24+$0x1A830];
	_ =	sdelay $0x1  }
0x1ea: {  	v0 =	vld.idx.msk [tilespmem:v0+s4+$0x0], $0xffff;
	_ =	sdelay $0x4  }
0x1eb: {  	[tilespmem:s24+$0x1C820] =	vst v0;
	v0 =	vld [tilespmem:s24+$0x1A840]  }
0x1ec: {  	v1 =	vld.idx.msk [tilespmem:v1+s4+$0x0], $0xffff;
	_ =	sdelay $0x4  }
0x1ed: {  	[tilespmem:s24+$0x1C830] =	vst v1;
	v1 =	vld [tilespmem:s24+$0x1A850];
	_ =	sdelay $0x1  }
0x1ee: {  	v0 =	vld.idx.msk [tilespmem:v0+s4+$0x0], $0xffff;
	_ =	sdelay $0x4  }
0x1ef: {  	[tilespmem:s24+$0x1C840] =	vst v0;
	v0 =	vld [tilespmem:s24+$0x1A860]  }
0x1f0: {  	v1 =	vld.idx.msk [tilespmem:v1+s4+$0x0], $0xffff;
	_ =	sdelay $0x4  }
0x1f1: {  	[tilespmem:s24+$0x1C850] =	vst v1;
	v1 =	vld [tilespmem:s24+$0x1A870];
	_ =	sdelay $0x1  }
0x1f2: {  	v0 =	vld.idx.msk [tilespmem:v0+s4+$0x0], $0xffff;
	_ =	sdelay $0x4  }
0x1f3: {  	[tilespmem:s24+$0x1C860] =	vst v0;
	v0 =	vld [tilespmem:s24+$0x1A880]  }
0x1f4: {  	v1 =	vld.idx.msk [tilespmem:v1+s4+$0x0], $0xffff;
	_ =	sdelay $0x4  }
0x1f5: {  	[tilespmem:s24+$0x1C870] =	vst v1;
	v1 =	vld [tilespmem:s24+$0x1A890];
	_ =	sdelay $0x1  }
0x1f6: {  	v0 =	vld.idx.msk [tilespmem:v0+s4+$0x0], $0xffff;
	_ =	sdelay $0x4  }
0x1f7: {  	[tilespmem:s24+$0x1C880] =	vst v0;
	v0 =	vld [tilespmem:s24+$0x1A8A0]  }
0x1f8: {  	v1 =	vld.idx.msk [tilespmem:v1+s4+$0x0], $0xffff;
	_ =	sdelay $0x4  }
0x1f9: {  	[tilespmem:s24+$0x1C890] =	vst v1;
	v1 =	vld [tilespmem:s24+$0x1A8B0];
	_ =	sdelay $0x1  }
0x1fa: {  	v0 =	vld.idx.msk [tilespmem:v0+s4+$0x0], $0xffff;
	_ =	sdelay $0x4  }
0x1fb: {  	[tilespmem:s24+$0x1C8A0] =	vst v0;
	v0 =	vld [tilespmem:s24+$0x1A8C0]  }
0x1fc: {  	v1 =	vld.idx.msk [tilespmem:v1+s4+$0x0], $0xffff;
	_ =	sdelay $0x4  }
0x1fd: {  	[tilespmem:s24+$0x1C8B0] =	vst v1;
	v1 =	vld [tilespmem:s24+$0x1A8D0];
	_ =	sdelay $0x1  }
0x1fe: {  	v0 =	vld.idx.msk [tilespmem:v0+s4+$0x0], $0xffff;
	_ =	sdelay $0x4  }
0x1ff: {  	v2 =	vld [tilespmem:s24+$0x1A8E0];
	[tilespmem:s24+$0x1C8C0] =	vst v0  }
0x200: {  	v0 =	vld.idx.msk [tilespmem:v1+s4+$0x0], $0xffff;
	_ =	sdelay $0x4  }
0x201: {  	[tilespmem:s24+$0x1C8D0] =	vst v0;
	v0 =	vld [tilespmem:s24+$0x1A8F0];
	_ =	sdelay $0x1  }
0x202: {  	v1 =	vld.idx.msk [tilespmem:v2+s4+$0x0], $0xffff;
	_ =	sdelay $0x3  }
0x203: {  	s25 =	simm.s32 $0x1000;
	s26 =	simm.s32 $0x200  }
.LBB2_7:
0x204: {  	p0 =	sne.s32 s25, $0x3800;
	v2 =	vld [tilespmem:s26+$0x1A700];
	[tilespmem:s24+$0x1C8E0] =	vst v1  }
0x205: {  	v0 =	vld.idx.msk [tilespmem:v0+s4+$0x0], $0xffff;
	_ =	sdelay $0x5  }
0x206: {  	v1 =	vld [tilespmem:s26+$0x1A710];
	[tilespmem:s24+$0x1C8F0] =	vst v0;
	s24 =	smov.u32 s26  }
0x207: {  	v0 =	vld.idx.msk [tilespmem:v2+s4+$0x0], $0xffff;
	_ =	sdelay $0x5  }
0x208: {  	[tilespmem:s24+$0x1C700] =	vst v0;
	v0 =	vld [tilespmem:s24+$0x1A720]  }
0x209: {  	v1 =	vld.idx.msk [tilespmem:v1+s4+$0x0], $0xffff;
	_ =	sdelay $0x5  }
0x20a: {  	[tilespmem:s24+$0x1C710] =	vst v1;
	v1 =	vld [tilespmem:s24+$0x1A730]  }
0x20b: {  	v0 =	vld.idx.msk [tilespmem:v0+s4+$0x0], $0xffff;
	_ =	sdelay $0x5  }
0x20c: {  	[tilespmem:s24+$0x1C720] =	vst v0;
	v0 =	vld [tilespmem:s24+$0x1A740]  }
0x20d: {  	v1 =	vld.idx.msk [tilespmem:v1+s4+$0x0], $0xffff;
	_ =	sdelay $0x5  }
0x20e: {  	[tilespmem:s24+$0x1C730] =	vst v1;
	v1 =	vld [tilespmem:s24+$0x1A750]  }
0x20f: {  	v0 =	vld.idx.msk [tilespmem:v0+s4+$0x0], $0xffff;
	_ =	sdelay $0x5  }
0x210: {  	[tilespmem:s24+$0x1C740] =	vst v0;
	v0 =	vld [tilespmem:s24+$0x1A760]  }
0x211: {  	v1 =	vld.idx.msk [tilespmem:v1+s4+$0x0], $0xffff;
	_ =	sdelay $0x5  }
0x212: {  	[tilespmem:s24+$0x1C750] =	vst v1;
	v1 =	vld [tilespmem:s24+$0x1A770]  }
0x213: {  	v0 =	vld.idx.msk [tilespmem:v0+s4+$0x0], $0xffff;
	_ =	sdelay $0x5  }
0x214: {  	[tilespmem:s24+$0x1C760] =	vst v0;
	v0 =	vld [tilespmem:s24+$0x1A780]  }
0x215: {  	v1 =	vld.idx.msk [tilespmem:v1+s4+$0x0], $0xffff;
	_ =	sdelay $0x5  }
0x216: {  	[tilespmem:s24+$0x1C770] =	vst v1;
	v1 =	vld [tilespmem:s24+$0x1A790]  }
0x217: {  	v0 =	vld.idx.msk [tilespmem:v0+s4+$0x0], $0xffff;
	_ =	sdelay $0x5  }
0x218: {  	[tilespmem:s24+$0x1C780] =	vst v0;
	v0 =	vld [tilespmem:s24+$0x1A7A0]  }
0x219: {  	v1 =	vld.idx.msk [tilespmem:v1+s4+$0x0], $0xffff;
	_ =	sdelay $0x5  }
0x21a: {  	[tilespmem:s24+$0x1C790] =	vst v1;
	v1 =	vld [tilespmem:s24+$0x1A7B0]  }
0x21b: {  	v0 =	vld.idx.msk [tilespmem:v0+s4+$0x0], $0xffff;
	_ =	sdelay $0x5  }
0x21c: {  	[tilespmem:s24+$0x1C7A0] =	vst v0;
	v0 =	vld [tilespmem:s24+$0x1A7C0]  }
0x21d: {  	v1 =	vld.idx.msk [tilespmem:v1+s4+$0x0], $0xffff;
	_ =	sdelay $0x5  }
0x21e: {  	[tilespmem:s24+$0x1C7B0] =	vst v1;
	v1 =	vld [tilespmem:s24+$0x1A7D0]  }
0x21f: {  	v0 =	vld.idx.msk [tilespmem:v0+s4+$0x0], $0xffff;
	_ =	sdelay $0x5  }
0x220: {  	[tilespmem:s24+$0x1C7C0] =	vst v0;
	v0 =	vld [tilespmem:s24+$0x1A7E0]  }
0x221: {  	v1 =	vld.idx.msk [tilespmem:v1+s4+$0x0], $0xffff;
	_ =	sdelay $0x5  }
0x222: {  	[tilespmem:s24+$0x1C7D0] =	vst v1;
	v1 =	vld [tilespmem:s24+$0x1A7F0]  }
0x223: {  	v0 =	vld.idx.msk [tilespmem:v0+s4+$0x0], $0xffff;
	_ =	sdelay $0x5  }
0x224: {  	[tilespmem:s24+$0x1C7E0] =	vst v0;
	v0 =	vld [tilespmem:s24+$0x1A800]  }
0x225: {  	v1 =	vld.idx.msk [tilespmem:v1+s4+$0x0], $0xffff;
	_ =	sdelay $0x5  }
0x226: {  	[tilespmem:s24+$0x1C7F0] =	vst v1;
	v1 =	vld [tilespmem:s24+$0x1A810]  }
0x227: {  	v0 =	vld.idx.msk [tilespmem:v0+s4+$0x0], $0xffff;
	_ =	sdelay $0x5  }
0x228: {  	[tilespmem:s24+$0x1C800] =	vst v0;
	v0 =	vld [tilespmem:s24+$0x1A820]  }
0x229: {  	v1 =	vld.idx.msk [tilespmem:v1+s4+$0x0], $0xffff;
	_ =	sdelay $0x5  }
0x22a: {  	[tilespmem:s24+$0x1C810] =	vst v1;
	v1 =	vld [tilespmem:s24+$0x1A830]  }
0x22b: {  	v0 =	vld.idx.msk [tilespmem:v0+s4+$0x0], $0xffff;
	_ =	sdelay $0x5  }
0x22c: {  	[tilespmem:s24+$0x1C820] =	vst v0;
	v0 =	vld [tilespmem:s24+$0x1A840]  }
0x22d: {  	v1 =	vld.idx.msk [tilespmem:v1+s4+$0x0], $0xffff;
	_ =	sdelay $0x5  }
0x22e: {  	[tilespmem:s24+$0x1C830] =	vst v1;
	v1 =	vld [tilespmem:s24+$0x1A850]  }
0x22f: {  	v0 =	vld.idx.msk [tilespmem:v0+s4+$0x0], $0xffff;
	_ =	sdelay $0x5  }
0x230: {  	[tilespmem:s24+$0x1C840] =	vst v0;
	v0 =	vld [tilespmem:s24+$0x1A860]  }
0x231: {  	v1 =	vld.idx.msk [tilespmem:v1+s4+$0x0], $0xffff;
	_ =	sdelay $0x5  }
0x232: {  	[tilespmem:s24+$0x1C850] =	vst v1;
	v1 =	vld [tilespmem:s24+$0x1A870]  }
0x233: {  	v0 =	vld.idx.msk [tilespmem:v0+s4+$0x0], $0xffff;
	_ =	sdelay $0x5  }
0x234: {  	[tilespmem:s24+$0x1C860] =	vst v0;
	v0 =	vld [tilespmem:s24+$0x1A880]  }
0x235: {  	v1 =	vld.idx.msk [tilespmem:v1+s4+$0x0], $0xffff;
	_ =	sdelay $0x5  }
0x236: {  	[tilespmem:s24+$0x1C870] =	vst v1;
	v1 =	vld [tilespmem:s24+$0x1A890]  }
0x237: {  	v0 =	vld.idx.msk [tilespmem:v0+s4+$0x0], $0xffff;
	_ =	sdelay $0x5  }
0x238: {  	[tilespmem:s24+$0x1C880] =	vst v0;
	v0 =	vld [tilespmem:s24+$0x1A8A0]  }
0x239: {  	v1 =	vld.idx.msk [tilespmem:v1+s4+$0x0], $0xffff;
	_ =	sdelay $0x5  }
0x23a: {  	[tilespmem:s24+$0x1C890] =	vst v1;
	v1 =	vld [tilespmem:s24+$0x1A8B0]  }
0x23b: {  	v0 =	vld.idx.msk [tilespmem:v0+s4+$0x0], $0xffff;
	_ =	sdelay $0x5  }
0x23c: {  	[tilespmem:s24+$0x1C8A0] =	vst v0;
	v0 =	vld [tilespmem:s24+$0x1A8C0]  }
0x23d: {  	v1 =	vld.idx.msk [tilespmem:v1+s4+$0x0], $0xffff;
	_ =	sdelay $0x5  }
0x23e: {  	[tilespmem:s24+$0x1C8B0] =	vst v1;
	v1 =	vld [tilespmem:s24+$0x1A8D0]  }
0x23f: {  	v0 =	vld.idx.msk [tilespmem:v0+s4+$0x0], $0xffff;
	_ =	sdelay $0x5  }
0x240: {  	[tilespmem:s24+$0x1C8C0] =	vst v0;
	v2 =	vld [tilespmem:s24+$0x1A8E0]  }
0x241: {  	v0 =	vld.idx.msk [tilespmem:v1+s4+$0x0], $0xffff;
	_ =	sdelay $0x5  }
0x242: {  	[tilespmem:s24+$0x1C8D0] =	vst v0;
	v0 =	vld [tilespmem:s24+$0x1A8F0]  }
0x243: {  	v1 =	vld.idx.msk [tilespmem:v2+s4+$0x0], $0xffff  }
.Ltmp2:
0x244: {  	(pc) =	sbr.rel @p0 .LBB2_7-.Ltmp2, $2  }
0x245: {  	_ =	sdelay $0x2  }
0x246: {  	s26 =	sshra.s32 s25, $0x2;
	s25 =	sadd.s32 $0x800, s25  }
0x247: {  	_ =	sdelay $0x1  }
0x248: {  	v2 =	vld [tilespmem:s26+$0x1A700]  }
0x249: {  	[tilespmem:s24+$0x1C8E0] =	vst v1  }
0x24a: {  	v0 =	vld.idx.msk [tilespmem:v0+s4+$0x0], $0xffff;
	_ =	sdelay $0x3  }
0x24b: {  	v1 =	vld [tilespmem:s26+$0x1A710]  }
0x24c: {  	[tilespmem:s24+$0x1C8F0] =	vst v0  }
0x24d: {  	v0 =	vld.idx.msk [tilespmem:v2+s4+$0x0], $0xffff;
	_ =	sdelay $0x4  }
0x24e: {  	[tilespmem:s26+$0x1C700] =	vst v0;
	v0 =	vld [tilespmem:s26+$0x1A720]  }
0x24f: {  	v1 =	vld.idx.msk [tilespmem:v1+s4+$0x0], $0xffff;
	_ =	sdelay $0x4  }
0x250: {  	[tilespmem:s26+$0x1C710] =	vst v1;
	v1 =	vld [tilespmem:s26+$0x1A730];
	_ =	sdelay $0x1  }
0x251: {  	v0 =	vld.idx.msk [tilespmem:v0+s4+$0x0], $0xffff;
	_ =	sdelay $0x4  }
0x252: {  	[tilespmem:s26+$0x1C720] =	vst v0;
	v0 =	vld [tilespmem:s26+$0x1A740]  }
0x253: {  	v1 =	vld.idx.msk [tilespmem:v1+s4+$0x0], $0xffff;
	_ =	sdelay $0x4  }
0x254: {  	[tilespmem:s26+$0x1C730] =	vst v1;
	v1 =	vld [tilespmem:s26+$0x1A750];
	_ =	sdelay $0x1  }
0x255: {  	v0 =	vld.idx.msk [tilespmem:v0+s4+$0x0], $0xffff;
	_ =	sdelay $0x4  }
0x256: {  	[tilespmem:s26+$0x1C740] =	vst v0;
	v0 =	vld [tilespmem:s26+$0x1A760]  }
0x257: {  	v1 =	vld.idx.msk [tilespmem:v1+s4+$0x0], $0xffff;
	_ =	sdelay $0x4  }
0x258: {  	[tilespmem:s26+$0x1C750] =	vst v1;
	v1 =	vld [tilespmem:s26+$0x1A770];
	_ =	sdelay $0x1  }
0x259: {  	v0 =	vld.idx.msk [tilespmem:v0+s4+$0x0], $0xffff;
	_ =	sdelay $0x4  }
0x25a: {  	[tilespmem:s26+$0x1C760] =	vst v0;
	v0 =	vld [tilespmem:s26+$0x1A780]  }
0x25b: {  	v1 =	vld.idx.msk [tilespmem:v1+s4+$0x0], $0xffff;
	_ =	sdelay $0x4  }
0x25c: {  	[tilespmem:s26+$0x1C770] =	vst v1;
	v1 =	vld [tilespmem:s26+$0x1A790];
	_ =	sdelay $0x1  }
0x25d: {  	v0 =	vld.idx.msk [tilespmem:v0+s4+$0x0], $0xffff;
	_ =	sdelay $0x4  }
0x25e: {  	[tilespmem:s26+$0x1C780] =	vst v0;
	v0 =	vld [tilespmem:s26+$0x1A7A0]  }
0x25f: {  	v1 =	vld.idx.msk [tilespmem:v1+s4+$0x0], $0xffff;
	_ =	sdelay $0x4  }
0x260: {  	[tilespmem:s26+$0x1C790] =	vst v1;
	v1 =	vld [tilespmem:s26+$0x1A7B0];
	_ =	sdelay $0x1  }
0x261: {  	v0 =	vld.idx.msk [tilespmem:v0+s4+$0x0], $0xffff;
	_ =	sdelay $0x4  }
0x262: {  	[tilespmem:s26+$0x1C7A0] =	vst v0;
	v0 =	vld [tilespmem:s26+$0x1A7C0]  }
0x263: {  	v1 =	vld.idx.msk [tilespmem:v1+s4+$0x0], $0xffff;
	_ =	sdelay $0x4  }
0x264: {  	[tilespmem:s26+$0x1C7B0] =	vst v1;
	v1 =	vld [tilespmem:s26+$0x1A7D0];
	_ =	sdelay $0x1  }
0x265: {  	v0 =	vld.idx.msk [tilespmem:v0+s4+$0x0], $0xffff;
	_ =	sdelay $0x4  }
0x266: {  	[tilespmem:s26+$0x1C7C0] =	vst v0;
	v0 =	vld [tilespmem:s26+$0x1A7E0]  }
0x267: {  	v1 =	vld.idx.msk [tilespmem:v1+s4+$0x0], $0xffff;
	_ =	sdelay $0x4  }
0x268: {  	[tilespmem:s26+$0x1C7D0] =	vst v1;
	v1 =	vld [tilespmem:s26+$0x1A7F0];
	_ =	sdelay $0x1  }
0x269: {  	v0 =	vld.idx.msk [tilespmem:v0+s4+$0x0], $0xffff;
	_ =	sdelay $0x4  }
0x26a: {  	[tilespmem:s26+$0x1C7E0] =	vst v0;
	v0 =	vld [tilespmem:s26+$0x1A800]  }
0x26b: {  	v1 =	vld.idx.msk [tilespmem:v1+s4+$0x0], $0xffff;
	_ =	sdelay $0x4  }
0x26c: {  	[tilespmem:s26+$0x1C7F0] =	vst v1;
	v1 =	vld [tilespmem:s26+$0x1A810];
	_ =	sdelay $0x1  }
0x26d: {  	v0 =	vld.idx.msk [tilespmem:v0+s4+$0x0], $0xffff;
	_ =	sdelay $0x4  }
0x26e: {  	[tilespmem:s26+$0x1C800] =	vst v0;
	v0 =	vld [tilespmem:s26+$0x1A820]  }
0x26f: {  	v1 =	vld.idx.msk [tilespmem:v1+s4+$0x0], $0xffff;
	_ =	sdelay $0x4  }
0x270: {  	[tilespmem:s26+$0x1C810] =	vst v1;
	v1 =	vld [tilespmem:s26+$0x1A830];
	_ =	sdelay $0x1  }
0x271: {  	v0 =	vld.idx.msk [tilespmem:v0+s4+$0x0], $0xffff;
	_ =	sdelay $0x4  }
0x272: {  	[tilespmem:s26+$0x1C820] =	vst v0;
	v0 =	vld [tilespmem:s26+$0x1A840]  }
0x273: {  	v1 =	vld.idx.msk [tilespmem:v1+s4+$0x0], $0xffff;
	_ =	sdelay $0x4  }
0x274: {  	[tilespmem:s26+$0x1C830] =	vst v1;
	v1 =	vld [tilespmem:s26+$0x1A850];
	_ =	sdelay $0x1  }
0x275: {  	v0 =	vld.idx.msk [tilespmem:v0+s4+$0x0], $0xffff;
	_ =	sdelay $0x4  }
0x276: {  	[tilespmem:s26+$0x1C840] =	vst v0;
	v0 =	vld [tilespmem:s26+$0x1A860]  }
0x277: {  	v1 =	vld.idx.msk [tilespmem:v1+s4+$0x0], $0xffff;
	_ =	sdelay $0x4  }
0x278: {  	[tilespmem:s26+$0x1C850] =	vst v1;
	v1 =	vld [tilespmem:s26+$0x1A870];
	_ =	sdelay $0x1  }
0x279: {  	v0 =	vld.idx.msk [tilespmem:v0+s4+$0x0], $0xffff;
	_ =	sdelay $0x4  }
0x27a: {  	[tilespmem:s26+$0x1C860] =	vst v0;
	v0 =	vld [tilespmem:s26+$0x1A880]  }
0x27b: {  	v1 =	vld.idx.msk [tilespmem:v1+s4+$0x0], $0xffff;
	_ =	sdelay $0x4  }
0x27c: {  	[tilespmem:s26+$0x1C870] =	vst v1;
	v1 =	vld [tilespmem:s26+$0x1A890];
	_ =	sdelay $0x1  }
0x27d: {  	v0 =	vld.idx.msk [tilespmem:v0+s4+$0x0], $0xffff;
	_ =	sdelay $0x4  }
0x27e: {  	[tilespmem:s26+$0x1C880] =	vst v0;
	v0 =	vld [tilespmem:s26+$0x1A8A0]  }
0x27f: {  	v1 =	vld.idx.msk [tilespmem:v1+s4+$0x0], $0xffff;
	_ =	sdelay $0x4  }
0x280: {  	[tilespmem:s26+$0x1C890] =	vst v1;
	v1 =	vld [tilespmem:s26+$0x1A8B0];
	_ =	sdelay $0x1  }
0x281: {  	v0 =	vld.idx.msk [tilespmem:v0+s4+$0x0], $0xffff;
	_ =	sdelay $0x4  }
0x282: {  	[tilespmem:s26+$0x1C8A0] =	vst v0;
	v0 =	vld [tilespmem:s26+$0x1A8C0]  }
0x283: {  	v1 =	vld.idx.msk [tilespmem:v1+s4+$0x0], $0xffff;
	_ =	sdelay $0x4  }
0x284: {  	[tilespmem:s26+$0x1C8B0] =	vst v1;
	v1 =	vld [tilespmem:s26+$0x1A8D0];
	_ =	sdelay $0x1  }
0x285: {  	v0 =	vld.idx.msk [tilespmem:v0+s4+$0x0], $0xffff;
	_ =	sdelay $0x4  }
0x286: {  	[tilespmem:s26+$0x1C8C0] =	vst v0;
	v0 =	vld [tilespmem:s26+$0x1A8E0]  }
0x287: {  	v1 =	vld.idx.msk [tilespmem:v1+s4+$0x0], $0xffff;
	_ =	sdelay $0x4  }
0x288: {  	[tilespmem:s26+$0x1C8D0] =	vst v1;
	v1 =	vld [tilespmem:s26+$0x1A8F0];
	_ =	sdelay $0x1  }
0x289: {  	v0 =	vld.idx.msk [tilespmem:v0+s4+$0x0], $0xffff;
	_ =	sdelay $0x4  }
0x28a: {  	[tilespmem:s26+$0x1C8E0] =	vst v0  }
0x28b: {  	v0 =	vld.idx.msk [tilespmem:v1+s4+$0x0], $0xffff;
	_ =	sdelay $0x4  }
0x28c: {  	s31 =	sadd.s32 s23, s9;
	[tilespmem:s26+$0x1C8F0] =	vst v0  }
0x28d: {  	[hbm4b:s31+s12] =	stream.strided.scatter [tilespmem:s17], [sflag:$0x1], $0x1000, s13, s12, $0x38;
	[tilespmem:$0x1E700] =	vst v63  }
0x28e: {  	_ =	swait.ge [sflag:s20], $0x1000  }
0x28f: {  	[sflag:s20] =	ssyncset.done $0x0  }
0x290: {  	s24 =	simm.s32 $0x0;
	[sflag:s20] =	ssyncadd.s32 $0xFFFFF000  }
0x291: {  	v0 =	vld [tilespmem:s24+$0x1B700];
	_ =	sdelay $0x5  }
0x292: {  	v1 =	vld [tilespmem:s24+$0x1B710];
	_ =	sdelay $0x1  }
0x293: {  	v0 =	vld.idx.msk [tilespmem:v0+s4+$0x0], $0xffff;
	_ =	sdelay $0x4  }
0x294: {  	[tilespmem:s24+$0x1D700] =	vst v0;
	v0 =	vld [tilespmem:s24+$0x1B720]  }
0x295: {  	v1 =	vld.idx.msk [tilespmem:v1+s4+$0x0], $0xffff;
	_ =	sdelay $0x4  }
0x296: {  	[tilespmem:s24+$0x1D710] =	vst v1;
	v1 =	vld [tilespmem:s24+$0x1B730];
	_ =	sdelay $0x1  }
0x297: {  	v0 =	vld.idx.msk [tilespmem:v0+s4+$0x0], $0xffff;
	_ =	sdelay $0x4  }
0x298: {  	[tilespmem:s24+$0x1D720] =	vst v0;
	v0 =	vld [tilespmem:s24+$0x1B740]  }
0x299: {  	v1 =	vld.idx.msk [tilespmem:v1+s4+$0x0], $0xffff;
	_ =	sdelay $0x4  }
0x29a: {  	[tilespmem:s24+$0x1D730] =	vst v1;
	v1 =	vld [tilespmem:s24+$0x1B750];
	_ =	sdelay $0x1  }
0x29b: {  	v0 =	vld.idx.msk [tilespmem:v0+s4+$0x0], $0xffff;
	_ =	sdelay $0x4  }
0x29c: {  	[tilespmem:s24+$0x1D740] =	vst v0;
	v0 =	vld [tilespmem:s24+$0x1B760]  }
0x29d: {  	v1 =	vld.idx.msk [tilespmem:v1+s4+$0x0], $0xffff;
	_ =	sdelay $0x4  }
0x29e: {  	[tilespmem:s24+$0x1D750] =	vst v1;
	v1 =	vld [tilespmem:s24+$0x1B770];
	_ =	sdelay $0x1  }
0x29f: {  	v0 =	vld.idx.msk [tilespmem:v0+s4+$0x0], $0xffff;
	_ =	sdelay $0x4  }
0x2a0: {  	[tilespmem:s24+$0x1D760] =	vst v0;
	v0 =	vld [tilespmem:s24+$0x1B780]  }
0x2a1: {  	v1 =	vld.idx.msk [tilespmem:v1+s4+$0x0], $0xffff;
	_ =	sdelay $0x4  }
0x2a2: {  	[tilespmem:s24+$0x1D770] =	vst v1;
	v1 =	vld [tilespmem:s24+$0x1B790];
	_ =	sdelay $0x1  }
0x2a3: {  	v0 =	vld.idx.msk [tilespmem:v0+s4+$0x0], $0xffff;
	_ =	sdelay $0x4  }
0x2a4: {  	[tilespmem:s24+$0x1D780] =	vst v0;
	v0 =	vld [tilespmem:s24+$0x1B7A0]  }
0x2a5: {  	v1 =	vld.idx.msk [tilespmem:v1+s4+$0x0], $0xffff;
	_ =	sdelay $0x4  }
0x2a6: {  	[tilespmem:s24+$0x1D790] =	vst v1;
	v1 =	vld [tilespmem:s24+$0x1B7B0];
	_ =	sdelay $0x1  }
0x2a7: {  	v0 =	vld.idx.msk [tilespmem:v0+s4+$0x0], $0xffff;
	_ =	sdelay $0x4  }
0x2a8: {  	[tilespmem:s24+$0x1D7A0] =	vst v0;
	v0 =	vld [tilespmem:s24+$0x1B7C0]  }
0x2a9: {  	v1 =	vld.idx.msk [tilespmem:v1+s4+$0x0], $0xffff;
	_ =	sdelay $0x4  }
0x2aa: {  	[tilespmem:s24+$0x1D7B0] =	vst v1;
	v1 =	vld [tilespmem:s24+$0x1B7D0];
	_ =	sdelay $0x1  }
0x2ab: {  	v0 =	vld.idx.msk [tilespmem:v0+s4+$0x0], $0xffff;
	_ =	sdelay $0x4  }
0x2ac: {  	[tilespmem:s24+$0x1D7C0] =	vst v0;
	v0 =	vld [tilespmem:s24+$0x1B7E0]  }
0x2ad: {  	v1 =	vld.idx.msk [tilespmem:v1+s4+$0x0], $0xffff;
	_ =	sdelay $0x4  }
0x2ae: {  	[tilespmem:s24+$0x1D7D0] =	vst v1;
	v1 =	vld [tilespmem:s24+$0x1B7F0];
	_ =	sdelay $0x1  }
0x2af: {  	v0 =	vld.idx.msk [tilespmem:v0+s4+$0x0], $0xffff;
	_ =	sdelay $0x4  }
0x2b0: {  	[tilespmem:s24+$0x1D7E0] =	vst v0;
	v0 =	vld [tilespmem:s24+$0x1B800]  }
0x2b1: {  	v1 =	vld.idx.msk [tilespmem:v1+s4+$0x0], $0xffff;
	_ =	sdelay $0x4  }
0x2b2: {  	[tilespmem:s24+$0x1D7F0] =	vst v1;
	v1 =	vld [tilespmem:s24+$0x1B810];
	_ =	sdelay $0x1  }
0x2b3: {  	v0 =	vld.idx.msk [tilespmem:v0+s4+$0x0], $0xffff;
	_ =	sdelay $0x4  }
0x2b4: {  	[tilespmem:s24+$0x1D800] =	vst v0;
	v0 =	vld [tilespmem:s24+$0x1B820]  }
0x2b5: {  	v1 =	vld.idx.msk [tilespmem:v1+s4+$0x0], $0xffff;
	_ =	sdelay $0x4  }
0x2b6: {  	[tilespmem:s24+$0x1D810] =	vst v1;
	v1 =	vld [tilespmem:s24+$0x1B830];
	_ =	sdelay $0x1  }
0x2b7: {  	v0 =	vld.idx.msk [tilespmem:v0+s4+$0x0], $0xffff;
	_ =	sdelay $0x4  }
0x2b8: {  	[tilespmem:s24+$0x1D820] =	vst v0;
	v0 =	vld [tilespmem:s24+$0x1B840]  }
0x2b9: {  	v1 =	vld.idx.msk [tilespmem:v1+s4+$0x0], $0xffff;
	_ =	sdelay $0x4  }
0x2ba: {  	[tilespmem:s24+$0x1D830] =	vst v1;
	v1 =	vld [tilespmem:s24+$0x1B850];
	_ =	sdelay $0x1  }
0x2bb: {  	v0 =	vld.idx.msk [tilespmem:v0+s4+$0x0], $0xffff;
	_ =	sdelay $0x4  }
0x2bc: {  	[tilespmem:s24+$0x1D840] =	vst v0;
	v0 =	vld [tilespmem:s24+$0x1B860]  }
0x2bd: {  	v1 =	vld.idx.msk [tilespmem:v1+s4+$0x0], $0xffff;
	_ =	sdelay $0x4  }
0x2be: {  	[tilespmem:s24+$0x1D850] =	vst v1;
	v1 =	vld [tilespmem:s24+$0x1B870];
	_ =	sdelay $0x1  }
0x2bf: {  	v0 =	vld.idx.msk [tilespmem:v0+s4+$0x0], $0xffff;
	_ =	sdelay $0x4  }
0x2c0: {  	[tilespmem:s24+$0x1D860] =	vst v0;
	v0 =	vld [tilespmem:s24+$0x1B880]  }
0x2c1: {  	v1 =	vld.idx.msk [tilespmem:v1+s4+$0x0], $0xffff;
	_ =	sdelay $0x4  }
0x2c2: {  	[tilespmem:s24+$0x1D870] =	vst v1;
	v1 =	vld [tilespmem:s24+$0x1B890];
	_ =	sdelay $0x1  }
0x2c3: {  	v0 =	vld.idx.msk [tilespmem:v0+s4+$0x0], $0xffff;
	_ =	sdelay $0x4  }
0x2c4: {  	[tilespmem:s24+$0x1D880] =	vst v0;
	v0 =	vld [tilespmem:s24+$0x1B8A0]  }
0x2c5: {  	v1 =	vld.idx.msk [tilespmem:v1+s4+$0x0], $0xffff;
	_ =	sdelay $0x4  }
0x2c6: {  	[tilespmem:s24+$0x1D890] =	vst v1;
	v1 =	vld [tilespmem:s24+$0x1B8B0];
	_ =	sdelay $0x1  }
0x2c7: {  	v0 =	vld.idx.msk [tilespmem:v0+s4+$0x0], $0xffff;
	_ =	sdelay $0x4  }
0x2c8: {  	[tilespmem:s24+$0x1D8A0] =	vst v0;
	v0 =	vld [tilespmem:s24+$0x1B8C0]  }
0x2c9: {  	v1 =	vld.idx.msk [tilespmem:v1+s4+$0x0], $0xffff;
	_ =	sdelay $0x4  }
0x2ca: {  	[tilespmem:s24+$0x1D8B0] =	vst v1;
	v1 =	vld [tilespmem:s24+$0x1B8D0];
	_ =	sdelay $0x1  }
0x2cb: {  	v0 =	vld.idx.msk [tilespmem:v0+s4+$0x0], $0xffff;
	_ =	sdelay $0x4  }
0x2cc: {  	v2 =	vld [tilespmem:s24+$0x1B8E0];
	[tilespmem:s24+$0x1D8C0] =	vst v0  }
0x2cd: {  	v0 =	vld.idx.msk [tilespmem:v1+s4+$0x0], $0xffff;
	_ =	sdelay $0x4  }
0x2ce: {  	[tilespmem:s24+$0x1D8D0] =	vst v0;
	v0 =	vld [tilespmem:s24+$0x1B8F0];
	_ =	sdelay $0x1  }
0x2cf: {  	v1 =	vld.idx.msk [tilespmem:v2+s4+$0x0], $0xffff;
	_ =	sdelay $0x3  }
0x2d0: {  	s25 =	simm.s32 $0x1000;
	s26 =	simm.s32 $0x200  }
.LBB2_9:
0x2d1: {  	p0 =	sne.s32 s25, $0x3800;
	v2 =	vld [tilespmem:s26+$0x1B700];
	[tilespmem:s24+$0x1D8E0] =	vst v1  }
0x2d2: {  	v0 =	vld.idx.msk [tilespmem:v0+s4+$0x0], $0xffff;
	_ =	sdelay $0x5  }
0x2d3: {  	v1 =	vld [tilespmem:s26+$0x1B710];
	[tilespmem:s24+$0x1D8F0] =	vst v0;
	s24 =	smov.u32 s26  }
0x2d4: {  	v0 =	vld.idx.msk [tilespmem:v2+s4+$0x0], $0xffff;
	_ =	sdelay $0x5  }
0x2d5: {  	[tilespmem:s24+$0x1D700] =	vst v0;
	v0 =	vld [tilespmem:s24+$0x1B720]  }
0x2d6: {  	v1 =	vld.idx.msk [tilespmem:v1+s4+$0x0], $0xffff;
	_ =	sdelay $0x5  }
0x2d7: {  	[tilespmem:s24+$0x1D710] =	vst v1;
	v1 =	vld [tilespmem:s24+$0x1B730]  }
0x2d8: {  	v0 =	vld.idx.msk [tilespmem:v0+s4+$0x0], $0xffff;
	_ =	sdelay $0x5  }
0x2d9: {  	[tilespmem:s24+$0x1D720] =	vst v0;
	v0 =	vld [tilespmem:s24+$0x1B740]  }
0x2da: {  	v1 =	vld.idx.msk [tilespmem:v1+s4+$0x0], $0xffff;
	_ =	sdelay $0x5  }
0x2db: {  	[tilespmem:s24+$0x1D730] =	vst v1;
	v1 =	vld [tilespmem:s24+$0x1B750]  }
0x2dc: {  	v0 =	vld.idx.msk [tilespmem:v0+s4+$0x0], $0xffff;
	_ =	sdelay $0x5  }
0x2dd: {  	[tilespmem:s24+$0x1D740] =	vst v0;
	v0 =	vld [tilespmem:s24+$0x1B760]  }
0x2de: {  	v1 =	vld.idx.msk [tilespmem:v1+s4+$0x0], $0xffff;
	_ =	sdelay $0x5  }
0x2df: {  	[tilespmem:s24+$0x1D750] =	vst v1;
	v1 =	vld [tilespmem:s24+$0x1B770]  }
0x2e0: {  	v0 =	vld.idx.msk [tilespmem:v0+s4+$0x0], $0xffff;
	_ =	sdelay $0x5  }
0x2e1: {  	[tilespmem:s24+$0x1D760] =	vst v0;
	v0 =	vld [tilespmem:s24+$0x1B780]  }
0x2e2: {  	v1 =	vld.idx.msk [tilespmem:v1+s4+$0x0], $0xffff;
	_ =	sdelay $0x5  }
0x2e3: {  	[tilespmem:s24+$0x1D770] =	vst v1;
	v1 =	vld [tilespmem:s24+$0x1B790]  }
0x2e4: {  	v0 =	vld.idx.msk [tilespmem:v0+s4+$0x0], $0xffff;
	_ =	sdelay $0x5  }
0x2e5: {  	[tilespmem:s24+$0x1D780] =	vst v0;
	v0 =	vld [tilespmem:s24+$0x1B7A0]  }
0x2e6: {  	v1 =	vld.idx.msk [tilespmem:v1+s4+$0x0], $0xffff;
	_ =	sdelay $0x5  }
0x2e7: {  	[tilespmem:s24+$0x1D790] =	vst v1;
	v1 =	vld [tilespmem:s24+$0x1B7B0]  }
0x2e8: {  	v0 =	vld.idx.msk [tilespmem:v0+s4+$0x0], $0xffff;
	_ =	sdelay $0x5  }
0x2e9: {  	[tilespmem:s24+$0x1D7A0] =	vst v0;
	v0 =	vld [tilespmem:s24+$0x1B7C0]  }
0x2ea: {  	v1 =	vld.idx.msk [tilespmem:v1+s4+$0x0], $0xffff;
	_ =	sdelay $0x5  }
0x2eb: {  	[tilespmem:s24+$0x1D7B0] =	vst v1;
	v1 =	vld [tilespmem:s24+$0x1B7D0]  }
0x2ec: {  	v0 =	vld.idx.msk [tilespmem:v0+s4+$0x0], $0xffff;
	_ =	sdelay $0x5  }
0x2ed: {  	[tilespmem:s24+$0x1D7C0] =	vst v0;
	v0 =	vld [tilespmem:s24+$0x1B7E0]  }
0x2ee: {  	v1 =	vld.idx.msk [tilespmem:v1+s4+$0x0], $0xffff;
	_ =	sdelay $0x5  }
0x2ef: {  	[tilespmem:s24+$0x1D7D0] =	vst v1;
	v1 =	vld [tilespmem:s24+$0x1B7F0]  }
0x2f0: {  	v0 =	vld.idx.msk [tilespmem:v0+s4+$0x0], $0xffff;
	_ =	sdelay $0x5  }
0x2f1: {  	[tilespmem:s24+$0x1D7E0] =	vst v0;
	v0 =	vld [tilespmem:s24+$0x1B800]  }
0x2f2: {  	v1 =	vld.idx.msk [tilespmem:v1+s4+$0x0], $0xffff;
	_ =	sdelay $0x5  }
0x2f3: {  	[tilespmem:s24+$0x1D7F0] =	vst v1;
	v1 =	vld [tilespmem:s24+$0x1B810]  }
0x2f4: {  	v0 =	vld.idx.msk [tilespmem:v0+s4+$0x0], $0xffff;
	_ =	sdelay $0x5  }
0x2f5: {  	[tilespmem:s24+$0x1D800] =	vst v0;
	v0 =	vld [tilespmem:s24+$0x1B820]  }
0x2f6: {  	v1 =	vld.idx.msk [tilespmem:v1+s4+$0x0], $0xffff;
	_ =	sdelay $0x5  }
0x2f7: {  	[tilespmem:s24+$0x1D810] =	vst v1;
	v1 =	vld [tilespmem:s24+$0x1B830]  }
0x2f8: {  	v0 =	vld.idx.msk [tilespmem:v0+s4+$0x0], $0xffff;
	_ =	sdelay $0x5  }
0x2f9: {  	[tilespmem:s24+$0x1D820] =	vst v0;
	v0 =	vld [tilespmem:s24+$0x1B840]  }
0x2fa: {  	v1 =	vld.idx.msk [tilespmem:v1+s4+$0x0], $0xffff;
	_ =	sdelay $0x5  }
0x2fb: {  	[tilespmem:s24+$0x1D830] =	vst v1;
	v1 =	vld [tilespmem:s24+$0x1B850]  }
0x2fc: {  	v0 =	vld.idx.msk [tilespmem:v0+s4+$0x0], $0xffff;
	_ =	sdelay $0x5  }
0x2fd: {  	[tilespmem:s24+$0x1D840] =	vst v0;
	v0 =	vld [tilespmem:s24+$0x1B860]  }
0x2fe: {  	v1 =	vld.idx.msk [tilespmem:v1+s4+$0x0], $0xffff;
	_ =	sdelay $0x5  }
0x2ff: {  	[tilespmem:s24+$0x1D850] =	vst v1;
	v1 =	vld [tilespmem:s24+$0x1B870]  }
0x300: {  	v0 =	vld.idx.msk [tilespmem:v0+s4+$0x0], $0xffff;
	_ =	sdelay $0x5  }
0x301: {  	[tilespmem:s24+$0x1D860] =	vst v0;
	v0 =	vld [tilespmem:s24+$0x1B880]  }
0x302: {  	v1 =	vld.idx.msk [tilespmem:v1+s4+$0x0], $0xffff;
	_ =	sdelay $0x5  }
0x303: {  	[tilespmem:s24+$0x1D870] =	vst v1;
	v1 =	vld [tilespmem:s24+$0x1B890]  }
0x304: {  	v0 =	vld.idx.msk [tilespmem:v0+s4+$0x0], $0xffff;
	_ =	sdelay $0x5  }
0x305: {  	[tilespmem:s24+$0x1D880] =	vst v0;
	v0 =	vld [tilespmem:s24+$0x1B8A0]  }
0x306: {  	v1 =	vld.idx.msk [tilespmem:v1+s4+$0x0], $0xffff;
	_ =	sdelay $0x5  }
0x307: {  	[tilespmem:s24+$0x1D890] =	vst v1;
	v1 =	vld [tilespmem:s24+$0x1B8B0]  }
0x308: {  	v0 =	vld.idx.msk [tilespmem:v0+s4+$0x0], $0xffff;
	_ =	sdelay $0x5  }
0x309: {  	[tilespmem:s24+$0x1D8A0] =	vst v0;
	v0 =	vld [tilespmem:s24+$0x1B8C0]  }
0x30a: {  	v1 =	vld.idx.msk [tilespmem:v1+s4+$0x0], $0xffff;
	_ =	sdelay $0x5  }
0x30b: {  	[tilespmem:s24+$0x1D8B0] =	vst v1;
	v1 =	vld [tilespmem:s24+$0x1B8D0]  }
0x30c: {  	v0 =	vld.idx.msk [tilespmem:v0+s4+$0x0], $0xffff;
	_ =	sdelay $0x5  }
0x30d: {  	[tilespmem:s24+$0x1D8C0] =	vst v0;
	v2 =	vld [tilespmem:s24+$0x1B8E0]  }
0x30e: {  	v0 =	vld.idx.msk [tilespmem:v1+s4+$0x0], $0xffff;
	_ =	sdelay $0x5  }
0x30f: {  	[tilespmem:s24+$0x1D8D0] =	vst v0;
	v0 =	vld [tilespmem:s24+$0x1B8F0]  }
0x310: {  	v1 =	vld.idx.msk [tilespmem:v2+s4+$0x0], $0xffff  }
.Ltmp3:
0x311: {  	(pc) =	sbr.rel @p0 .LBB2_9-.Ltmp3, $2  }
0x312: {  	_ =	sdelay $0x2  }
0x313: {  	s26 =	sshra.s32 s25, $0x2;
	s25 =	sadd.s32 $0x800, s25  }
0x314: {  	_ =	sdelay $0x1  }
0x315: {  	v2 =	vld [tilespmem:s26+$0x1B700]  }
0x316: {  	[tilespmem:s24+$0x1D8E0] =	vst v1  }
0x317: {  	v0 =	vld.idx.msk [tilespmem:v0+s4+$0x0], $0xffff;
	_ =	sdelay $0x3  }
0x318: {  	v1 =	vld [tilespmem:s26+$0x1B710]  }
0x319: {  	[tilespmem:s24+$0x1D8F0] =	vst v0  }
0x31a: {  	v0 =	vld.idx.msk [tilespmem:v2+s4+$0x0], $0xffff;
	_ =	sdelay $0x3  }
0x31b: {  	v34 =	vld [tilespmem:s26+$0x1B720]  }
0x31c: {  	[tilespmem:s26+$0x1D700] =	vst v0  }
0x31d: {  	v1 =	vld.idx.msk [tilespmem:v1+s4+$0x0], $0xffff;
	_ =	sdelay $0x3  }
0x31e: {  	v35 =	vld [tilespmem:s26+$0x1B730]  }
0x31f: {  	[tilespmem:s26+$0x1D710] =	vst v1  }
0x320: {  	v0 =	vld.idx.msk [tilespmem:v34+s4+$0x0], $0xffff;
	_ =	sdelay $0x3  }
0x321: {  	v36 =	vld [tilespmem:s26+$0x1B740]  }
0x322: {  	[tilespmem:s26+$0x1D720] =	vst v0  }
0x323: {  	v1 =	vld.idx.msk [tilespmem:v35+s4+$0x0], $0xffff;
	_ =	sdelay $0x3  }
0x324: {  	v37 =	vld [tilespmem:s26+$0x1B750]  }
0x325: {  	[tilespmem:s26+$0x1D730] =	vst v1  }
0x326: {  	v0 =	vld.idx.msk [tilespmem:v36+s4+$0x0], $0xffff;
	_ =	sdelay $0x3  }
0x327: {  	v38 =	vld [tilespmem:s26+$0x1B760]  }
0x328: {  	[tilespmem:s26+$0x1D740] =	vst v0  }
0x329: {  	v1 =	vld.idx.msk [tilespmem:v37+s4+$0x0], $0xffff;
	_ =	sdelay $0x3  }
0x32a: {  	v39 =	vld [tilespmem:s26+$0x1B770]  }
0x32b: {  	[tilespmem:s26+$0x1D750] =	vst v1  }
0x32c: {  	v0 =	vld.idx.msk [tilespmem:v38+s4+$0x0], $0xffff;
	_ =	sdelay $0x3  }
0x32d: {  	v40 =	vld [tilespmem:s26+$0x1B780]  }
0x32e: {  	[tilespmem:s26+$0x1D760] =	vst v0  }
0x32f: {  	v1 =	vld.idx.msk [tilespmem:v39+s4+$0x0], $0xffff;
	_ =	sdelay $0x3  }
0x330: {  	v41 =	vld [tilespmem:s26+$0x1B790]  }
0x331: {  	[tilespmem:s26+$0x1D770] =	vst v1  }
0x332: {  	v0 =	vld.idx.msk [tilespmem:v40+s4+$0x0], $0xffff;
	_ =	sdelay $0x3  }
0x333: {  	v42 =	vld [tilespmem:s26+$0x1B7A0]  }
0x334: {  	[tilespmem:s26+$0x1D780] =	vst v0  }
0x335: {  	v1 =	vld.idx.msk [tilespmem:v41+s4+$0x0], $0xffff;
	_ =	sdelay $0x3  }
0x336: {  	v43 =	vld [tilespmem:s26+$0x1B7B0]  }
0x337: {  	[tilespmem:s26+$0x1D790] =	vst v1  }
0x338: {  	v0 =	vld.idx.msk [tilespmem:v42+s4+$0x0], $0xffff;
	_ =	sdelay $0x3  }
0x339: {  	v44 =	vld [tilespmem:s26+$0x1B7C0]  }
0x33a: {  	[tilespmem:s26+$0x1D7A0] =	vst v0  }
0x33b: {  	v1 =	vld.idx.msk [tilespmem:v43+s4+$0x0], $0xffff;
	_ =	sdelay $0x3  }
0x33c: {  	v45 =	vld [tilespmem:s26+$0x1B7D0]  }
0x33d: {  	[tilespmem:s26+$0x1D7B0] =	vst v1  }
0x33e: {  	v0 =	vld.idx.msk [tilespmem:v44+s4+$0x0], $0xffff;
	_ =	sdelay $0x3  }
0x33f: {  	v46 =	vld [tilespmem:s26+$0x1B7E0]  }
0x340: {  	[tilespmem:s26+$0x1D7C0] =	vst v0  }
0x341: {  	v1 =	vld.idx.msk [tilespmem:v45+s4+$0x0], $0xffff;
	_ =	sdelay $0x3  }
0x342: {  	v47 =	vld [tilespmem:s26+$0x1B7F0]  }
0x343: {  	[tilespmem:s26+$0x1D7D0] =	vst v1  }
0x344: {  	v0 =	vld.idx.msk [tilespmem:v46+s4+$0x0], $0xffff;
	_ =	sdelay $0x3  }
0x345: {  	v48 =	vld [tilespmem:s26+$0x1B800]  }
0x346: {  	[tilespmem:s26+$0x1D7E0] =	vst v0  }
0x347: {  	v1 =	vld.idx.msk [tilespmem:v47+s4+$0x0], $0xffff;
	_ =	sdelay $0x3  }
0x348: {  	v49 =	vld [tilespmem:s26+$0x1B810]  }
0x349: {  	[tilespmem:s26+$0x1D7F0] =	vst v1  }
0x34a: {  	v0 =	vld.idx.msk [tilespmem:v48+s4+$0x0], $0xffff;
	_ =	sdelay $0x3  }
0x34b: {  	v50 =	vld [tilespmem:s26+$0x1B820]  }
0x34c: {  	[tilespmem:s26+$0x1D800] =	vst v0  }
0x34d: {  	v1 =	vld.idx.msk [tilespmem:v49+s4+$0x0], $0xffff;
	_ =	sdelay $0x3  }
0x34e: {  	v51 =	vld [tilespmem:s26+$0x1B830]  }
0x34f: {  	[tilespmem:s26+$0x1D810] =	vst v1  }
0x350: {  	v0 =	vld.idx.msk [tilespmem:v50+s4+$0x0], $0xffff;
	_ =	sdelay $0x3  }
0x351: {  	v52 =	vld [tilespmem:s26+$0x1B840]  }
0x352: {  	[tilespmem:s26+$0x1D820] =	vst v0  }
0x353: {  	v1 =	vld.idx.msk [tilespmem:v51+s4+$0x0], $0xffff;
	_ =	sdelay $0x3  }
0x354: {  	v53 =	vld [tilespmem:s26+$0x1B850]  }
0x355: {  	[tilespmem:s26+$0x1D830] =	vst v1  }
0x356: {  	v0 =	vld.idx.msk [tilespmem:v52+s4+$0x0], $0xffff;
	_ =	sdelay $0x3  }
0x357: {  	v54 =	vld [tilespmem:s26+$0x1B860]  }
0x358: {  	[tilespmem:s26+$0x1D840] =	vst v0  }
0x359: {  	v1 =	vld.idx.msk [tilespmem:v53+s4+$0x0], $0xffff;
	_ =	sdelay $0x3  }
0x35a: {  	v55 =	vld [tilespmem:s26+$0x1B870]  }
0x35b: {  	[tilespmem:s26+$0x1D850] =	vst v1  }
0x35c: {  	v0 =	vld.idx.msk [tilespmem:v54+s4+$0x0], $0xffff;
	_ =	sdelay $0x3  }
0x35d: {  	v56 =	vld [tilespmem:s26+$0x1B880]  }
0x35e: {  	[tilespmem:s26+$0x1D860] =	vst v0  }
0x35f: {  	v1 =	vld.idx.msk [tilespmem:v55+s4+$0x0], $0xffff;
	_ =	sdelay $0x3  }
0x360: {  	v57 =	vld [tilespmem:s26+$0x1B890]  }
0x361: {  	[tilespmem:s26+$0x1D870] =	vst v1  }
0x362: {  	v0 =	vld.idx.msk [tilespmem:v56+s4+$0x0], $0xffff;
	_ =	sdelay $0x3  }
0x363: {  	v58 =	vld [tilespmem:s26+$0x1B8A0]  }
0x364: {  	[tilespmem:s26+$0x1D880] =	vst v0  }
0x365: {  	v1 =	vld.idx.msk [tilespmem:v57+s4+$0x0], $0xffff;
	_ =	sdelay $0x3  }
0x366: {  	v59 =	vld [tilespmem:s26+$0x1B8B0]  }
0x367: {  	[tilespmem:s26+$0x1D890] =	vst v1  }
0x368: {  	v0 =	vld.idx.msk [tilespmem:v58+s4+$0x0], $0xffff;
	_ =	sdelay $0x3  }
0x369: {  	v60 =	vld [tilespmem:s26+$0x1B8C0]  }
0x36a: {  	[tilespmem:s26+$0x1D8A0] =	vst v0  }
0x36b: {  	v1 =	vld.idx.msk [tilespmem:v59+s4+$0x0], $0xffff;
	_ =	sdelay $0x3  }
0x36c: {  	v61 =	vld [tilespmem:s26+$0x1B8D0]  }
0x36d: {  	[tilespmem:s26+$0x1D8B0] =	vst v1  }
0x36e: {  	v0 =	vld.idx.msk [tilespmem:v60+s4+$0x0], $0xffff;
	_ =	sdelay $0x3  }
0x36f: {  	v62 =	vld [tilespmem:s26+$0x1B8E0]  }
0x370: {  	[tilespmem:s26+$0x1D8C0] =	vst v0  }
0x371: {  	v1 =	vld.idx.msk [tilespmem:v61+s4+$0x0], $0xffff;
	_ =	sdelay $0x3  }
0x372: {  	v63 =	vld [tilespmem:s26+$0x1B8F0]  }
0x373: {  	[tilespmem:s26+$0x1D8D0] =	vst v1  }
0x374: {  	v0 =	vld.idx.msk [tilespmem:v62+s4+$0x0], $0xffff;
	_ =	sdelay $0x4  }
0x375: {  	[tilespmem:s26+$0x1D8E0] =	vst v0  }
0x376: {  	s22 =	sadd.s32 $0x1, s22;
	v0 =	vld.idx.msk [tilespmem:v63+s4+$0x0], $0xffff  }
0x377: {  	p0 =	sne.s32 s22, $0x34  }
.Ltmp4:
0x378: {  	_ = 	snop;
	(pc) =	sbr.rel @p0 .LBB2_2-.Ltmp4, $3  }
0x379: {  	_ =	sdelay $0x1  }
0x37a: {  	s23 =	sadd.s32 s23, s10;
	[tilespmem:s26+$0x1D8F0] =	vst v0  }
0x37b: {  	[hbm4b:s23+s12] =	stream.strided.scatter [tilespmem:s18], [sflag:$0x2], $0x1000, s13, s12, $0x38;
	[tilespmem:$0x1E700] =	vst v63  }
0x37c: {  	s21 =	sadd.s32 $0x1, s21  }
0x37d: {  	_ =	swait.ge [sflag:s19], $0x1000;
	p0 =	sne.s32 s21, s11  }
.Ltmp5:
0x37e: {  	[sflag:s19] =	ssyncset.done $0x0;
	(pc) =	sbr.rel @p0 .LBB2_1-.Ltmp5, $4  }
0x37f: {  	[sflag:s19] =	ssyncadd.s32 $0xFFFFF000  }
0x380: {  	_ =	swait.ge [sflag:s20], $0x1000  }
0x381: {  	[sflag:s20] =	ssyncset.done $0x0  }
0x382: {  	[sflag:s20] =	ssyncadd.s32 $0xFFFFF000  }
0x383: {  	_ =	sfence.sel $0x180000  }
0x384: {  	[bflag:$0x0] =	sbarrier.arrive $0xFFFF  }
0x385: {  	p0 =	sne.s32 s3, $0x0;
	_ =	strace $0x90000047  }
0x386: {  	s0 =	sadd.s32 @!p0 $0x100000, s0;
	[bflag:$0x2] =	sbarrier.arrive $0xFFFF  }
0x387: {  	[sflag:s0] =	ssyncadd.tile.s32 @!p0 $0x1;
	_ =	shalt  }
.Lfunc_end2:
_tile_overlayer_lowered:
.L_overlay_start_2:
0x388: {  	(tag) =	ssettag $0x2  }
0x389: {  	s0 =	rddreg [dreg:$0x0];
	s2 =	stileid.u32  }
0x38a: {  	s1 =	rddreg [dreg:$0x1];
	p0 =	sne.s32 s2, $0x0  }
0x38b: {  	s3 =	rddreg [dreg:$0x2];
	[bflag:$0x3] =	sbarrier.arrive $0xFFFF;
	s2 =	simm.s32 @!p0 $0x1C03  }
0x38c: {  	[timem:s3], [sflag:s2] =	dma.local @!p0 [hbm:s0], s1  }
0x38d: {  	s0 =	simm.s32 @!p0 $0x3  }
0x38e: {  	_ =	swait.ge @!p0 [sflag:s0], s1  }
0x38f: {  	s1 =	ssub.s32 @!p0 $0x0, s1;
	[sflag:s0] =	ssyncset.done @!p0 $0x0  }
0x390: {  	[sflag:s0] =	ssyncadd.s32 @!p0 s1  }
0x391: {  	[bflag:$0x3] =	sbarrier.arrive $0xFFFF  }
0x392: {  	_ =	shalt  }

// kernel: sparse-core-data-format-call.cloned.1.call-start
scs
called_computation_lowered:
.L_overlay_start_0:
0x0: {  	s2 =	sld [smem:$0x3FD9]  }
0x1: {  	s3 =	sld [smem:$0x3FFE];
	_ =	sdelay $0x1  }
0x2: {  	s1 =	srdreg.scid  }
0x3: {  	s0 =	sand.u32 $0x1, s1  }
0x4: {  	s18 =	sshll.u32 s0, $0xA;
	s2 =	sadd.s32 s3, s2  }
0x5: {  	s2 =	sadd.s32 s2, s18  }
0x6: {  	[smem:$0x3FC6] =	sst s2  }
0x7: {  	_ = 	snop  }
0x8: {  	s2 =	sld [smem:$0x3FD0];
	(tm) =	ssettm $0x1  }
0x9: {  	s19 =	sld [smem:$0x3FFB];
	_ =	sdelay $0x3  }
0xa: {  	_ =	strace s19  }
0xb: {  	s3 =	sld [smem:$0x3FFC];
	_ =	sdelay $0x3  }
0xc: {  	_ =	strace s3  }
0xd: {  	s3 =	sld [smem:$0x3FFD];
	_ =	sdelay $0x3  }
0xe: {  	_ =	strace s3  }
0xf: {  	_ =	strace $0x8FFFFFFF  }
0x10: {  	s20 =	sld [smem:$0x3FDB];
	_ =	sdelay $0x1  }
0x11: {  	s4 =	simm.s32 $_scs_section_size  }
0x12: {  	s5 =	simm.s32 $_size__tile_overlayer_lowered;
	s6 =	simm.s32 $_tile_overlayer_lowered  }
0x13: {  	s23 =	simm.s32 $0x1BFF;
	s22 =	sshll.u32 s6, $0x1;
	s3 =	sadd.s32 s4, s20  }
0x14: {  	s7 =	simm.s32 $0x0;
	s21 =	sshll.u32 s5, $0x1;
	s5 =	sadd.s32 s22, s3  }
0x15: {  	[timem:s7], [sflag:s23] =	dma.local [hbm:s5], s21  }
0x16: {  	_ =	swait.ge [sflag:s23], s21  }
0x17: {  	s4 =	ssub.s32 $0x0, s21;
	[sflag:s23] =	ssyncset.done $0x0  }
0x18: {  	[sflag:s23] =	ssyncadd.s32 s4;
	_ =	sdelay $0x1  }
0x19: {  	s24 =	simm.s32 $0x1B8B  }
0x1a: {  	_ =	swait.ge [sflag:s24], $0x1  }
0x1b: {  	[sflag:s24] =	ssyncset.done $0x0  }
0x1c: {  	s26 =	simm.s32 $0x1B8E;
	s25 =	sld [smem:$0x3FFE];
	[sflag:s24] =	ssyncadd.s32 $0xFFFFFFFF  }
0x1d: {  	s27 =	simm.s32 $execute0_lowered;
	[smem:$0x3FD2] =	sst s26  }
0x1e: {  	s5 =	sshll.u32 s27, $0x1;
	_ =	strace $0x80000049;
	[dreg:$0x1] =	wrdreg $0xFFFFFFFF  }
0x1f: {  	s28 =	simm.s32 $_size_execute0_lowered;
	s3 =	sadd.s32 s3, s5;
	[dreg:$0x0] =	wrdreg $0x0  }
0x20: {  	s5 =	sshll.u32 s28, $0x1;
	[dreg:$0x2] =	wrdreg s3  }
0x21: {  	[dreg:$0x3] =	wrdreg s5  }
0x22: {  	[dreg:$0x4] =	wrdreg $0xC0  }
0x23: {  	_ =	task [dreg:s7], $0x5FFFF  }
0x24: {  	[dreg:$0x1] =	wrdreg $0xFFFFFFFF  }
0x25: {  	[dreg:$0x0] =	wrdreg $0x60  }
0x26: {  	[dreg:$0x2] =	wrdreg s25  }
0x27: {  	[dreg:$0x3] =	wrdreg s2  }
0x28: {  	[dreg:$0x4] =	wrdreg $0x9  }
0x29: {  	_ =	task.clear_ibuf [dreg:s7], $0x5FFFF;
	_ =	strace $0x90000049  }
0x2a: {  	s29 =	simm.s32 $0x9;
	_ =	strace $0x8000004B  }
0x2b: {  	_ =	swait.ge [sflag:s29], $0x1  }
0x2c: {  	[sflag:s29] =	ssyncadd.s32 $0xFFFFFFFF  }
0x2d: {  	_ =	strace $0x9000004B  }
0x2e: {  	_ =	sfence  }
0x2f: {  	s30 =	sld [smem:$0x0];
	_ =	sdelay $0x2  }
0x30: {  	s31 =	sshll.u32 s1, $0xD;
	s1 =	sshrl.u32 s1, $0x2  }
0x31: {  	s3 =	sand.u32 $0x4000, s31;
	s1 =	sadd.s32 s1, s30  }
0x32: {  	s0 =	sor.u32 s3, s0;
	s1 =	sshll.u32 s1, $0x11  }
0x33: {  	s0 =	sor.u32 s1, s0  }
0x34: {  	s0 =	sadd.s32 $0x8F2B, s0  }
0x35: {  	[sflag:s0] =	ssyncadd.remote.s32 $0x1  }
0x36: {  	_ =	sfence.sel $0xFFFF  }
0x37: {  	[dreg:$0x0] =	wrdreg $0xFFFFFFFF;
	(pc) =	sbr.abs _section_cstart, $3  }
0x38: {  	[dreg:$0x1] =	wrdreg $0xFFFFFFFF  }
0x39: {  	_ =	task.clear_ibuf [dreg:s7], $0x2FFFF;
	_ =	strace $0x9FFFFFFF  }
0x3a: {  	(tm) =	ssettm $0x7FFFFFFF  }
0x3b: {  	_ =	shalt  }
tec
execute0_lowered:
.L_overlay_start_1:
0x0: {  	(tag) =	ssettag $0x1  }
0x1: {  	s0 =	srdreg.scid  }
0x2: {  	s1 =	sshll.u32 s0, $0x4  }
0x3: {  	s0 =	stileid.u32;
	s1 =	sand.u32 $0x10, s1  }
0x4: {  	s1 =	sor.u32 s0, s1  }
0x5: {  	s6 =	rddreg [dreg:$0x0];
	s4 =	simm.s32 $0x1;
	s2 =	sshll.u32 s1, $0x7  }
0x6: {  	s7 =	simm.s32 $0x2;
	s13 =	simm.s32 $0x0;
	s1 =	ssub.s32 $0x4000, s2  }
0x7: {  	s8 =	simm.s32 $0x3400;
	s12 =	simm.s32 $0x0;
	s3 =	sand.u32 $0xF80, s1  }
0x8: {  	s10 =	simm.s32 $0x0;
	s5 =	sshrl.u32 s1, $0xC;
	p0 =	sne.s32 s3, $0x0  }
.Ltmp0:
0x9: {  	s1 =	rddreg [dreg:$0x2];
	s4 =	simm.s32 @!p0 $0x0;
	(pc) =	sbr.rel .LBB1_1-.Ltmp0, $4  }
0xa: {  	s11 =	simm.s32 $0x0;
	s3 =	rddreg [dreg:$0x1];
	s5 =	sadd.s32 s4, s5  }
0xb: {  	_ =	strace $0x8000004A;
	s4 =	simm.s32 $0x1;
	s5 =	smul.u32 $0xD, s5  }
0xc: {  	s6 =	sadd.s32 $0x800, s6;
	s9 =	smov.u32 s2;
	[sflag:s4] =	ssyncpa.u1 $0x0  }
0xd: {  	p0 =	por $0x0, $0x0;
	[sflag:s7] =	ssyncpa.u1 $0x0;
	s7 =	sadd.s32 $0x1, s5  }
.LBB1_4:
0xe: {  	s19 =	sshrl.u32 s13, $0x3  }
0xf: {  	s20 =	sshll.u32 s12, $0x3;
	s19 =	smul.u32 $0x3400, s19  }
0x10: {  	s29 =	sshll.u32 s13, $0x7;
	s20 =	sand.u32 $0xFFFFFC00, s20  }
0x11: {  	v5 =	vld [tilespmem:s17+$0xFFFFFFD0];
	[tilespmem:s16+$0x2040 ss:$0x81] =	vst.msk $0xffff, v4;
	s13 =	sand.u32 $0x380, s29;
	s19 =	sadd.s32 s20, s19  }
0x12: {  	v58 =	vld [tilespmem:s17+$0xFFFFFFE0];
	[tilespmem:s16+$0x2850 ss:$0x81] =	vst.msk $0xffff, v3;
	s30 =	sand.u32 $0x7F, s12;
	s13 =	sor.u32 s13, s19  }
0x13: {  	s18 =	sshra.s32 s18, $0x2;
	v59 =	vld [tilespmem:s17+$0xFFFFFFF0];
	[tilespmem:s16+$0x3060 ss:$0x81] =	vst.msk $0xffff, v2;
	s12 =	sor.u32 s30, s13  }
0x14: {  	v60 =	vld [tilespmem:s17+$0x0];
	[tilespmem:s16+$0x0 ss:$0x81] =	vst.msk $0xffff, v0;
	s15 =	sadd.s32 s18, s15;
	s31 =	smulhi.u32 $0x4EC4EC4F, s12  }
0x15: {  	v61 =	vld [tilespmem:s17+$0x10];
	[tilespmem:s15+$0x3870 ss:$0x81] =	vst.msk $0xffff, v1  }
0x16: {  	v62 =	vld [tilespmem:s17+$0x20];
	[tilespmem:s15+$0x810 ss:$0x81] =	vst.msk $0xffff, v5;
	s13 =	smulhi.u32 $0x4EC4EC4F, s13;
	s16 =	sshrl.u32 s31, $0x9  }
0x17: {  	v63 =	vld [tilespmem:s17+$0xFFFFFFC0];
	[tilespmem:s15+$0x1020 ss:$0x81] =	vst.msk $0xffff, v58;
	s16 =	smul.u32 $0x680, s16  }
0x18: {  	[tilespmem:s15+$0x1830 ss:$0x81] =	vst.msk $0xffff, v59;
	s13 =	sshrl.u32 s13, $0x9  }
0x19: {  	[tilespmem:s15+$0x2040 ss:$0x81] =	vst.msk $0xffff, v60;
	s13 =	sand.u32 $0x3FFF, s13;
	s12 =	ssub.s32 s12, s16  }
0x1a: {  	[tilespmem:s15+$0x2850 ss:$0x81] =	vst.msk $0xffff, v61;
	s13 =	smul.u32 $0xD0, s13;
	s16 =	sshrl.u32 s12, $0x3;
	s12 =	sand.u32 $0x7, s12  }
0x1b: {  	[tilespmem:s15+$0x3060 ss:$0x81] =	vst.msk $0xffff, v62;
	s16 =	sadd.s32 s3, s16;
	s12 =	sshll.u32 s12, $0x12  }
0x1c: {  	[tilespmem:s15+$0x0 ss:$0x81] =	vst.msk $0xffff, v63;
	s13 =	sadd.s32 s13, s16;
	s12 =	sor.u32 $0x400, s12  }
0x1d: {  	[hbm4b:s13+s12] =	stream.strided.scatter [tilespmem:s14], [sflag:$0x2], $0x4000, s8, s12, $0x20;
	[tilespmem:$0x10100] =	vst v63  }
.LBB1_5:
0x1e: {  	s14 =	sadd.s32 $0x1000, s9  }
0x1f: {  	s12 =	sadd.s32 $0x80, s10;
	s16 =	smov.u32 s10;
	p2 =	sgt.s32 s14, $0x3FFF  }
0x20: {  	s16 =	smov.u32 @p2 s12  }
0x21: {  	s14 =	smov.u32 @p2 s2;
	p2 =	sgt.s32 s16, $0x67F  }
0x22: {  	s16 =	simm.s32 @p2 $0x0;
	p2 =	sne.s32 s11, s7  }
.Ltmp1:
0x23: {  	p1 =	slt.u32 s11, $0x2;
	(pc) =	sbr.rel @!p2 .LBB1_6-.Ltmp1, $4  }
0x24: {  	s15 =	simm.s32 @!p1 $0x2  }
0x25: {  	s13 =	smov.u32 s9;
	p0 =	por !p0, !p0;
	_ =	swait.ge @!p1 [sflag:s15], $0x4000  }
0x26: {  	s12 =	smov.u32 s10;
	[sflag:s15] =	ssyncset.done @!p1 $0x0;
	s9 =	smov.u32 s14  }
0x27: {  	s11 =	sadd.s32 $0x1, s11;
	[sflag:s15] =	ssyncadd.s32 @!p1 $0xFFFFC000;
	s10 =	smov.u32 s16  }
.LBB1_1:
0x28: {  	p1 =	sge.u32 s11, s5  }
0x29: {  	s14 =	sshll.u32 @!p1 s10, $0xE  }
0x2a: {  	s15 =	sshll.u32 @!p1 s9, $0x3;
	s14 =	sand.u32 @!p1 $0xFFFE0000, s14  }
0x2b: {  	s14 =	sadd.s32 @!p1 s14, s15  }
0x2c: {  	s16 =	sshll.u32 @!p1 s10, $0x7;
	s14 =	sshrl.u32 @!p1 s14, $0xE  }
0x2d: {  	s17 =	sand.u32 @!p1 $0x78, s9;
	s16 =	sand.u32 @!p1 $0x380, s16;
	s18 =	smulhi.u32 @!p1 $0x276277, s14  }
0x2e: {  	s31 =	sadd.s32 $0xFFFFFFFF, s11;
	s16 =	sor.u32 @!p1 s16, s17  }
0x2f: {  	s17 =	sxor.u32 @!p1 $0xFFFFFFFF, s11;
	s15 =	sand.u32 @!p1 $0x3C00, s15;
	s18 =	smul.u32 @!p1 $0x680, s18  }
0x30: {  	s17 =	sshll.u32 @!p1 s17, $0xE;
	s15 =	sor.u32 @!p1 s15, s16;
	s16 =	sand.u32 @!p1 $0x7, s9  }
0x31: {  	s17 =	sand.u32 @!p1 $0x4000, s17;
	s15 =	sshrl.u32 @!p1 s15, $0x3;
	s14 =	ssub.s32 @!p1 s14, s18  }
0x32: {  	s16 =	sshll.u32 @!p1 s16, $0x12;
	s15 =	sadd.s32 @!p1 s6, s15;
	s14 =	sshll.u32 @!p1 s14, $0xB  }
0x33: {  	s14 =	sadd.s32 @!p1 s14, s15;
	s15 =	sor.u32 @!p1 $0x400, s16;
	s16 =	simm.s32 @!p1 $0x20000  }
0x34: {  	[tilespmem:s17], [sflag:$0x1] =	stream.strided.gather @!p1 [hbm4b:s14+s15], $0x4000, s16, s15, $0x38;
	[tilespmem:$0x10100] =	vst v63  }
0x35: {  	p1 =	sge.u32 s31, s5  }
.Ltmp2:
0x36: {  	_ = 	snop;
	(pc) =	sbr.rel @p1 .LBB1_5-.Ltmp2, $1  }
0x37: {  	_ =	sdelay $0x3  }
0x38: {  	s14 =	simm.s32 $0x1  }
0x39: {  	_ =	swait.ge [sflag:s4], $0x4000;
	s14 =	simm.s32 @!p0 $0x0  }
0x3a: {  	[sflag:s4] =	ssyncset.done $0x0;
	s15 =	sshll.u32 s14, $0xE  }
0x3b: {  	[sflag:s4] =	ssyncadd.s32 $0xFFFFC000;
	s17 =	sor.u32 $0x40, s15  }
0x3c: {  	s14 =	smul.u32 $0x10200, s14;
	v0 =	vld [tilespmem:s17+$0x30]  }
0x3d: {  	v1 =	vld [tilespmem:s17+$0xFFFFFFD0]  }
0x3e: {  	s14 =	sshrl.u32 s14, $0x2;
	v5 =	vld [tilespmem:s17+$0xFFFFFFE0]  }
0x3f: {  	v6 =	vld [tilespmem:s17+$0xFFFFFFF0];
	s15 =	sor.u32 $0x8000, s14  }
0x40: {  	s31 =	sand.u32 $0x1, s11;
	v4 =	vld [tilespmem:s17+$0x0];
	s16 =	sadd.s32 $0x0, s15  }
0x41: {  	v3 =	vld [tilespmem:s17+$0x10];
	s14 =	smul.u32 $0x10200, s31;
	[tilespmem:s16+$0x3870 ss:$0x81] =	vst.msk $0xffff, v0  }
0x42: {  	v2 =	vld [tilespmem:s17+$0x20];
	[tilespmem:s16+$0x810 ss:$0x81] =	vst.msk $0xffff, v1  }
0x43: {  	s14 =	sshrl.u32 s14, $0x2;
	v0 =	vld [tilespmem:s17+$0xFFFFFFC0];
	[tilespmem:s16+$0x1020 ss:$0x81] =	vst.msk $0xffff, v5;
	s17 =	sadd.s32 $0x80, s17  }
0x44: {  	s18 =	simm.s32 $0x4;
	s19 =	simm.s32 $0x8;
	s14 =	sor.u32 $0x8000, s14;
	[tilespmem:s16+$0x1830 ss:$0x81] =	vst.msk $0xffff, v6;
	v1 =	vld [tilespmem:s17+$0x30]  }
.LBB1_3:
0x45: {  	p1 =	sne.s32 s19, $0x1FC;
	v5 =	vld [tilespmem:s17+$0xFFFFFFD0];
	[tilespmem:s16+$0x2040 ss:$0x81] =	vst.msk $0xffff, v4  }
0x46: {  	v6 =	vld [tilespmem:s17+$0xFFFFFFE0];
	[tilespmem:s16+$0x2850 ss:$0x81] =	vst.msk $0xffff, v3  }
0x47: {  	s20 =	sshra.s32 s18, $0x2;
	s18 =	smov.u32 s19;
	v7 =	vld [tilespmem:s17+$0xFFFFFFF0];
	[tilespmem:s16+$0x3060 ss:$0x81] =	vst.msk $0xffff, v2  }
.Ltmp3:
0x48: {  	v4 =	vld [tilespmem:s17+$0x0];
	[tilespmem:s16+$0x0 ss:$0x81] =	vst.msk $0xffff, v0;
	s16 =	sadd.s32 s20, s15;
	(pc) =	sbr.rel @p1 .LBB1_3-.Ltmp3, $4  }
0x49: {  	v3 =	vld [tilespmem:s17+$0x10];
	[tilespmem:s16+$0x3870 ss:$0x81] =	vst.msk $0xffff, v1  }
0x4a: {  	[tilespmem:s16+$0x810 ss:$0x81] =	vst.msk $0xffff, v5;
	v2 =	vld [tilespmem:s17+$0x20]  }
0x4b: {  	v0 =	vld [tilespmem:s17+$0xFFFFFFC0];
	[tilespmem:s16+$0x1020 ss:$0x81] =	vst.msk $0xffff, v6;
	s17 =	sadd.s32 $0x80, s17  }
0x4c: {  	s19 =	sadd.s32 $0x4, s19;
	v1 =	vld [tilespmem:s17+$0x30];
	[tilespmem:s16+$0x1830 ss:$0x81] =	vst.msk $0xffff, v7  }
.Ltmp4:
0x4d: {  	_ = 	snop;
	(pc) =	sbr.rel .LBB1_4-.Ltmp4, $1  }
0x4e: {  	_ =	sdelay $0x3  }
.LBB1_6:
0x4f: {  	_ =	sfence.sel $0x180000  }
0x50: {  	s2 =	simm.s32 $0x1;
	[bflag:$0x0] =	sbarrier.arrive $0xFFFF  }
0x51: {  	s31 =	simm.s32 $0x2;
	[sflag:s2] =	ssyncpa.u1 $0x1  }
0x52: {  	[sflag:s31] =	ssyncpa.u1 $0x1  }
0x53: {  	p0 =	sne.s32 s0, $0x0;
	_ =	strace $0x9000004A  }
0x54: {  	s0 =	sadd.s32 @!p0 $0x100000, s1;
	[bflag:$0x2] =	sbarrier.arrive $0xFFFF  }
0x55: {  	[sflag:s0] =	ssyncadd.tile.s32 @!p0 $0x1;
	_ =	shalt  }
.Lfunc_end1:
_tile_overlayer_lowered:
.L_overlay_start_2:
0x56: {  	(tag) =	ssettag $0x2  }
0x57: {  	s0 =	rddreg [dreg:$0x0];
	s2 =	stileid.u32  }
0x58: {  	s1 =	rddreg [dreg:$0x1];
	p0 =	sne.s32 s2, $0x0  }
0x59: {  	s3 =	rddreg [dreg:$0x2];
	[bflag:$0x3] =	sbarrier.arrive $0xFFFF;
	s2 =	simm.s32 @!p0 $0x1C01  }
0x5a: {  	[timem:s3], [sflag:s2] =	dma.local @!p0 [hbm:s0], s1  }
0x5b: {  	s0 =	simm.s32 @!p0 $0x1  }
0x5c: {  	_ =	swait.ge @!p0 [sflag:s0], s1  }
0x5d: {  	s1 =	ssub.s32 @!p0 $0x0, s1;
	[sflag:s0] =	ssyncset.done @!p0 $0x0  }
0x5e: {  	[sflag:s0] =	ssyncadd.s32 @!p0 s1  }
0x5f: {  	[bflag:$0x3] =	sbarrier.arrive $0xFFFF  }
0x60: {  	_ =	shalt  }

</sc_bundles>
